<compile_context>
chip_gen: v7x
topology: tpu7x:2x2x1
jax: 0.10.2.dev20260603
libtpu: 0.0.44.dev20260713+nightly
codegen_flags: <defaults>
</compile_context>

<pallas_src>
import functools

import numpy as np
import jax
import jax.numpy as jnp
from jax import lax
from jax.experimental import pallas as pl
from jax.experimental.pallas import tpu as pltpu
from jax.experimental.pallas import tpu_sc as plsc

SWAPS = 3
TOTAL = 32768
D = 256

_R1 = np.array([
    [1488030591, 1439099953, 609311445, 260233583, 2118697808, 1156803210,
     1035656343, 1252340714, 2040732033, 1654184288, 625733951, 2086750115,
     1874956968, 2107435338, 909013543, 1372756728],
    [814496280, 34270915, 956997115, 1298601280, 1768113150, 362021218,
     1361115147, 1056098339, 573036096, 962978325, 809066367, 1194074332,
     995758540, 606323265, 1851992991, 1661132541],
    [598165367, 1415523960, 1457916550, 1099422680, 1929759519, 1650016823,
     572115305, 331872980, 355992025, 1585257322, 2054227298, 1414753250,
     442513397, 1800052159, 1325430924, 32135240],
], dtype=np.int32)
_R2 = np.array([
    [1715617077, 264418369, 1417469686, 1457313676, 1352360519, 704757104,
     204966081, 2131313276, 1215959837, 1341945816, 1932178866, 1997354769,
     745677025, 1982421356, 1148378356, 501647516],
    [2011647921, 1141977827, 233273015, 1815371096, 1213686418, 1851131719,
     1053696218, 1906738905, 1205344136, 1973623633, 1332682781, 498722935,
     1227700694, 1792697582, 654972072, 902973260],
    [3148295, 574972484, 1194890849, 831668196, 1051806027, 2105552124,
     619480870, 1217665471, 1968368069, 2036945824, 1286465655, 1900108255,
     1027825450, 1450122370, 1147306558, 449884186],
], dtype=np.int32)

_NC = 2
_LANES = 16
_NFIX = 2 * SWAPS * _LANES
_BS = 8192
_NBLK = TOTAL // _BS

_GATHER_DNUMS = lax.GatherDimensionNumbers(
    offset_dims=(), collapsed_slice_dims=(0,), start_index_map=(0,))


def _bcast_lane(vec, j):
    idx = jnp.full((_LANES, 1), j, dtype=jnp.int32)
    return lax.gather(vec, idx, _GATHER_DNUMS, (1,),
                      mode=lax.GatherScatterMode.PROMISE_IN_BOUNDS)


def _swap_tables(r1, r2, starts, lens):
    safe = jnp.maximum(lens, 1)
    F = []
    for s in range(SWAPS):
        F.append(starts + r1[s] % safe)
        F.append(starts + r2[s] % safe)
    V = list(F)
    for s in range(SWAPS):
        v1 = V[2 * s]
        v2 = V[2 * s + 1]
        for (g, w) in ((F[2 * s], v2), (F[2 * s + 1], v1)):
            def _lane_step(j, vs, g=g, w=w):
                gj = _bcast_lane(g, j)
                wj = _bcast_lane(w, j)
                return tuple(jnp.where(F[t] == gj, wj, vs[t])
                             for t in range(2 * SWAPS))

            V = list(lax.fori_loop(0, _LANES, _lane_step, tuple(V)))
    return F, V


def _const_vec(vals, iota):
    v = jnp.full((_LANES,), int(vals[0]), dtype=jnp.int32)
    for j in range(1, _LANES):
        v = jnp.where(iota == j, int(vals[j]), v)
    return v


def _sc_fix_body(cu_hbm, flat_hbm, fixdata_hbm, fixdst_hbm,
                 cu_v, src_v, dst_v, fixrows_v, fsem):
    wid = lax.axis_index("s") * _NC + lax.axis_index("c")

    pltpu.sync_copy(cu_hbm.at[pl.ds(0, _LANES)], cu_v)
    iota0 = lax.iota(jnp.int32, _LANES)
    r1 = [_const_vec(_R1[s], iota0) for s in range(SWAPS)]
    r2 = [_const_vec(_R2[s], iota0) for s in range(SWAPS)]
    starts = cu_v[...]
    iota = lax.iota(jnp.int32, _LANES)
    shift_idx = jnp.minimum(iota + 1, _LANES - 1)[:, None]
    shifted = lax.gather(starts, shift_idx, _GATHER_DNUMS, (1,),
                         mode=lax.GatherScatterMode.PROMISE_IN_BOUNDS)
    ends = jnp.where(iota == _LANES - 1, TOTAL, shifted)
    lens = ends - starts

    F, V = _swap_tables(r1, r2, starts, lens)

    for t in range(2 * SWAPS):
        src_v[pl.ds(t * _LANES, _LANES)] = V[t]
        dst_v[pl.ds(t * _LANES, _LANES)] = F[t]

    @pl.when(wid == 0)
    def _():
        pltpu.async_copy(flat_hbm.at[src_v], fixrows_v, fsem).wait()
        pltpu.sync_copy(fixrows_v, fixdata_hbm)
        pltpu.sync_copy(dst_v, fixdst_hbm)


def _tc_copy_body(flat_ref, out_ref):
    out_ref[...] = flat_ref[...]


def _tc_patch_body(fixdst_ref, fixdata_ref, out_ref, patched_ref, sem):
    del out_ref
    cps = []
    for f in range(_NFIX):
        d = fixdst_ref[f]
        cp = pltpu.make_async_copy(fixdata_ref.at[pl.ds(f, 1)],
                                   patched_ref.at[pl.ds(d, 1)], sem)
        cp.start()
        cps.append(cp)
    for cp in cps:
        cp.wait()


_RTBL = np.concatenate([_R1, _R2], axis=0)


@jax.jit
def kernel(flat, cu_seqlens):
    mesh = plsc.VectorSubcoreMesh(core_axis_name="c", subcore_axis_name="s", num_cores=1)
    sc_fix = functools.partial(
        pl.kernel,
        mesh=mesh,
        compiler_params=pltpu.CompilerParams(
            vmem_limit_bytes=4 * 1024 * 1024),
        out_type=(
            jax.ShapeDtypeStruct((_NFIX, D), jnp.float32),
            jax.ShapeDtypeStruct((_NFIX,), jnp.int32),
        ),
        scratch_types=[
            pltpu.VMEM((_LANES,), jnp.int32),
            pltpu.VMEM((_NFIX,), jnp.int32),
            pltpu.VMEM((_NFIX,), jnp.int32),
            pltpu.VMEM((_NFIX, D), jnp.float32),
            pltpu.SemaphoreType.DMA,
        ],
    )(_sc_fix_body)
    fixdata, fixdst = sc_fix(cu_seqlens, flat)

    copied = pl.pallas_call(
        _tc_copy_body,
        grid=(_NBLK,),
        in_specs=[pl.BlockSpec((_BS, D), lambda i: (i, 0))],
        out_specs=pl.BlockSpec((_BS, D), lambda i: (i, 0)),
        out_shape=jax.ShapeDtypeStruct((TOTAL, D), jnp.float32),
    )(flat)

    return pl.pallas_call(
        _tc_patch_body,
        in_specs=[
            pl.BlockSpec(memory_space=pltpu.SMEM),
            pl.BlockSpec(memory_space=pltpu.VMEM),
            pl.BlockSpec(memory_space=pltpu.MemorySpace.HBM),
        ],
        out_specs=pl.BlockSpec(memory_space=pltpu.MemorySpace.HBM),
        out_shape=jax.ShapeDtypeStruct((TOTAL, D), jnp.float32),
        scratch_shapes=[pltpu.SemaphoreType.DMA],
        input_output_aliases={2: 0},
    )(fixdst, fixdata, copied)

# --- scband reference (transcript-rebuilt; emitter-appended) ---
"""Pipeline reference for scband-random-swaps-46978352284292 (READ-ONLY COPY).

The authoritative reference and input builder live on the scoring server;
editing this copy changes nothing except your own understanding.
"""

import jax, jax.numpy as jnp
import numpy as np

SWAPS = 3  # init_kwargs['swaps']


def setup_inputs(seed: int = 0) -> dict:
    key = jax.random.key(seed)
    B = 16
    total = 32768
    d = 256
    k1, k2 = jax.random.split(key)
    flat = jax.random.normal(k1, (total, d), dtype=jnp.float32)
    interior = jnp.sort(jax.random.randint(k2, (B - 1,), 1, total, dtype=jnp.int32))
    cu_seqlens = jnp.concatenate([
        jnp.array([0], dtype=jnp.int32),
        interior,
        jnp.array([total], dtype=jnp.int32),
    ])
    return {"flat": flat, "cu_seqlens": cu_seqlens}


def reference(flat, cu_seqlens):
    # Ragged analogue of keras_nlp RandomSwaps: each ragged row (segment) has
    # `SWAPS` random position swaps applied to its tokens; tokens (here dense
    # float payloads standing in for split string words) are then gathered back
    # through the permuted position index, preserving the original row_splits.
    total = flat.shape[0]
    starts = cu_seqlens[:-1]
    lens = cu_seqlens[1:] - starts
    positions = jnp.arange(total, dtype=jnp.int32)
    key = jax.random.key(42)
    for s in range(SWAPS):
        ks = jax.random.fold_in(key, s)
        ka, kb = jax.random.split(ks)
        safe = jnp.maximum(lens, 1)
        i1 = jax.random.randint(ka, lens.shape, 0, 2**31 - 1, dtype=jnp.int32) % safe
        i2 = jax.random.randint(kb, lens.shape, 0, 2**31 - 1, dtype=jnp.int32) % safe
        g1 = starts + i1
        g2 = starts + i2
        v1 = positions[g1]
        v2 = positions[g2]
        # per-row swap via scatter-overwrite (rows are disjoint index ranges;
        # g1 == g2 degenerates to a no-op, matching the size-1 early return)
        positions = positions.at[g1].set(v2).at[g2].set(v1)
    # gather flat values through the swapped positions (memory-bound gather)
    swapped = jnp.take(flat, positions, axis=0)
    return swapped

if __name__ == "__main__":
    import jax
    _d = setup_inputs()
    print(jax.jit(kernel)(*tuple(_d.values())))

</pallas_src>

<mosaic_0001>
#map = affine_map<(d0, d1) -> (0)>
#map1 = affine_map<(d0, d1) -> (0, 0)>
module attributes {stable_mosaic.version = 14 : i64} {
  func.func @_sc_fix_body(%arg0: i32, %arg1: i32, %arg2: memref<17xi32, #tpu.memory_space<hbm>>, %arg3: memref<32768x256xf32, #tpu.memory_space<hbm>>, %arg4: memref<96x256xf32, #tpu.memory_space<hbm>>, %arg5: memref<96xi32, #tpu.memory_space<hbm>>, %arg6: memref<16xi32, #tpu.memory_space<vmem>>, %arg7: memref<96xi32, #tpu.memory_space<vmem>>, %arg8: memref<96xi32, #tpu.memory_space<vmem>>, %arg9: memref<96x256xf32, #tpu.memory_space<vmem>>, %arg10: memref<!tpu.dma_semaphore, #tpu.memory_space<semaphore_mem>>) attributes {dimension_semantics = [#tpu.dimension_semantics<core_parallel>, #tpu.dimension_semantics<subcore_parallel>], iteration_bounds = array<i64: 1, 16>, scalar_prefetch = 0 : i64, scratch_operands = 5 : i64, tpu.core_type = #tpu.core_type<sc_vector_subcore>, window_params = [{transform_indices = #map}, {transform_indices = #map1}, {transform_indices = #map1}, {transform_indices = #map}]} {
    %mul3A = arith.constant 2 : i32
    %mul3A_0 = arith.muli %arg1, %mul3A : i32
    %add3A = arith.addi %mul3A_0, %arg0 : i32
    "tpu.region"() ({
      %run_scoped3A = tpu.sem_alloc : memref<!tpu.dma_semaphore, #tpu.memory_space<semaphore_mem>>
      %dma_start3A = arith.constant 0 : i32
      %dma_start3A_774 = tpu.memref_slice %arg2[%dma_start3A] : memref<17xi32, #tpu.memory_space<hbm>> -> memref<16xi32, #tpu.memory_space<hbm>>
      %dma_start3A_775 = arith.constant 0 : i32
      %dma_start3A_776 = tpu.memref_slice %arg2[%dma_start3A_775] : memref<17xi32, #tpu.memory_space<hbm>> -> memref<16xi32, #tpu.memory_space<hbm>>
      tpu.enqueue_dma source(%dma_start3A_776 : memref<16xi32, #tpu.memory_space<hbm>>) target(%arg6 : memref<16xi32, #tpu.memory_space<vmem>>) target_semaphore(%run_scoped3A : memref<!tpu.dma_semaphore, #tpu.memory_space<semaphore_mem>>)
      %dma_wait3A = arith.constant 0 : i32
      %dma_wait3A_777 = tpu.memref_slice %arg2[%dma_wait3A] : memref<17xi32, #tpu.memory_space<hbm>> -> memref<16xi32, #tpu.memory_space<hbm>>
      %dma_wait3A_778 = arith.constant 0 : i32
      %dma_wait3A_779 = tpu.memref_slice %arg2[%dma_wait3A_778] : memref<17xi32, #tpu.memory_space<hbm>> -> memref<16xi32, #tpu.memory_space<hbm>>
      tpu.wait_dma2 semaphore(%run_scoped3A : memref<!tpu.dma_semaphore, #tpu.memory_space<semaphore_mem>>) src(%dma_wait3A_779 : memref<16xi32, #tpu.memory_space<hbm>>) dst(%arg6 : memref<16xi32, #tpu.memory_space<vmem>>)
      tpu.yield
    }) : () -> ()
    %iota3A = tpu.iota {dimensions = array<i32: 0>} : vector<16xi32>
    %broadcast_in_dim3A = arith.constant 1488030591 : i32
    %broadcast_in_dim3A_1 = vector.broadcast %broadcast_in_dim3A : i32 to vector<16xi32>
    %eq3A = arith.constant 1 : i32
    %eq3A_2 = vector.broadcast %eq3A : i32 to vector<16xi32>
    %eq3A_3 = arith.cmpi eq, %iota3A, %eq3A_2 : vector<16xi32>
    %jit3A = arith.constant 1439099953 : i32
    %broadcast_in_dim3A_4 = vector.broadcast %jit3A : i32 to vector<16xi32>
    %select_n3A = arith.select %eq3A_3, %broadcast_in_dim3A_4, %broadcast_in_dim3A_1 : vector<16xi1>, vector<16xi32>
    %eq3A_5 = arith.constant 2 : i32
    %eq3A_6 = vector.broadcast %eq3A_5 : i32 to vector<16xi32>
    %eq3A_7 = arith.cmpi eq, %iota3A, %eq3A_6 : vector<16xi32>
    %jit3A_8 = arith.constant 609311445 : i32
    %broadcast_in_dim3A_9 = vector.broadcast %jit3A_8 : i32 to vector<16xi32>
    %select_n3A_10 = arith.select %eq3A_7, %broadcast_in_dim3A_9, %select_n3A : vector<16xi1>, vector<16xi32>
    %eq3A_11 = arith.constant 3 : i32
    %eq3A_12 = vector.broadcast %eq3A_11 : i32 to vector<16xi32>
    %eq3A_13 = arith.cmpi eq, %iota3A, %eq3A_12 : vector<16xi32>
    %jit3A_14 = arith.constant 260233583 : i32
    %broadcast_in_dim3A_15 = vector.broadcast %jit3A_14 : i32 to vector<16xi32>
    %select_n3A_16 = arith.select %eq3A_13, %broadcast_in_dim3A_15, %select_n3A_10 : vector<16xi1>, vector<16xi32>
    %eq3A_17 = arith.constant 4 : i32
    %eq3A_18 = vector.broadcast %eq3A_17 : i32 to vector<16xi32>
    %eq3A_19 = arith.cmpi eq, %iota3A, %eq3A_18 : vector<16xi32>
    %jit3A_20 = arith.constant 2118697808 : i32
    %broadcast_in_dim3A_21 = vector.broadcast %jit3A_20 : i32 to vector<16xi32>
    %select_n3A_22 = arith.select %eq3A_19, %broadcast_in_dim3A_21, %select_n3A_16 : vector<16xi1>, vector<16xi32>
    %eq3A_23 = arith.constant 5 : i32
    %eq3A_24 = vector.broadcast %eq3A_23 : i32 to vector<16xi32>
    %eq3A_25 = arith.cmpi eq, %iota3A, %eq3A_24 : vector<16xi32>
    %jit3A_26 = arith.constant 1156803210 : i32
    %broadcast_in_dim3A_27 = vector.broadcast %jit3A_26 : i32 to vector<16xi32>
    %select_n3A_28 = arith.select %eq3A_25, %broadcast_in_dim3A_27, %select_n3A_22 : vector<16xi1>, vector<16xi32>
    %eq3A_29 = arith.constant 6 : i32
    %eq3A_30 = vector.broadcast %eq3A_29 : i32 to vector<16xi32>
    %eq3A_31 = arith.cmpi eq, %iota3A, %eq3A_30 : vector<16xi32>
    %jit3A_32 = arith.constant 1035656343 : i32
    %broadcast_in_dim3A_33 = vector.broadcast %jit3A_32 : i32 to vector<16xi32>
    %select_n3A_34 = arith.select %eq3A_31, %broadcast_in_dim3A_33, %select_n3A_28 : vector<16xi1>, vector<16xi32>
    %eq3A_35 = arith.constant 7 : i32
    %eq3A_36 = vector.broadcast %eq3A_35 : i32 to vector<16xi32>
    %eq3A_37 = arith.cmpi eq, %iota3A, %eq3A_36 : vector<16xi32>
    %jit3A_38 = arith.constant 1252340714 : i32
    %broadcast_in_dim3A_39 = vector.broadcast %jit3A_38 : i32 to vector<16xi32>
    %select_n3A_40 = arith.select %eq3A_37, %broadcast_in_dim3A_39, %select_n3A_34 : vector<16xi1>, vector<16xi32>
    %eq3A_41 = arith.constant 8 : i32
    %eq3A_42 = vector.broadcast %eq3A_41 : i32 to vector<16xi32>
    %eq3A_43 = arith.cmpi eq, %iota3A, %eq3A_42 : vector<16xi32>
    %jit3A_44 = arith.constant 2040732033 : i32
    %broadcast_in_dim3A_45 = vector.broadcast %jit3A_44 : i32 to vector<16xi32>
    %select_n3A_46 = arith.select %eq3A_43, %broadcast_in_dim3A_45, %select_n3A_40 : vector<16xi1>, vector<16xi32>
    %eq3A_47 = arith.constant 9 : i32
    %eq3A_48 = vector.broadcast %eq3A_47 : i32 to vector<16xi32>
    %eq3A_49 = arith.cmpi eq, %iota3A, %eq3A_48 : vector<16xi32>
    %jit3A_50 = arith.constant 1654184288 : i32
    %broadcast_in_dim3A_51 = vector.broadcast %jit3A_50 : i32 to vector<16xi32>
    %select_n3A_52 = arith.select %eq3A_49, %broadcast_in_dim3A_51, %select_n3A_46 : vector<16xi1>, vector<16xi32>
    %eq3A_53 = arith.constant 10 : i32
    %eq3A_54 = vector.broadcast %eq3A_53 : i32 to vector<16xi32>
    %eq3A_55 = arith.cmpi eq, %iota3A, %eq3A_54 : vector<16xi32>
    %jit3A_56 = arith.constant 625733951 : i32
    %broadcast_in_dim3A_57 = vector.broadcast %jit3A_56 : i32 to vector<16xi32>
    %select_n3A_58 = arith.select %eq3A_55, %broadcast_in_dim3A_57, %select_n3A_52 : vector<16xi1>, vector<16xi32>
    %eq3A_59 = arith.constant 11 : i32
    %eq3A_60 = vector.broadcast %eq3A_59 : i32 to vector<16xi32>
    %eq3A_61 = arith.cmpi eq, %iota3A, %eq3A_60 : vector<16xi32>
    %jit3A_62 = arith.constant 2086750115 : i32
    %broadcast_in_dim3A_63 = vector.broadcast %jit3A_62 : i32 to vector<16xi32>
    %select_n3A_64 = arith.select %eq3A_61, %broadcast_in_dim3A_63, %select_n3A_58 : vector<16xi1>, vector<16xi32>
    %eq3A_65 = arith.constant 12 : i32
    %eq3A_66 = vector.broadcast %eq3A_65 : i32 to vector<16xi32>
    %eq3A_67 = arith.cmpi eq, %iota3A, %eq3A_66 : vector<16xi32>
    %jit3A_68 = arith.constant 1874956968 : i32
    %broadcast_in_dim3A_69 = vector.broadcast %jit3A_68 : i32 to vector<16xi32>
    %select_n3A_70 = arith.select %eq3A_67, %broadcast_in_dim3A_69, %select_n3A_64 : vector<16xi1>, vector<16xi32>
    %eq3A_71 = arith.constant 13 : i32
    %eq3A_72 = vector.broadcast %eq3A_71 : i32 to vector<16xi32>
    %eq3A_73 = arith.cmpi eq, %iota3A, %eq3A_72 : vector<16xi32>
    %jit3A_74 = arith.constant 2107435338 : i32
    %broadcast_in_dim3A_75 = vector.broadcast %jit3A_74 : i32 to vector<16xi32>
    %select_n3A_76 = arith.select %eq3A_73, %broadcast_in_dim3A_75, %select_n3A_70 : vector<16xi1>, vector<16xi32>
    %eq3A_77 = arith.constant 14 : i32
    %eq3A_78 = vector.broadcast %eq3A_77 : i32 to vector<16xi32>
    %eq3A_79 = arith.cmpi eq, %iota3A, %eq3A_78 : vector<16xi32>
    %jit3A_80 = arith.constant 909013543 : i32
    %broadcast_in_dim3A_81 = vector.broadcast %jit3A_80 : i32 to vector<16xi32>
    %select_n3A_82 = arith.select %eq3A_79, %broadcast_in_dim3A_81, %select_n3A_76 : vector<16xi1>, vector<16xi32>
    %eq3A_83 = arith.constant 15 : i32
    %eq3A_84 = vector.broadcast %eq3A_83 : i32 to vector<16xi32>
    %eq3A_85 = arith.cmpi eq, %iota3A, %eq3A_84 : vector<16xi32>
    %jit3A_86 = arith.constant 1372756728 : i32
    %broadcast_in_dim3A_87 = vector.broadcast %jit3A_86 : i32 to vector<16xi32>
    %select_n3A_88 = arith.select %eq3A_85, %broadcast_in_dim3A_87, %select_n3A_82 : vector<16xi1>, vector<16xi32>
    %broadcast_in_dim3A_89 = arith.constant 814496280 : i32
    %broadcast_in_dim3A_90 = vector.broadcast %broadcast_in_dim3A_89 : i32 to vector<16xi32>
    %eq3A_91 = arith.constant 1 : i32
    %eq3A_92 = vector.broadcast %eq3A_91 : i32 to vector<16xi32>
    %eq3A_93 = arith.cmpi eq, %iota3A, %eq3A_92 : vector<16xi32>
    %jit3A_94 = arith.constant 34270915 : i32
    %broadcast_in_dim3A_95 = vector.broadcast %jit3A_94 : i32 to vector<16xi32>
    %select_n3A_96 = arith.select %eq3A_93, %broadcast_in_dim3A_95, %broadcast_in_dim3A_90 : vector<16xi1>, vector<16xi32>
    %eq3A_97 = arith.constant 2 : i32
    %eq3A_98 = vector.broadcast %eq3A_97 : i32 to vector<16xi32>
    %eq3A_99 = arith.cmpi eq, %iota3A, %eq3A_98 : vector<16xi32>
    %jit3A_100 = arith.constant 956997115 : i32
    %broadcast_in_dim3A_101 = vector.broadcast %jit3A_100 : i32 to vector<16xi32>
    %select_n3A_102 = arith.select %eq3A_99, %broadcast_in_dim3A_101, %select_n3A_96 : vector<16xi1>, vector<16xi32>
    %eq3A_103 = arith.constant 3 : i32
    %eq3A_104 = vector.broadcast %eq3A_103 : i32 to vector<16xi32>
    %eq3A_105 = arith.cmpi eq, %iota3A, %eq3A_104 : vector<16xi32>
    %jit3A_106 = arith.constant 1298601280 : i32
    %broadcast_in_dim3A_107 = vector.broadcast %jit3A_106 : i32 to vector<16xi32>
    %select_n3A_108 = arith.select %eq3A_105, %broadcast_in_dim3A_107, %select_n3A_102 : vector<16xi1>, vector<16xi32>
    %eq3A_109 = arith.constant 4 : i32
    %eq3A_110 = vector.broadcast %eq3A_109 : i32 to vector<16xi32>
    %eq3A_111 = arith.cmpi eq, %iota3A, %eq3A_110 : vector<16xi32>
    %jit3A_112 = arith.constant 1768113150 : i32
    %broadcast_in_dim3A_113 = vector.broadcast %jit3A_112 : i32 to vector<16xi32>
    %select_n3A_114 = arith.select %eq3A_111, %broadcast_in_dim3A_113, %select_n3A_108 : vector<16xi1>, vector<16xi32>
    %eq3A_115 = arith.constant 5 : i32
    %eq3A_116 = vector.broadcast %eq3A_115 : i32 to vector<16xi32>
    %eq3A_117 = arith.cmpi eq, %iota3A, %eq3A_116 : vector<16xi32>
    %jit3A_118 = arith.constant 362021218 : i32
    %broadcast_in_dim3A_119 = vector.broadcast %jit3A_118 : i32 to vector<16xi32>
    %select_n3A_120 = arith.select %eq3A_117, %broadcast_in_dim3A_119, %select_n3A_114 : vector<16xi1>, vector<16xi32>
    %eq3A_121 = arith.constant 6 : i32
    %eq3A_122 = vector.broadcast %eq3A_121 : i32 to vector<16xi32>
    %eq3A_123 = arith.cmpi eq, %iota3A, %eq3A_122 : vector<16xi32>
    %jit3A_124 = arith.constant 1361115147 : i32
    %broadcast_in_dim3A_125 = vector.broadcast %jit3A_124 : i32 to vector<16xi32>
    %select_n3A_126 = arith.select %eq3A_123, %broadcast_in_dim3A_125, %select_n3A_120 : vector<16xi1>, vector<16xi32>
    %eq3A_127 = arith.constant 7 : i32
    %eq3A_128 = vector.broadcast %eq3A_127 : i32 to vector<16xi32>
    %eq3A_129 = arith.cmpi eq, %iota3A, %eq3A_128 : vector<16xi32>
    %jit3A_130 = arith.constant 1056098339 : i32
    %broadcast_in_dim3A_131 = vector.broadcast %jit3A_130 : i32 to vector<16xi32>
    %select_n3A_132 = arith.select %eq3A_129, %broadcast_in_dim3A_131, %select_n3A_126 : vector<16xi1>, vector<16xi32>
    %eq3A_133 = arith.constant 8 : i32
    %eq3A_134 = vector.broadcast %eq3A_133 : i32 to vector<16xi32>
    %eq3A_135 = arith.cmpi eq, %iota3A, %eq3A_134 : vector<16xi32>
    %jit3A_136 = arith.constant 573036096 : i32
    %broadcast_in_dim3A_137 = vector.broadcast %jit3A_136 : i32 to vector<16xi32>
    %select_n3A_138 = arith.select %eq3A_135, %broadcast_in_dim3A_137, %select_n3A_132 : vector<16xi1>, vector<16xi32>
    %eq3A_139 = arith.constant 9 : i32
    %eq3A_140 = vector.broadcast %eq3A_139 : i32 to vector<16xi32>
    %eq3A_141 = arith.cmpi eq, %iota3A, %eq3A_140 : vector<16xi32>
    %jit3A_142 = arith.constant 962978325 : i32
    %broadcast_in_dim3A_143 = vector.broadcast %jit3A_142 : i32 to vector<16xi32>
    %select_n3A_144 = arith.select %eq3A_141, %broadcast_in_dim3A_143, %select_n3A_138 : vector<16xi1>, vector<16xi32>
    %eq3A_145 = arith.constant 10 : i32
    %eq3A_146 = vector.broadcast %eq3A_145 : i32 to vector<16xi32>
    %eq3A_147 = arith.cmpi eq, %iota3A, %eq3A_146 : vector<16xi32>
    %jit3A_148 = arith.constant 809066367 : i32
    %broadcast_in_dim3A_149 = vector.broadcast %jit3A_148 : i32 to vector<16xi32>
    %select_n3A_150 = arith.select %eq3A_147, %broadcast_in_dim3A_149, %select_n3A_144 : vector<16xi1>, vector<16xi32>
    %eq3A_151 = arith.constant 11 : i32
    %eq3A_152 = vector.broadcast %eq3A_151 : i32 to vector<16xi32>
    %eq3A_153 = arith.cmpi eq, %iota3A, %eq3A_152 : vector<16xi32>
    %jit3A_154 = arith.constant 1194074332 : i32
    %broadcast_in_dim3A_155 = vector.broadcast %jit3A_154 : i32 to vector<16xi32>
    %select_n3A_156 = arith.select %eq3A_153, %broadcast_in_dim3A_155, %select_n3A_150 : vector<16xi1>, vector<16xi32>
    %eq3A_157 = arith.constant 12 : i32
    %eq3A_158 = vector.broadcast %eq3A_157 : i32 to vector<16xi32>
    %eq3A_159 = arith.cmpi eq, %iota3A, %eq3A_158 : vector<16xi32>
    %jit3A_160 = arith.constant 995758540 : i32
    %broadcast_in_dim3A_161 = vector.broadcast %jit3A_160 : i32 to vector<16xi32>
    %select_n3A_162 = arith.select %eq3A_159, %broadcast_in_dim3A_161, %select_n3A_156 : vector<16xi1>, vector<16xi32>
    %eq3A_163 = arith.constant 13 : i32
    %eq3A_164 = vector.broadcast %eq3A_163 : i32 to vector<16xi32>
    %eq3A_165 = arith.cmpi eq, %iota3A, %eq3A_164 : vector<16xi32>
    %jit3A_166 = arith.constant 606323265 : i32
    %broadcast_in_dim3A_167 = vector.broadcast %jit3A_166 : i32 to vector<16xi32>
    %select_n3A_168 = arith.select %eq3A_165, %broadcast_in_dim3A_167, %select_n3A_162 : vector<16xi1>, vector<16xi32>
    %eq3A_169 = arith.constant 14 : i32
    %eq3A_170 = vector.broadcast %eq3A_169 : i32 to vector<16xi32>
    %eq3A_171 = arith.cmpi eq, %iota3A, %eq3A_170 : vector<16xi32>
    %jit3A_172 = arith.constant 1851992991 : i32
    %broadcast_in_dim3A_173 = vector.broadcast %jit3A_172 : i32 to vector<16xi32>
    %select_n3A_174 = arith.select %eq3A_171, %broadcast_in_dim3A_173, %select_n3A_168 : vector<16xi1>, vector<16xi32>
    %eq3A_175 = arith.constant 15 : i32
    %eq3A_176 = vector.broadcast %eq3A_175 : i32 to vector<16xi32>
    %eq3A_177 = arith.cmpi eq, %iota3A, %eq3A_176 : vector<16xi32>
    %jit3A_178 = arith.constant 1661132541 : i32
    %broadcast_in_dim3A_179 = vector.broadcast %jit3A_178 : i32 to vector<16xi32>
    %select_n3A_180 = arith.select %eq3A_177, %broadcast_in_dim3A_179, %select_n3A_174 : vector<16xi1>, vector<16xi32>
    %broadcast_in_dim3A_181 = arith.constant 598165367 : i32
    %broadcast_in_dim3A_182 = vector.broadcast %broadcast_in_dim3A_181 : i32 to vector<16xi32>
    %eq3A_183 = arith.constant 1 : i32
    %eq3A_184 = vector.broadcast %eq3A_183 : i32 to vector<16xi32>
    %eq3A_185 = arith.cmpi eq, %iota3A, %eq3A_184 : vector<16xi32>
    %jit3A_186 = arith.constant 1415523960 : i32
    %broadcast_in_dim3A_187 = vector.broadcast %jit3A_186 : i32 to vector<16xi32>
    %select_n3A_188 = arith.select %eq3A_185, %broadcast_in_dim3A_187, %broadcast_in_dim3A_182 : vector<16xi1>, vector<16xi32>
    %eq3A_189 = arith.constant 2 : i32
    %eq3A_190 = vector.broadcast %eq3A_189 : i32 to vector<16xi32>
    %eq3A_191 = arith.cmpi eq, %iota3A, %eq3A_190 : vector<16xi32>
    %jit3A_192 = arith.constant 1457916550 : i32
    %broadcast_in_dim3A_193 = vector.broadcast %jit3A_192 : i32 to vector<16xi32>
    %select_n3A_194 = arith.select %eq3A_191, %broadcast_in_dim3A_193, %select_n3A_188 : vector<16xi1>, vector<16xi32>
    %eq3A_195 = arith.constant 3 : i32
    %eq3A_196 = vector.broadcast %eq3A_195 : i32 to vector<16xi32>
    %eq3A_197 = arith.cmpi eq, %iota3A, %eq3A_196 : vector<16xi32>
    %jit3A_198 = arith.constant 1099422680 : i32
    %broadcast_in_dim3A_199 = vector.broadcast %jit3A_198 : i32 to vector<16xi32>
    %select_n3A_200 = arith.select %eq3A_197, %broadcast_in_dim3A_199, %select_n3A_194 : vector<16xi1>, vector<16xi32>
    %eq3A_201 = arith.constant 4 : i32
    %eq3A_202 = vector.broadcast %eq3A_201 : i32 to vector<16xi32>
    %eq3A_203 = arith.cmpi eq, %iota3A, %eq3A_202 : vector<16xi32>
    %jit3A_204 = arith.constant 1929759519 : i32
    %broadcast_in_dim3A_205 = vector.broadcast %jit3A_204 : i32 to vector<16xi32>
    %select_n3A_206 = arith.select %eq3A_203, %broadcast_in_dim3A_205, %select_n3A_200 : vector<16xi1>, vector<16xi32>
    %eq3A_207 = arith.constant 5 : i32
    %eq3A_208 = vector.broadcast %eq3A_207 : i32 to vector<16xi32>
    %eq3A_209 = arith.cmpi eq, %iota3A, %eq3A_208 : vector<16xi32>
    %jit3A_210 = arith.constant 1650016823 : i32
    %broadcast_in_dim3A_211 = vector.broadcast %jit3A_210 : i32 to vector<16xi32>
    %select_n3A_212 = arith.select %eq3A_209, %broadcast_in_dim3A_211, %select_n3A_206 : vector<16xi1>, vector<16xi32>
    %eq3A_213 = arith.constant 6 : i32
    %eq3A_214 = vector.broadcast %eq3A_213 : i32 to vector<16xi32>
    %eq3A_215 = arith.cmpi eq, %iota3A, %eq3A_214 : vector<16xi32>
    %jit3A_216 = arith.constant 572115305 : i32
    %broadcast_in_dim3A_217 = vector.broadcast %jit3A_216 : i32 to vector<16xi32>
    %select_n3A_218 = arith.select %eq3A_215, %broadcast_in_dim3A_217, %select_n3A_212 : vector<16xi1>, vector<16xi32>
    %eq3A_219 = arith.constant 7 : i32
    %eq3A_220 = vector.broadcast %eq3A_219 : i32 to vector<16xi32>
    %eq3A_221 = arith.cmpi eq, %iota3A, %eq3A_220 : vector<16xi32>
    %jit3A_222 = arith.constant 331872980 : i32
    %broadcast_in_dim3A_223 = vector.broadcast %jit3A_222 : i32 to vector<16xi32>
    %select_n3A_224 = arith.select %eq3A_221, %broadcast_in_dim3A_223, %select_n3A_218 : vector<16xi1>, vector<16xi32>
    %eq3A_225 = arith.constant 8 : i32
    %eq3A_226 = vector.broadcast %eq3A_225 : i32 to vector<16xi32>
    %eq3A_227 = arith.cmpi eq, %iota3A, %eq3A_226 : vector<16xi32>
    %jit3A_228 = arith.constant 355992025 : i32
    %broadcast_in_dim3A_229 = vector.broadcast %jit3A_228 : i32 to vector<16xi32>
    %select_n3A_230 = arith.select %eq3A_227, %broadcast_in_dim3A_229, %select_n3A_224 : vector<16xi1>, vector<16xi32>
    %eq3A_231 = arith.constant 9 : i32
    %eq3A_232 = vector.broadcast %eq3A_231 : i32 to vector<16xi32>
    %eq3A_233 = arith.cmpi eq, %iota3A, %eq3A_232 : vector<16xi32>
    %jit3A_234 = arith.constant 1585257322 : i32
    %broadcast_in_dim3A_235 = vector.broadcast %jit3A_234 : i32 to vector<16xi32>
    %select_n3A_236 = arith.select %eq3A_233, %broadcast_in_dim3A_235, %select_n3A_230 : vector<16xi1>, vector<16xi32>
    %eq3A_237 = arith.constant 10 : i32
    %eq3A_238 = vector.broadcast %eq3A_237 : i32 to vector<16xi32>
    %eq3A_239 = arith.cmpi eq, %iota3A, %eq3A_238 : vector<16xi32>
    %jit3A_240 = arith.constant 2054227298 : i32
    %broadcast_in_dim3A_241 = vector.broadcast %jit3A_240 : i32 to vector<16xi32>
    %select_n3A_242 = arith.select %eq3A_239, %broadcast_in_dim3A_241, %select_n3A_236 : vector<16xi1>, vector<16xi32>
    %eq3A_243 = arith.constant 11 : i32
    %eq3A_244 = vector.broadcast %eq3A_243 : i32 to vector<16xi32>
    %eq3A_245 = arith.cmpi eq, %iota3A, %eq3A_244 : vector<16xi32>
    %jit3A_246 = arith.constant 1414753250 : i32
    %broadcast_in_dim3A_247 = vector.broadcast %jit3A_246 : i32 to vector<16xi32>
    %select_n3A_248 = arith.select %eq3A_245, %broadcast_in_dim3A_247, %select_n3A_242 : vector<16xi1>, vector<16xi32>
    %eq3A_249 = arith.constant 12 : i32
    %eq3A_250 = vector.broadcast %eq3A_249 : i32 to vector<16xi32>
    %eq3A_251 = arith.cmpi eq, %iota3A, %eq3A_250 : vector<16xi32>
    %jit3A_252 = arith.constant 442513397 : i32
    %broadcast_in_dim3A_253 = vector.broadcast %jit3A_252 : i32 to vector<16xi32>
    %select_n3A_254 = arith.select %eq3A_251, %broadcast_in_dim3A_253, %select_n3A_248 : vector<16xi1>, vector<16xi32>
    %eq3A_255 = arith.constant 13 : i32
    %eq3A_256 = vector.broadcast %eq3A_255 : i32 to vector<16xi32>
    %eq3A_257 = arith.cmpi eq, %iota3A, %eq3A_256 : vector<16xi32>
    %jit3A_258 = arith.constant 1800052159 : i32
    %broadcast_in_dim3A_259 = vector.broadcast %jit3A_258 : i32 to vector<16xi32>
    %select_n3A_260 = arith.select %eq3A_257, %broadcast_in_dim3A_259, %select_n3A_254 : vector<16xi1>, vector<16xi32>
    %eq3A_261 = arith.constant 14 : i32
    %eq3A_262 = vector.broadcast %eq3A_261 : i32 to vector<16xi32>
    %eq3A_263 = arith.cmpi eq, %iota3A, %eq3A_262 : vector<16xi32>
    %jit3A_264 = arith.constant 1325430924 : i32
    %broadcast_in_dim3A_265 = vector.broadcast %jit3A_264 : i32 to vector<16xi32>
    %select_n3A_266 = arith.select %eq3A_263, %broadcast_in_dim3A_265, %select_n3A_260 : vector<16xi1>, vector<16xi32>
    %eq3A_267 = arith.constant 15 : i32
    %eq3A_268 = vector.broadcast %eq3A_267 : i32 to vector<16xi32>
    %eq3A_269 = arith.cmpi eq, %iota3A, %eq3A_268 : vector<16xi32>
    %jit3A_270 = arith.constant 32135240 : i32
    %broadcast_in_dim3A_271 = vector.broadcast %jit3A_270 : i32 to vector<16xi32>
    %select_n3A_272 = arith.select %eq3A_269, %broadcast_in_dim3A_271, %select_n3A_266 : vector<16xi1>, vector<16xi32>
    %broadcast_in_dim3A_273 = arith.constant 1715617077 : i32
    %broadcast_in_dim3A_274 = vector.broadcast %broadcast_in_dim3A_273 : i32 to vector<16xi32>
    %eq3A_275 = arith.constant 1 : i32
    %eq3A_276 = vector.broadcast %eq3A_275 : i32 to vector<16xi32>
    %eq3A_277 = arith.cmpi eq, %iota3A, %eq3A_276 : vector<16xi32>
    %jit3A_278 = arith.constant 264418369 : i32
    %broadcast_in_dim3A_279 = vector.broadcast %jit3A_278 : i32 to vector<16xi32>
    %select_n3A_280 = arith.select %eq3A_277, %broadcast_in_dim3A_279, %broadcast_in_dim3A_274 : vector<16xi1>, vector<16xi32>
    %eq3A_281 = arith.constant 2 : i32
    %eq3A_282 = vector.broadcast %eq3A_281 : i32 to vector<16xi32>
    %eq3A_283 = arith.cmpi eq, %iota3A, %eq3A_282 : vector<16xi32>
    %jit3A_284 = arith.constant 1417469686 : i32
    %broadcast_in_dim3A_285 = vector.broadcast %jit3A_284 : i32 to vector<16xi32>
    %select_n3A_286 = arith.select %eq3A_283, %broadcast_in_dim3A_285, %select_n3A_280 : vector<16xi1>, vector<16xi32>
    %eq3A_287 = arith.constant 3 : i32
    %eq3A_288 = vector.broadcast %eq3A_287 : i32 to vector<16xi32>
    %eq3A_289 = arith.cmpi eq, %iota3A, %eq3A_288 : vector<16xi32>
    %jit3A_290 = arith.constant 1457313676 : i32
    %broadcast_in_dim3A_291 = vector.broadcast %jit3A_290 : i32 to vector<16xi32>
    %select_n3A_292 = arith.select %eq3A_289, %broadcast_in_dim3A_291, %select_n3A_286 : vector<16xi1>, vector<16xi32>
    %eq3A_293 = arith.constant 4 : i32
    %eq3A_294 = vector.broadcast %eq3A_293 : i32 to vector<16xi32>
    %eq3A_295 = arith.cmpi eq, %iota3A, %eq3A_294 : vector<16xi32>
    %jit3A_296 = arith.constant 1352360519 : i32
    %broadcast_in_dim3A_297 = vector.broadcast %jit3A_296 : i32 to vector<16xi32>
    %select_n3A_298 = arith.select %eq3A_295, %broadcast_in_dim3A_297, %select_n3A_292 : vector<16xi1>, vector<16xi32>
    %eq3A_299 = arith.constant 5 : i32
    %eq3A_300 = vector.broadcast %eq3A_299 : i32 to vector<16xi32>
    %eq3A_301 = arith.cmpi eq, %iota3A, %eq3A_300 : vector<16xi32>
    %jit3A_302 = arith.constant 704757104 : i32
    %broadcast_in_dim3A_303 = vector.broadcast %jit3A_302 : i32 to vector<16xi32>
    %select_n3A_304 = arith.select %eq3A_301, %broadcast_in_dim3A_303, %select_n3A_298 : vector<16xi1>, vector<16xi32>
    %eq3A_305 = arith.constant 6 : i32
    %eq3A_306 = vector.broadcast %eq3A_305 : i32 to vector<16xi32>
    %eq3A_307 = arith.cmpi eq, %iota3A, %eq3A_306 : vector<16xi32>
    %jit3A_308 = arith.constant 204966081 : i32
    %broadcast_in_dim3A_309 = vector.broadcast %jit3A_308 : i32 to vector<16xi32>
    %select_n3A_310 = arith.select %eq3A_307, %broadcast_in_dim3A_309, %select_n3A_304 : vector<16xi1>, vector<16xi32>
    %eq3A_311 = arith.constant 7 : i32
    %eq3A_312 = vector.broadcast %eq3A_311 : i32 to vector<16xi32>
    %eq3A_313 = arith.cmpi eq, %iota3A, %eq3A_312 : vector<16xi32>
    %jit3A_314 = arith.constant 2131313276 : i32
    %broadcast_in_dim3A_315 = vector.broadcast %jit3A_314 : i32 to vector<16xi32>
    %select_n3A_316 = arith.select %eq3A_313, %broadcast_in_dim3A_315, %select_n3A_310 : vector<16xi1>, vector<16xi32>
    %eq3A_317 = arith.constant 8 : i32
    %eq3A_318 = vector.broadcast %eq3A_317 : i32 to vector<16xi32>
    %eq3A_319 = arith.cmpi eq, %iota3A, %eq3A_318 : vector<16xi32>
    %jit3A_320 = arith.constant 1215959837 : i32
    %broadcast_in_dim3A_321 = vector.broadcast %jit3A_320 : i32 to vector<16xi32>
    %select_n3A_322 = arith.select %eq3A_319, %broadcast_in_dim3A_321, %select_n3A_316 : vector<16xi1>, vector<16xi32>
    %eq3A_323 = arith.constant 9 : i32
    %eq3A_324 = vector.broadcast %eq3A_323 : i32 to vector<16xi32>
    %eq3A_325 = arith.cmpi eq, %iota3A, %eq3A_324 : vector<16xi32>
    %jit3A_326 = arith.constant 1341945816 : i32
    %broadcast_in_dim3A_327 = vector.broadcast %jit3A_326 : i32 to vector<16xi32>
    %select_n3A_328 = arith.select %eq3A_325, %broadcast_in_dim3A_327, %select_n3A_322 : vector<16xi1>, vector<16xi32>
    %eq3A_329 = arith.constant 10 : i32
    %eq3A_330 = vector.broadcast %eq3A_329 : i32 to vector<16xi32>
    %eq3A_331 = arith.cmpi eq, %iota3A, %eq3A_330 : vector<16xi32>
    %jit3A_332 = arith.constant 1932178866 : i32
    %broadcast_in_dim3A_333 = vector.broadcast %jit3A_332 : i32 to vector<16xi32>
    %select_n3A_334 = arith.select %eq3A_331, %broadcast_in_dim3A_333, %select_n3A_328 : vector<16xi1>, vector<16xi32>
    %eq3A_335 = arith.constant 11 : i32
    %eq3A_336 = vector.broadcast %eq3A_335 : i32 to vector<16xi32>
    %eq3A_337 = arith.cmpi eq, %iota3A, %eq3A_336 : vector<16xi32>
    %jit3A_338 = arith.constant 1997354769 : i32
    %broadcast_in_dim3A_339 = vector.broadcast %jit3A_338 : i32 to vector<16xi32>
    %select_n3A_340 = arith.select %eq3A_337, %broadcast_in_dim3A_339, %select_n3A_334 : vector<16xi1>, vector<16xi32>
    %eq3A_341 = arith.constant 12 : i32
    %eq3A_342 = vector.broadcast %eq3A_341 : i32 to vector<16xi32>
    %eq3A_343 = arith.cmpi eq, %iota3A, %eq3A_342 : vector<16xi32>
    %jit3A_344 = arith.constant 745677025 : i32
    %broadcast_in_dim3A_345 = vector.broadcast %jit3A_344 : i32 to vector<16xi32>
    %select_n3A_346 = arith.select %eq3A_343, %broadcast_in_dim3A_345, %select_n3A_340 : vector<16xi1>, vector<16xi32>
    %eq3A_347 = arith.constant 13 : i32
    %eq3A_348 = vector.broadcast %eq3A_347 : i32 to vector<16xi32>
    %eq3A_349 = arith.cmpi eq, %iota3A, %eq3A_348 : vector<16xi32>
    %jit3A_350 = arith.constant 1982421356 : i32
    %broadcast_in_dim3A_351 = vector.broadcast %jit3A_350 : i32 to vector<16xi32>
    %select_n3A_352 = arith.select %eq3A_349, %broadcast_in_dim3A_351, %select_n3A_346 : vector<16xi1>, vector<16xi32>
    %eq3A_353 = arith.constant 14 : i32
    %eq3A_354 = vector.broadcast %eq3A_353 : i32 to vector<16xi32>
    %eq3A_355 = arith.cmpi eq, %iota3A, %eq3A_354 : vector<16xi32>
    %jit3A_356 = arith.constant 1148378356 : i32
    %broadcast_in_dim3A_357 = vector.broadcast %jit3A_356 : i32 to vector<16xi32>
    %select_n3A_358 = arith.select %eq3A_355, %broadcast_in_dim3A_357, %select_n3A_352 : vector<16xi1>, vector<16xi32>
    %eq3A_359 = arith.constant 15 : i32
    %eq3A_360 = vector.broadcast %eq3A_359 : i32 to vector<16xi32>
    %eq3A_361 = arith.cmpi eq, %iota3A, %eq3A_360 : vector<16xi32>
    %jit3A_362 = arith.constant 501647516 : i32
    %broadcast_in_dim3A_363 = vector.broadcast %jit3A_362 : i32 to vector<16xi32>
    %select_n3A_364 = arith.select %eq3A_361, %broadcast_in_dim3A_363, %select_n3A_358 : vector<16xi1>, vector<16xi32>
    %broadcast_in_dim3A_365 = arith.constant 2011647921 : i32
    %broadcast_in_dim3A_366 = vector.broadcast %broadcast_in_dim3A_365 : i32 to vector<16xi32>
    %eq3A_367 = arith.constant 1 : i32
    %eq3A_368 = vector.broadcast %eq3A_367 : i32 to vector<16xi32>
    %eq3A_369 = arith.cmpi eq, %iota3A, %eq3A_368 : vector<16xi32>
    %jit3A_370 = arith.constant 1141977827 : i32
    %broadcast_in_dim3A_371 = vector.broadcast %jit3A_370 : i32 to vector<16xi32>
    %select_n3A_372 = arith.select %eq3A_369, %broadcast_in_dim3A_371, %broadcast_in_dim3A_366 : vector<16xi1>, vector<16xi32>
    %eq3A_373 = arith.constant 2 : i32
    %eq3A_374 = vector.broadcast %eq3A_373 : i32 to vector<16xi32>
    %eq3A_375 = arith.cmpi eq, %iota3A, %eq3A_374 : vector<16xi32>
    %jit3A_376 = arith.constant 233273015 : i32
    %broadcast_in_dim3A_377 = vector.broadcast %jit3A_376 : i32 to vector<16xi32>
    %select_n3A_378 = arith.select %eq3A_375, %broadcast_in_dim3A_377, %select_n3A_372 : vector<16xi1>, vector<16xi32>
    %eq3A_379 = arith.constant 3 : i32
    %eq3A_380 = vector.broadcast %eq3A_379 : i32 to vector<16xi32>
    %eq3A_381 = arith.cmpi eq, %iota3A, %eq3A_380 : vector<16xi32>
    %jit3A_382 = arith.constant 1815371096 : i32
    %broadcast_in_dim3A_383 = vector.broadcast %jit3A_382 : i32 to vector<16xi32>
    %select_n3A_384 = arith.select %eq3A_381, %broadcast_in_dim3A_383, %select_n3A_378 : vector<16xi1>, vector<16xi32>
    %eq3A_385 = arith.constant 4 : i32
    %eq3A_386 = vector.broadcast %eq3A_385 : i32 to vector<16xi32>
    %eq3A_387 = arith.cmpi eq, %iota3A, %eq3A_386 : vector<16xi32>
    %jit3A_388 = arith.constant 1213686418 : i32
    %broadcast_in_dim3A_389 = vector.broadcast %jit3A_388 : i32 to vector<16xi32>
    %select_n3A_390 = arith.select %eq3A_387, %broadcast_in_dim3A_389, %select_n3A_384 : vector<16xi1>, vector<16xi32>
    %eq3A_391 = arith.constant 5 : i32
    %eq3A_392 = vector.broadcast %eq3A_391 : i32 to vector<16xi32>
    %eq3A_393 = arith.cmpi eq, %iota3A, %eq3A_392 : vector<16xi32>
    %jit3A_394 = arith.constant 1851131719 : i32
    %broadcast_in_dim3A_395 = vector.broadcast %jit3A_394 : i32 to vector<16xi32>
    %select_n3A_396 = arith.select %eq3A_393, %broadcast_in_dim3A_395, %select_n3A_390 : vector<16xi1>, vector<16xi32>
    %eq3A_397 = arith.constant 6 : i32
    %eq3A_398 = vector.broadcast %eq3A_397 : i32 to vector<16xi32>
    %eq3A_399 = arith.cmpi eq, %iota3A, %eq3A_398 : vector<16xi32>
    %jit3A_400 = arith.constant 1053696218 : i32
    %broadcast_in_dim3A_401 = vector.broadcast %jit3A_400 : i32 to vector<16xi32>
    %select_n3A_402 = arith.select %eq3A_399, %broadcast_in_dim3A_401, %select_n3A_396 : vector<16xi1>, vector<16xi32>
    %eq3A_403 = arith.constant 7 : i32
    %eq3A_404 = vector.broadcast %eq3A_403 : i32 to vector<16xi32>
    %eq3A_405 = arith.cmpi eq, %iota3A, %eq3A_404 : vector<16xi32>
    %jit3A_406 = arith.constant 1906738905 : i32
    %broadcast_in_dim3A_407 = vector.broadcast %jit3A_406 : i32 to vector<16xi32>
    %select_n3A_408 = arith.select %eq3A_405, %broadcast_in_dim3A_407, %select_n3A_402 : vector<16xi1>, vector<16xi32>
    %eq3A_409 = arith.constant 8 : i32
    %eq3A_410 = vector.broadcast %eq3A_409 : i32 to vector<16xi32>
    %eq3A_411 = arith.cmpi eq, %iota3A, %eq3A_410 : vector<16xi32>
    %jit3A_412 = arith.constant 1205344136 : i32
    %broadcast_in_dim3A_413 = vector.broadcast %jit3A_412 : i32 to vector<16xi32>
    %select_n3A_414 = arith.select %eq3A_411, %broadcast_in_dim3A_413, %select_n3A_408 : vector<16xi1>, vector<16xi32>
    %eq3A_415 = arith.constant 9 : i32
    %eq3A_416 = vector.broadcast %eq3A_415 : i32 to vector<16xi32>
    %eq3A_417 = arith.cmpi eq, %iota3A, %eq3A_416 : vector<16xi32>
    %jit3A_418 = arith.constant 1973623633 : i32
    %broadcast_in_dim3A_419 = vector.broadcast %jit3A_418 : i32 to vector<16xi32>
    %select_n3A_420 = arith.select %eq3A_417, %broadcast_in_dim3A_419, %select_n3A_414 : vector<16xi1>, vector<16xi32>
    %eq3A_421 = arith.constant 10 : i32
    %eq3A_422 = vector.broadcast %eq3A_421 : i32 to vector<16xi32>
    %eq3A_423 = arith.cmpi eq, %iota3A, %eq3A_422 : vector<16xi32>
    %jit3A_424 = arith.constant 1332682781 : i32
    %broadcast_in_dim3A_425 = vector.broadcast %jit3A_424 : i32 to vector<16xi32>
    %select_n3A_426 = arith.select %eq3A_423, %broadcast_in_dim3A_425, %select_n3A_420 : vector<16xi1>, vector<16xi32>
    %eq3A_427 = arith.constant 11 : i32
    %eq3A_428 = vector.broadcast %eq3A_427 : i32 to vector<16xi32>
    %eq3A_429 = arith.cmpi eq, %iota3A, %eq3A_428 : vector<16xi32>
    %jit3A_430 = arith.constant 498722935 : i32
    %broadcast_in_dim3A_431 = vector.broadcast %jit3A_430 : i32 to vector<16xi32>
    %select_n3A_432 = arith.select %eq3A_429, %broadcast_in_dim3A_431, %select_n3A_426 : vector<16xi1>, vector<16xi32>
    %eq3A_433 = arith.constant 12 : i32
    %eq3A_434 = vector.broadcast %eq3A_433 : i32 to vector<16xi32>
    %eq3A_435 = arith.cmpi eq, %iota3A, %eq3A_434 : vector<16xi32>
    %jit3A_436 = arith.constant 1227700694 : i32
    %broadcast_in_dim3A_437 = vector.broadcast %jit3A_436 : i32 to vector<16xi32>
    %select_n3A_438 = arith.select %eq3A_435, %broadcast_in_dim3A_437, %select_n3A_432 : vector<16xi1>, vector<16xi32>
    %eq3A_439 = arith.constant 13 : i32
    %eq3A_440 = vector.broadcast %eq3A_439 : i32 to vector<16xi32>
    %eq3A_441 = arith.cmpi eq, %iota3A, %eq3A_440 : vector<16xi32>
    %jit3A_442 = arith.constant 1792697582 : i32
    %broadcast_in_dim3A_443 = vector.broadcast %jit3A_442 : i32 to vector<16xi32>
    %select_n3A_444 = arith.select %eq3A_441, %broadcast_in_dim3A_443, %select_n3A_438 : vector<16xi1>, vector<16xi32>
    %eq3A_445 = arith.constant 14 : i32
    %eq3A_446 = vector.broadcast %eq3A_445 : i32 to vector<16xi32>
    %eq3A_447 = arith.cmpi eq, %iota3A, %eq3A_446 : vector<16xi32>
    %jit3A_448 = arith.constant 654972072 : i32
    %broadcast_in_dim3A_449 = vector.broadcast %jit3A_448 : i32 to vector<16xi32>
    %select_n3A_450 = arith.select %eq3A_447, %broadcast_in_dim3A_449, %select_n3A_444 : vector<16xi1>, vector<16xi32>
    %eq3A_451 = arith.constant 15 : i32
    %eq3A_452 = vector.broadcast %eq3A_451 : i32 to vector<16xi32>
    %eq3A_453 = arith.cmpi eq, %iota3A, %eq3A_452 : vector<16xi32>
    %jit3A_454 = arith.constant 902973260 : i32
    %broadcast_in_dim3A_455 = vector.broadcast %jit3A_454 : i32 to vector<16xi32>
    %select_n3A_456 = arith.select %eq3A_453, %broadcast_in_dim3A_455, %select_n3A_450 : vector<16xi1>, vector<16xi32>
    %broadcast_in_dim3A_457 = arith.constant 3148295 : i32
    %broadcast_in_dim3A_458 = vector.broadcast %broadcast_in_dim3A_457 : i32 to vector<16xi32>
    %eq3A_459 = arith.constant 1 : i32
    %eq3A_460 = vector.broadcast %eq3A_459 : i32 to vector<16xi32>
    %eq3A_461 = arith.cmpi eq, %iota3A, %eq3A_460 : vector<16xi32>
    %jit3A_462 = arith.constant 574972484 : i32
    %broadcast_in_dim3A_463 = vector.broadcast %jit3A_462 : i32 to vector<16xi32>
    %select_n3A_464 = arith.select %eq3A_461, %broadcast_in_dim3A_463, %broadcast_in_dim3A_458 : vector<16xi1>, vector<16xi32>
    %eq3A_465 = arith.constant 2 : i32
    %eq3A_466 = vector.broadcast %eq3A_465 : i32 to vector<16xi32>
    %eq3A_467 = arith.cmpi eq, %iota3A, %eq3A_466 : vector<16xi32>
    %jit3A_468 = arith.constant 1194890849 : i32
    %broadcast_in_dim3A_469 = vector.broadcast %jit3A_468 : i32 to vector<16xi32>
    %select_n3A_470 = arith.select %eq3A_467, %broadcast_in_dim3A_469, %select_n3A_464 : vector<16xi1>, vector<16xi32>
    %eq3A_471 = arith.constant 3 : i32
    %eq3A_472 = vector.broadcast %eq3A_471 : i32 to vector<16xi32>
    %eq3A_473 = arith.cmpi eq, %iota3A, %eq3A_472 : vector<16xi32>
    %jit3A_474 = arith.constant 831668196 : i32
    %broadcast_in_dim3A_475 = vector.broadcast %jit3A_474 : i32 to vector<16xi32>
    %select_n3A_476 = arith.select %eq3A_473, %broadcast_in_dim3A_475, %select_n3A_470 : vector<16xi1>, vector<16xi32>
    %eq3A_477 = arith.constant 4 : i32
    %eq3A_478 = vector.broadcast %eq3A_477 : i32 to vector<16xi32>
    %eq3A_479 = arith.cmpi eq, %iota3A, %eq3A_478 : vector<16xi32>
    %jit3A_480 = arith.constant 1051806027 : i32
    %broadcast_in_dim3A_481 = vector.broadcast %jit3A_480 : i32 to vector<16xi32>
    %select_n3A_482 = arith.select %eq3A_479, %broadcast_in_dim3A_481, %select_n3A_476 : vector<16xi1>, vector<16xi32>
    %eq3A_483 = arith.constant 5 : i32
    %eq3A_484 = vector.broadcast %eq3A_483 : i32 to vector<16xi32>
    %eq3A_485 = arith.cmpi eq, %iota3A, %eq3A_484 : vector<16xi32>
    %jit3A_486 = arith.constant 2105552124 : i32
    %broadcast_in_dim3A_487 = vector.broadcast %jit3A_486 : i32 to vector<16xi32>
    %select_n3A_488 = arith.select %eq3A_485, %broadcast_in_dim3A_487, %select_n3A_482 : vector<16xi1>, vector<16xi32>
    %eq3A_489 = arith.constant 6 : i32
    %eq3A_490 = vector.broadcast %eq3A_489 : i32 to vector<16xi32>
    %eq3A_491 = arith.cmpi eq, %iota3A, %eq3A_490 : vector<16xi32>
    %jit3A_492 = arith.constant 619480870 : i32
    %broadcast_in_dim3A_493 = vector.broadcast %jit3A_492 : i32 to vector<16xi32>
    %select_n3A_494 = arith.select %eq3A_491, %broadcast_in_dim3A_493, %select_n3A_488 : vector<16xi1>, vector<16xi32>
    %eq3A_495 = arith.constant 7 : i32
    %eq3A_496 = vector.broadcast %eq3A_495 : i32 to vector<16xi32>
    %eq3A_497 = arith.cmpi eq, %iota3A, %eq3A_496 : vector<16xi32>
    %jit3A_498 = arith.constant 1217665471 : i32
    %broadcast_in_dim3A_499 = vector.broadcast %jit3A_498 : i32 to vector<16xi32>
    %select_n3A_500 = arith.select %eq3A_497, %broadcast_in_dim3A_499, %select_n3A_494 : vector<16xi1>, vector<16xi32>
    %eq3A_501 = arith.constant 8 : i32
    %eq3A_502 = vector.broadcast %eq3A_501 : i32 to vector<16xi32>
    %eq3A_503 = arith.cmpi eq, %iota3A, %eq3A_502 : vector<16xi32>
    %jit3A_504 = arith.constant 1968368069 : i32
    %broadcast_in_dim3A_505 = vector.broadcast %jit3A_504 : i32 to vector<16xi32>
    %select_n3A_506 = arith.select %eq3A_503, %broadcast_in_dim3A_505, %select_n3A_500 : vector<16xi1>, vector<16xi32>
    %eq3A_507 = arith.constant 9 : i32
    %eq3A_508 = vector.broadcast %eq3A_507 : i32 to vector<16xi32>
    %eq3A_509 = arith.cmpi eq, %iota3A, %eq3A_508 : vector<16xi32>
    %jit3A_510 = arith.constant 2036945824 : i32
    %broadcast_in_dim3A_511 = vector.broadcast %jit3A_510 : i32 to vector<16xi32>
    %select_n3A_512 = arith.select %eq3A_509, %broadcast_in_dim3A_511, %select_n3A_506 : vector<16xi1>, vector<16xi32>
    %eq3A_513 = arith.constant 10 : i32
    %eq3A_514 = vector.broadcast %eq3A_513 : i32 to vector<16xi32>
    %eq3A_515 = arith.cmpi eq, %iota3A, %eq3A_514 : vector<16xi32>
    %jit3A_516 = arith.constant 1286465655 : i32
    %broadcast_in_dim3A_517 = vector.broadcast %jit3A_516 : i32 to vector<16xi32>
    %select_n3A_518 = arith.select %eq3A_515, %broadcast_in_dim3A_517, %select_n3A_512 : vector<16xi1>, vector<16xi32>
    %eq3A_519 = arith.constant 11 : i32
    %eq3A_520 = vector.broadcast %eq3A_519 : i32 to vector<16xi32>
    %eq3A_521 = arith.cmpi eq, %iota3A, %eq3A_520 : vector<16xi32>
    %jit3A_522 = arith.constant 1900108255 : i32
    %broadcast_in_dim3A_523 = vector.broadcast %jit3A_522 : i32 to vector<16xi32>
    %select_n3A_524 = arith.select %eq3A_521, %broadcast_in_dim3A_523, %select_n3A_518 : vector<16xi1>, vector<16xi32>
    %eq3A_525 = arith.constant 12 : i32
    %eq3A_526 = vector.broadcast %eq3A_525 : i32 to vector<16xi32>
    %eq3A_527 = arith.cmpi eq, %iota3A, %eq3A_526 : vector<16xi32>
    %jit3A_528 = arith.constant 1027825450 : i32
    %broadcast_in_dim3A_529 = vector.broadcast %jit3A_528 : i32 to vector<16xi32>
    %select_n3A_530 = arith.select %eq3A_527, %broadcast_in_dim3A_529, %select_n3A_524 : vector<16xi1>, vector<16xi32>
    %eq3A_531 = arith.constant 13 : i32
    %eq3A_532 = vector.broadcast %eq3A_531 : i32 to vector<16xi32>
    %eq3A_533 = arith.cmpi eq, %iota3A, %eq3A_532 : vector<16xi32>
    %jit3A_534 = arith.constant 1450122370 : i32
    %broadcast_in_dim3A_535 = vector.broadcast %jit3A_534 : i32 to vector<16xi32>
    %select_n3A_536 = arith.select %eq3A_533, %broadcast_in_dim3A_535, %select_n3A_530 : vector<16xi1>, vector<16xi32>
    %eq3A_537 = arith.constant 14 : i32
    %eq3A_538 = vector.broadcast %eq3A_537 : i32 to vector<16xi32>
    %eq3A_539 = arith.cmpi eq, %iota3A, %eq3A_538 : vector<16xi32>
    %jit3A_540 = arith.constant 1147306558 : i32
    %broadcast_in_dim3A_541 = vector.broadcast %jit3A_540 : i32 to vector<16xi32>
    %select_n3A_542 = arith.select %eq3A_539, %broadcast_in_dim3A_541, %select_n3A_536 : vector<16xi1>, vector<16xi32>
    %eq3A_543 = arith.constant 15 : i32
    %eq3A_544 = vector.broadcast %eq3A_543 : i32 to vector<16xi32>
    %eq3A_545 = arith.cmpi eq, %iota3A, %eq3A_544 : vector<16xi32>
    %jit3A_546 = arith.constant 449884186 : i32
    %broadcast_in_dim3A_547 = vector.broadcast %jit3A_546 : i32 to vector<16xi32>
    %select_n3A_548 = arith.select %eq3A_545, %broadcast_in_dim3A_547, %select_n3A_542 : vector<16xi1>, vector<16xi32>
    %get3A = arith.constant 0 : index
    %get3A_549 = tpu.vector_load %arg6[%get3A] {strides = array<i32>} : memref<16xi32, #tpu.memory_space<vmem>>, vector<16xi32>,
    %get3A_550 = vector.shape_cast %get3A_549 : vector<16xi32> to vector<16xi32>
    %iota3A_551 = tpu.iota {dimensions = array<i32: 0>} : vector<16xi32>
    %add3A_552 = arith.constant 1 : i32
    %add3A_553 = vector.broadcast %add3A_552 : i32 to vector<16xi32>
    %add3A_554 = arith.addi %iota3A_551, %add3A_553 : vector<16xi32>
    %min3A = arith.constant 15 : i32
    %min3A_555 = vector.broadcast %min3A : i32 to vector<16xi32>
    %min3A_556 = arith.minsi %add3A_554, %min3A_555 : vector<16xi32>
    %broadcast_in_dim3A_557 = vector.shape_cast %min3A_556 : vector<16xi32> to vector<16x1xi32>
    %gather3A = vector.shape_cast %broadcast_in_dim3A_557 : vector<16x1xi32> to vector<16xi32>
    %gather3A_558 = tpu.dynamic_gather %get3A_550[%gather3A] in [0] : vector<16xi32>, vector<16xi32> -> vector<16xi32>
    %eq3A_559 = arith.constant 15 : i32
    %eq3A_560 = vector.broadcast %eq3A_559 : i32 to vector<16xi32>
    %eq3A_561 = arith.cmpi eq, %iota3A_551, %eq3A_560 : vector<16xi32>
    %jit3A_562 = arith.constant 32768 : i32
    %broadcast_in_dim3A_563 = vector.broadcast %jit3A_562 : i32 to vector<16xi32>
    %select_n3A_564 = arith.select %eq3A_561, %broadcast_in_dim3A_563, %gather3A_558 : vector<16xi1>, vector<16xi32>
    %sub3A = arith.subi %select_n3A_564, %get3A_550 : vector<16xi32>
    %max3A = arith.constant 1 : i32
    %max3A_565 = vector.broadcast %max3A : i32 to vector<16xi32>
    %max3A_566 = arith.maxsi %sub3A, %max3A_565 : vector<16xi32>
    %eq3A_567 = arith.constant 0 : i32
    %eq3A_568 = vector.broadcast %eq3A_567 : i32 to vector<16xi32>
    %eq3A_569 = arith.cmpi eq, %max3A_566, %eq3A_568 : vector<16xi32>
    %broadcast_in_dim3A_570 = arith.constant 1 : i32
    %broadcast_in_dim3A_571 = vector.broadcast %broadcast_in_dim3A_570 : i32 to vector<16xi32>
    %select_n3A_572 = arith.select %eq3A_569, %broadcast_in_dim3A_571, %max3A_566 : vector<16xi1>, vector<16xi32>
    %rem3A = arith.remsi %select_n3A_88, %select_n3A_572 : vector<16xi32>
    %ne3A = arith.constant 0 : i32
    %ne3A_573 = vector.broadcast %ne3A : i32 to vector<16xi32>
    %ne3A_574 = arith.cmpi ne, %rem3A, %ne3A_573 : vector<16xi32>
    %lt3A = arith.constant 0 : i32
    %lt3A_575 = vector.broadcast %lt3A : i32 to vector<16xi32>
    %lt3A_576 = arith.cmpi slt, %rem3A, %lt3A_575 : vector<16xi32>
    %lt3A_577 = arith.constant 0 : i32
    %lt3A_578 = vector.broadcast %lt3A_577 : i32 to vector<16xi32>
    %lt3A_579 = arith.cmpi slt, %select_n3A_572, %lt3A_578 : vector<16xi32>
    %ne3A_580 = arith.xori %lt3A_576, %lt3A_579 : vector<16xi1>
    %and3A = arith.andi %ne3A_580, %ne3A_574 : vector<16xi1>
    %add3A_581 = arith.addi %rem3A, %select_n3A_572 : vector<16xi32>
    %select_n3A_582 = arith.select %and3A, %add3A_581, %rem3A : vector<16xi1>, vector<16xi32>
    %add3A_583 = arith.addi %get3A_550, %select_n3A_582 : vector<16xi32>
    %eq3A_584 = arith.constant 0 : i32
    %eq3A_585 = vector.broadcast %eq3A_584 : i32 to vector<16xi32>
    %eq3A_586 = arith.cmpi eq, %max3A_566, %eq3A_585 : vector<16xi32>
    %broadcast_in_dim3A_587 = arith.constant 1 : i32
    %broadcast_in_dim3A_588 = vector.broadcast %broadcast_in_dim3A_587 : i32 to vector<16xi32>
    %select_n3A_589 = arith.select %eq3A_586, %broadcast_in_dim3A_588, %max3A_566 : vector<16xi1>, vector<16xi32>
    %rem3A_590 = arith.remsi %select_n3A_364, %select_n3A_589 : vector<16xi32>
    %ne3A_591 = arith.constant 0 : i32
    %ne3A_592 = vector.broadcast %ne3A_591 : i32 to vector<16xi32>
    %ne3A_593 = arith.cmpi ne, %rem3A_590, %ne3A_592 : vector<16xi32>
    %lt3A_594 = arith.constant 0 : i32
    %lt3A_595 = vector.broadcast %lt3A_594 : i32 to vector<16xi32>
    %lt3A_596 = arith.cmpi slt, %rem3A_590, %lt3A_595 : vector<16xi32>
    %lt3A_597 = arith.constant 0 : i32
    %lt3A_598 = vector.broadcast %lt3A_597 : i32 to vector<16xi32>
    %lt3A_599 = arith.cmpi slt, %select_n3A_589, %lt3A_598 : vector<16xi32>
    %ne3A_600 = arith.xori %lt3A_596, %lt3A_599 : vector<16xi1>
    %and3A_601 = arith.andi %ne3A_600, %ne3A_593 : vector<16xi1>
    %add3A_602 = arith.addi %rem3A_590, %select_n3A_589 : vector<16xi32>
    %select_n3A_603 = arith.select %and3A_601, %add3A_602, %rem3A_590 : vector<16xi1>, vector<16xi32>
    %add3A_604 = arith.addi %get3A_550, %select_n3A_603 : vector<16xi32>
    %eq3A_605 = arith.constant 0 : i32
    %eq3A_606 = vector.broadcast %eq3A_605 : i32 to vector<16xi32>
    %eq3A_607 = arith.cmpi eq, %max3A_566, %eq3A_606 : vector<16xi32>
    %broadcast_in_dim3A_608 = arith.constant 1 : i32
    %broadcast_in_dim3A_609 = vector.broadcast %broadcast_in_dim3A_608 : i32 to vector<16xi32>
    %select_n3A_610 = arith.select %eq3A_607, %broadcast_in_dim3A_609, %max3A_566 : vector<16xi1>, vector<16xi32>
    %rem3A_611 = arith.remsi %select_n3A_180, %select_n3A_610 : vector<16xi32>
    %ne3A_612 = arith.constant 0 : i32
    %ne3A_613 = vector.broadcast %ne3A_612 : i32 to vector<16xi32>
    %ne3A_614 = arith.cmpi ne, %rem3A_611, %ne3A_613 : vector<16xi32>
    %lt3A_615 = arith.constant 0 : i32
    %lt3A_616 = vector.broadcast %lt3A_615 : i32 to vector<16xi32>
    %lt3A_617 = arith.cmpi slt, %rem3A_611, %lt3A_616 : vector<16xi32>
    %lt3A_618 = arith.constant 0 : i32
    %lt3A_619 = vector.broadcast %lt3A_618 : i32 to vector<16xi32>
    %lt3A_620 = arith.cmpi slt, %select_n3A_610, %lt3A_619 : vector<16xi32>
    %ne3A_621 = arith.xori %lt3A_617, %lt3A_620 : vector<16xi1>
    %and3A_622 = arith.andi %ne3A_621, %ne3A_614 : vector<16xi1>
    %add3A_623 = arith.addi %rem3A_611, %select_n3A_610 : vector<16xi32>
    %select_n3A_624 = arith.select %and3A_622, %add3A_623, %rem3A_611 : vector<16xi1>, vector<16xi32>
    %add3A_625 = arith.addi %get3A_550, %select_n3A_624 : vector<16xi32>
    %eq3A_626 = arith.constant 0 : i32
    %eq3A_627 = vector.broadcast %eq3A_626 : i32 to vector<16xi32>
    %eq3A_628 = arith.cmpi eq, %max3A_566, %eq3A_627 : vector<16xi32>
    %broadcast_in_dim3A_629 = arith.constant 1 : i32
    %broadcast_in_dim3A_630 = vector.broadcast %broadcast_in_dim3A_629 : i32 to vector<16xi32>
    %select_n3A_631 = arith.select %eq3A_628, %broadcast_in_dim3A_630, %max3A_566 : vector<16xi1>, vector<16xi32>
    %rem3A_632 = arith.remsi %select_n3A_456, %select_n3A_631 : vector<16xi32>
    %ne3A_633 = arith.constant 0 : i32
    %ne3A_634 = vector.broadcast %ne3A_633 : i32 to vector<16xi32>
    %ne3A_635 = arith.cmpi ne, %rem3A_632, %ne3A_634 : vector<16xi32>
    %lt3A_636 = arith.constant 0 : i32
    %lt3A_637 = vector.broadcast %lt3A_636 : i32 to vector<16xi32>
    %lt3A_638 = arith.cmpi slt, %rem3A_632, %lt3A_637 : vector<16xi32>
    %lt3A_639 = arith.constant 0 : i32
    %lt3A_640 = vector.broadcast %lt3A_639 : i32 to vector<16xi32>
    %lt3A_641 = arith.cmpi slt, %select_n3A_631, %lt3A_640 : vector<16xi32>
    %ne3A_642 = arith.xori %lt3A_638, %lt3A_641 : vector<16xi1>
    %and3A_643 = arith.andi %ne3A_642, %ne3A_635 : vector<16xi1>
    %add3A_644 = arith.addi %rem3A_632, %select_n3A_631 : vector<16xi32>
    %select_n3A_645 = arith.select %and3A_643, %add3A_644, %rem3A_632 : vector<16xi1>, vector<16xi32>
    %add3A_646 = arith.addi %get3A_550, %select_n3A_645 : vector<16xi32>
    %eq3A_647 = arith.constant 0 : i32
    %eq3A_648 = vector.broadcast %eq3A_647 : i32 to vector<16xi32>
    %eq3A_649 = arith.cmpi eq, %max3A_566, %eq3A_648 : vector<16xi32>
    %broadcast_in_dim3A_650 = arith.constant 1 : i32
    %broadcast_in_dim3A_651 = vector.broadcast %broadcast_in_dim3A_650 : i32 to vector<16xi32>
    %select_n3A_652 = arith.select %eq3A_649, %broadcast_in_dim3A_651, %max3A_566 : vector<16xi1>, vector<16xi32>
    %rem3A_653 = arith.remsi %select_n3A_272, %select_n3A_652 : vector<16xi32>
    %ne3A_654 = arith.constant 0 : i32
    %ne3A_655 = vector.broadcast %ne3A_654 : i32 to vector<16xi32>
    %ne3A_656 = arith.cmpi ne, %rem3A_653, %ne3A_655 : vector<16xi32>
    %lt3A_657 = arith.constant 0 : i32
    %lt3A_658 = vector.broadcast %lt3A_657 : i32 to vector<16xi32>
    %lt3A_659 = arith.cmpi slt, %rem3A_653, %lt3A_658 : vector<16xi32>
    %lt3A_660 = arith.constant 0 : i32
    %lt3A_661 = vector.broadcast %lt3A_660 : i32 to vector<16xi32>
    %lt3A_662 = arith.cmpi slt, %select_n3A_652, %lt3A_661 : vector<16xi32>
    %ne3A_663 = arith.xori %lt3A_659, %lt3A_662 : vector<16xi1>
    %and3A_664 = arith.andi %ne3A_663, %ne3A_656 : vector<16xi1>
    %add3A_665 = arith.addi %rem3A_653, %select_n3A_652 : vector<16xi32>
    %select_n3A_666 = arith.select %and3A_664, %add3A_665, %rem3A_653 : vector<16xi1>, vector<16xi32>
    %add3A_667 = arith.addi %get3A_550, %select_n3A_666 : vector<16xi32>
    %eq3A_668 = arith.constant 0 : i32
    %eq3A_669 = vector.broadcast %eq3A_668 : i32 to vector<16xi32>
    %eq3A_670 = arith.cmpi eq, %max3A_566, %eq3A_669 : vector<16xi32>
    %broadcast_in_dim3A_671 = arith.constant 1 : i32
    %broadcast_in_dim3A_672 = vector.broadcast %broadcast_in_dim3A_671 : i32 to vector<16xi32>
    %select_n3A_673 = arith.select %eq3A_670, %broadcast_in_dim3A_672, %max3A_566 : vector<16xi1>, vector<16xi32>
    %rem3A_674 = arith.remsi %select_n3A_548, %select_n3A_673 : vector<16xi32>
    %ne3A_675 = arith.constant 0 : i32
    %ne3A_676 = vector.broadcast %ne3A_675 : i32 to vector<16xi32>
    %ne3A_677 = arith.cmpi ne, %rem3A_674, %ne3A_676 : vector<16xi32>
    %lt3A_678 = arith.constant 0 : i32
    %lt3A_679 = vector.broadcast %lt3A_678 : i32 to vector<16xi32>
    %lt3A_680 = arith.cmpi slt, %rem3A_674, %lt3A_679 : vector<16xi32>
    %lt3A_681 = arith.constant 0 : i32
    %lt3A_682 = vector.broadcast %lt3A_681 : i32 to vector<16xi32>
    %lt3A_683 = arith.cmpi slt, %select_n3A_673, %lt3A_682 : vector<16xi32>
    %ne3A_684 = arith.xori %lt3A_680, %lt3A_683 : vector<16xi1>
    %and3A_685 = arith.andi %ne3A_684, %ne3A_677 : vector<16xi1>
    %add3A_686 = arith.addi %rem3A_674, %select_n3A_673 : vector<16xi32>
    %select_n3A_687 = arith.select %and3A_685, %add3A_686, %rem3A_674 : vector<16xi1>, vector<16xi32>
    %add3A_688 = arith.addi %get3A_550, %select_n3A_687 : vector<16xi32>
    %scan3A = arith.constant 0 : i32
    %scan3A_689 = arith.constant 16 : i32
    %scan3A_690 = arith.addi %scan3A, %scan3A_689 : i32
    %scan3A_691 = arith.constant 1 : i32
    %scan3A_692:6 = scf.for %scan3A_774 = %scan3A to %scan3A_690 step %scan3A_691 iter_args(%scan3A_775 = %add3A_583, %scan3A_776 = %add3A_604, %scan3A_777 = %add3A_625, %scan3A_778 = %add3A_646, %scan3A_779 = %add3A_667, %scan3A_780 = %add3A_688) -> (vector<16xi32>, vector<16xi32>, vector<16xi32>, vector<16xi32>, vector<16xi32>, vector<16xi32>)  : i32 {
      %broadcast_in_dim3A_781 = vector.broadcast %scan3A_774 : i32 to vector<16x1xi32>
      %gather3A_782 = vector.shape_cast %broadcast_in_dim3A_781 : vector<16x1xi32> to vector<16xi32>
      %gather3A_783 = tpu.dynamic_gather %add3A_583[%gather3A_782] in [0] : vector<16xi32>, vector<16xi32> -> vector<16xi32>
      %broadcast_in_dim3A_784 = vector.broadcast %scan3A_774 : i32 to vector<16x1xi32>
      %gather3A_785 = vector.shape_cast %broadcast_in_dim3A_784 : vector<16x1xi32> to vector<16xi32>
      %gather3A_786 = tpu.dynamic_gather %add3A_604[%gather3A_785] in [0] : vector<16xi32>, vector<16xi32> -> vector<16xi32>
      %eq3A_787 = arith.cmpi eq, %add3A_583, %gather3A_783 : vector<16xi32>
      %select_n3A_788 = arith.select %eq3A_787, %gather3A_786, %scan3A_775 : vector<16xi1>, vector<16xi32>
      %eq3A_789 = arith.cmpi eq, %add3A_604, %gather3A_783 : vector<16xi32>
      %select_n3A_790 = arith.select %eq3A_789, %gather3A_786, %scan3A_776 : vector<16xi1>, vector<16xi32>
      %eq3A_791 = arith.cmpi eq, %add3A_625, %gather3A_783 : vector<16xi32>
      %select_n3A_792 = arith.select %eq3A_791, %gather3A_786, %scan3A_777 : vector<16xi1>, vector<16xi32>
      %eq3A_793 = arith.cmpi eq, %add3A_646, %gather3A_783 : vector<16xi32>
      %select_n3A_794 = arith.select %eq3A_793, %gather3A_786, %scan3A_778 : vector<16xi1>, vector<16xi32>
      %eq3A_795 = arith.cmpi eq, %add3A_667, %gather3A_783 : vector<16xi32>
      %select_n3A_796 = arith.select %eq3A_795, %gather3A_786, %scan3A_779 : vector<16xi1>, vector<16xi32>
      %eq3A_797 = arith.cmpi eq, %add3A_688, %gather3A_783 : vector<16xi32>
      %select_n3A_798 = arith.select %eq3A_797, %gather3A_786, %scan3A_780 : vector<16xi1>, vector<16xi32>
      scf.yield %select_n3A_788, %select_n3A_790, %select_n3A_792, %select_n3A_794, %select_n3A_796, %select_n3A_798 : vector<16xi32>, vector<16xi32>, vector<16xi32>, vector<16xi32>, vector<16xi32>, vector<16xi32>
    }
    %scan3A_693 = arith.constant 16 : i32
    %scan3A_694 = arith.constant 0 : i32
    %scan3A_695 = arith.constant 16 : i32
    %scan3A_696 = arith.addi %scan3A_694, %scan3A_695 : i32
    %scan3A_697 = arith.constant 1 : i32
    %scan3A_698:6 = scf.for %scan3A_774 = %scan3A_694 to %scan3A_696 step %scan3A_697 iter_args(%scan3A_775 = %scan3A_692#0, %scan3A_776 = %scan3A_692#1, %scan3A_777 = %scan3A_692#2, %scan3A_778 = %scan3A_692#3, %scan3A_779 = %scan3A_692#4, %scan3A_780 = %scan3A_692#5) -> (vector<16xi32>, vector<16xi32>, vector<16xi32>, vector<16xi32>, vector<16xi32>, vector<16xi32>)  : i32 {
      %broadcast_in_dim3A_781 = vector.broadcast %scan3A_774 : i32 to vector<16x1xi32>
      %gather3A_782 = vector.shape_cast %broadcast_in_dim3A_781 : vector<16x1xi32> to vector<16xi32>
      %gather3A_783 = tpu.dynamic_gather %add3A_604[%gather3A_782] in [0] : vector<16xi32>, vector<16xi32> -> vector<16xi32>
      %broadcast_in_dim3A_784 = vector.broadcast %scan3A_774 : i32 to vector<16x1xi32>
      %gather3A_785 = vector.shape_cast %broadcast_in_dim3A_784 : vector<16x1xi32> to vector<16xi32>
      %gather3A_786 = tpu.dynamic_gather %add3A_583[%gather3A_785] in [0] : vector<16xi32>, vector<16xi32> -> vector<16xi32>
      %eq3A_787 = arith.cmpi eq, %add3A_583, %gather3A_783 : vector<16xi32>
      %select_n3A_788 = arith.select %eq3A_787, %gather3A_786, %scan3A_775 : vector<16xi1>, vector<16xi32>
      %eq3A_789 = arith.cmpi eq, %add3A_604, %gather3A_783 : vector<16xi32>
      %select_n3A_790 = arith.select %eq3A_789, %gather3A_786, %scan3A_776 : vector<16xi1>, vector<16xi32>
      %eq3A_791 = arith.cmpi eq, %add3A_625, %gather3A_783 : vector<16xi32>
      %select_n3A_792 = arith.select %eq3A_791, %gather3A_786, %scan3A_777 : vector<16xi1>, vector<16xi32>
      %eq3A_793 = arith.cmpi eq, %add3A_646, %gather3A_783 : vector<16xi32>
      %select_n3A_794 = arith.select %eq3A_793, %gather3A_786, %scan3A_778 : vector<16xi1>, vector<16xi32>
      %eq3A_795 = arith.cmpi eq, %add3A_667, %gather3A_783 : vector<16xi32>
      %select_n3A_796 = arith.select %eq3A_795, %gather3A_786, %scan3A_779 : vector<16xi1>, vector<16xi32>
      %eq3A_797 = arith.cmpi eq, %add3A_688, %gather3A_783 : vector<16xi32>
      %select_n3A_798 = arith.select %eq3A_797, %gather3A_786, %scan3A_780 : vector<16xi1>, vector<16xi32>
      scf.yield %select_n3A_788, %select_n3A_790, %select_n3A_792, %select_n3A_794, %select_n3A_796, %select_n3A_798 : vector<16xi32>, vector<16xi32>, vector<16xi32>, vector<16xi32>, vector<16xi32>, vector<16xi32>
    }
    %scan3A_699 = arith.constant 16 : i32
    %scan3A_700 = arith.constant 0 : i32
    %scan3A_701 = arith.constant 16 : i32
    %scan3A_702 = arith.addi %scan3A_700, %scan3A_701 : i32
    %scan3A_703 = arith.constant 1 : i32
    %scan3A_704:6 = scf.for %scan3A_774 = %scan3A_700 to %scan3A_702 step %scan3A_703 iter_args(%scan3A_775 = %scan3A_698#0, %scan3A_776 = %scan3A_698#1, %scan3A_777 = %scan3A_698#2, %scan3A_778 = %scan3A_698#3, %scan3A_779 = %scan3A_698#4, %scan3A_780 = %scan3A_698#5) -> (vector<16xi32>, vector<16xi32>, vector<16xi32>, vector<16xi32>, vector<16xi32>, vector<16xi32>)  : i32 {
      %broadcast_in_dim3A_781 = vector.broadcast %scan3A_774 : i32 to vector<16x1xi32>
      %gather3A_782 = vector.shape_cast %broadcast_in_dim3A_781 : vector<16x1xi32> to vector<16xi32>
      %gather3A_783 = tpu.dynamic_gather %add3A_625[%gather3A_782] in [0] : vector<16xi32>, vector<16xi32> -> vector<16xi32>
      %broadcast_in_dim3A_784 = vector.broadcast %scan3A_774 : i32 to vector<16x1xi32>
      %gather3A_785 = vector.shape_cast %broadcast_in_dim3A_784 : vector<16x1xi32> to vector<16xi32>
      %gather3A_786 = tpu.dynamic_gather %scan3A_698#3[%gather3A_785] in [0] : vector<16xi32>, vector<16xi32> -> vector<16xi32>
      %eq3A_787 = arith.cmpi eq, %add3A_583, %gather3A_783 : vector<16xi32>
      %select_n3A_788 = arith.select %eq3A_787, %gather3A_786, %scan3A_775 : vector<16xi1>, vector<16xi32>
      %eq3A_789 = arith.cmpi eq, %add3A_604, %gather3A_783 : vector<16xi32>
      %select_n3A_790 = arith.select %eq3A_789, %gather3A_786, %scan3A_776 : vector<16xi1>, vector<16xi32>
      %eq3A_791 = arith.cmpi eq, %add3A_625, %gather3A_783 : vector<16xi32>
      %select_n3A_792 = arith.select %eq3A_791, %gather3A_786, %scan3A_777 : vector<16xi1>, vector<16xi32>
      %eq3A_793 = arith.cmpi eq, %add3A_646, %gather3A_783 : vector<16xi32>
      %select_n3A_794 = arith.select %eq3A_793, %gather3A_786, %scan3A_778 : vector<16xi1>, vector<16xi32>
      %eq3A_795 = arith.cmpi eq, %add3A_667, %gather3A_783 : vector<16xi32>
      %select_n3A_796 = arith.select %eq3A_795, %gather3A_786, %scan3A_779 : vector<16xi1>, vector<16xi32>
      %eq3A_797 = arith.cmpi eq, %add3A_688, %gather3A_783 : vector<16xi32>
      %select_n3A_798 = arith.select %eq3A_797, %gather3A_786, %scan3A_780 : vector<16xi1>, vector<16xi32>
      scf.yield %select_n3A_788, %select_n3A_790, %select_n3A_792, %select_n3A_794, %select_n3A_796, %select_n3A_798 : vector<16xi32>, vector<16xi32>, vector<16xi32>, vector<16xi32>, vector<16xi32>, vector<16xi32>
    }
    %scan3A_705 = arith.constant 16 : i32
    %scan3A_706 = arith.constant 0 : i32
    %scan3A_707 = arith.constant 16 : i32
    %scan3A_708 = arith.addi %scan3A_706, %scan3A_707 : i32
    %scan3A_709 = arith.constant 1 : i32
    %scan3A_710:6 = scf.for %scan3A_774 = %scan3A_706 to %scan3A_708 step %scan3A_709 iter_args(%scan3A_775 = %scan3A_704#0, %scan3A_776 = %scan3A_704#1, %scan3A_777 = %scan3A_704#2, %scan3A_778 = %scan3A_704#3, %scan3A_779 = %scan3A_704#4, %scan3A_780 = %scan3A_704#5) -> (vector<16xi32>, vector<16xi32>, vector<16xi32>, vector<16xi32>, vector<16xi32>, vector<16xi32>)  : i32 {
      %broadcast_in_dim3A_781 = vector.broadcast %scan3A_774 : i32 to vector<16x1xi32>
      %gather3A_782 = vector.shape_cast %broadcast_in_dim3A_781 : vector<16x1xi32> to vector<16xi32>
      %gather3A_783 = tpu.dynamic_gather %add3A_646[%gather3A_782] in [0] : vector<16xi32>, vector<16xi32> -> vector<16xi32>
      %broadcast_in_dim3A_784 = vector.broadcast %scan3A_774 : i32 to vector<16x1xi32>
      %gather3A_785 = vector.shape_cast %broadcast_in_dim3A_784 : vector<16x1xi32> to vector<16xi32>
      %gather3A_786 = tpu.dynamic_gather %scan3A_698#2[%gather3A_785] in [0] : vector<16xi32>, vector<16xi32> -> vector<16xi32>
      %eq3A_787 = arith.cmpi eq, %add3A_583, %gather3A_783 : vector<16xi32>
      %select_n3A_788 = arith.select %eq3A_787, %gather3A_786, %scan3A_775 : vector<16xi1>, vector<16xi32>
      %eq3A_789 = arith.cmpi eq, %add3A_604, %gather3A_783 : vector<16xi32>
      %select_n3A_790 = arith.select %eq3A_789, %gather3A_786, %scan3A_776 : vector<16xi1>, vector<16xi32>
      %eq3A_791 = arith.cmpi eq, %add3A_625, %gather3A_783 : vector<16xi32>
      %select_n3A_792 = arith.select %eq3A_791, %gather3A_786, %scan3A_777 : vector<16xi1>, vector<16xi32>
      %eq3A_793 = arith.cmpi eq, %add3A_646, %gather3A_783 : vector<16xi32>
      %select_n3A_794 = arith.select %eq3A_793, %gather3A_786, %scan3A_778 : vector<16xi1>, vector<16xi32>
      %eq3A_795 = arith.cmpi eq, %add3A_667, %gather3A_783 : vector<16xi32>
      %select_n3A_796 = arith.select %eq3A_795, %gather3A_786, %scan3A_779 : vector<16xi1>, vector<16xi32>
      %eq3A_797 = arith.cmpi eq, %add3A_688, %gather3A_783 : vector<16xi32>
      %select_n3A_798 = arith.select %eq3A_797, %gather3A_786, %scan3A_780 : vector<16xi1>, vector<16xi32>
      scf.yield %select_n3A_788, %select_n3A_790, %select_n3A_792, %select_n3A_794, %select_n3A_796, %select_n3A_798 : vector<16xi32>, vector<16xi32>, vector<16xi32>, vector<16xi32>, vector<16xi32>, vector<16xi32>
    }
    %scan3A_711 = arith.constant 16 : i32
    %scan3A_712 = arith.constant 0 : i32
    %scan3A_713 = arith.constant 16 : i32
    %scan3A_714 = arith.addi %scan3A_712, %scan3A_713 : i32
    %scan3A_715 = arith.constant 1 : i32
    %scan3A_716:6 = scf.for %scan3A_774 = %scan3A_712 to %scan3A_714 step %scan3A_715 iter_args(%scan3A_775 = %scan3A_710#0, %scan3A_776 = %scan3A_710#1, %scan3A_777 = %scan3A_710#2, %scan3A_778 = %scan3A_710#3, %scan3A_779 = %scan3A_710#4, %scan3A_780 = %scan3A_710#5) -> (vector<16xi32>, vector<16xi32>, vector<16xi32>, vector<16xi32>, vector<16xi32>, vector<16xi32>)  : i32 {
      %broadcast_in_dim3A_781 = vector.broadcast %scan3A_774 : i32 to vector<16x1xi32>
      %gather3A_782 = vector.shape_cast %broadcast_in_dim3A_781 : vector<16x1xi32> to vector<16xi32>
      %gather3A_783 = tpu.dynamic_gather %add3A_667[%gather3A_782] in [0] : vector<16xi32>, vector<16xi32> -> vector<16xi32>
      %broadcast_in_dim3A_784 = vector.broadcast %scan3A_774 : i32 to vector<16x1xi32>
      %gather3A_785 = vector.shape_cast %broadcast_in_dim3A_784 : vector<16x1xi32> to vector<16xi32>
      %gather3A_786 = tpu.dynamic_gather %scan3A_710#5[%gather3A_785] in [0] : vector<16xi32>, vector<16xi32> -> vector<16xi32>
      %eq3A_787 = arith.cmpi eq, %add3A_583, %gather3A_783 : vector<16xi32>
      %select_n3A_788 = arith.select %eq3A_787, %gather3A_786, %scan3A_775 : vector<16xi1>, vector<16xi32>
      %eq3A_789 = arith.cmpi eq, %add3A_604, %gather3A_783 : vector<16xi32>
      %select_n3A_790 = arith.select %eq3A_789, %gather3A_786, %scan3A_776 : vector<16xi1>, vector<16xi32>
      %eq3A_791 = arith.cmpi eq, %add3A_625, %gather3A_783 : vector<16xi32>
      %select_n3A_792 = arith.select %eq3A_791, %gather3A_786, %scan3A_777 : vector<16xi1>, vector<16xi32>
      %eq3A_793 = arith.cmpi eq, %add3A_646, %gather3A_783 : vector<16xi32>
      %select_n3A_794 = arith.select %eq3A_793, %gather3A_786, %scan3A_778 : vector<16xi1>, vector<16xi32>
      %eq3A_795 = arith.cmpi eq, %add3A_667, %gather3A_783 : vector<16xi32>
      %select_n3A_796 = arith.select %eq3A_795, %gather3A_786, %scan3A_779 : vector<16xi1>, vector<16xi32>
      %eq3A_797 = arith.cmpi eq, %add3A_688, %gather3A_783 : vector<16xi32>
      %select_n3A_798 = arith.select %eq3A_797, %gather3A_786, %scan3A_780 : vector<16xi1>, vector<16xi32>
      scf.yield %select_n3A_788, %select_n3A_790, %select_n3A_792, %select_n3A_794, %select_n3A_796, %select_n3A_798 : vector<16xi32>, vector<16xi32>, vector<16xi32>, vector<16xi32>, vector<16xi32>, vector<16xi32>
    }
    %scan3A_717 = arith.constant 16 : i32
    %scan3A_718 = arith.constant 0 : i32
    %scan3A_719 = arith.constant 16 : i32
    %scan3A_720 = arith.addi %scan3A_718, %scan3A_719 : i32
    %scan3A_721 = arith.constant 1 : i32
    %scan3A_722:6 = scf.for %scan3A_774 = %scan3A_718 to %scan3A_720 step %scan3A_721 iter_args(%scan3A_775 = %scan3A_716#0, %scan3A_776 = %scan3A_716#1, %scan3A_777 = %scan3A_716#2, %scan3A_778 = %scan3A_716#3, %scan3A_779 = %scan3A_716#4, %scan3A_780 = %scan3A_716#5) -> (vector<16xi32>, vector<16xi32>, vector<16xi32>, vector<16xi32>, vector<16xi32>, vector<16xi32>)  : i32 {
      %broadcast_in_dim3A_781 = vector.broadcast %scan3A_774 : i32 to vector<16x1xi32>
      %gather3A_782 = vector.shape_cast %broadcast_in_dim3A_781 : vector<16x1xi32> to vector<16xi32>
      %gather3A_783 = tpu.dynamic_gather %add3A_688[%gather3A_782] in [0] : vector<16xi32>, vector<16xi32> -> vector<16xi32>
      %broadcast_in_dim3A_784 = vector.broadcast %scan3A_774 : i32 to vector<16x1xi32>
      %gather3A_785 = vector.shape_cast %broadcast_in_dim3A_784 : vector<16x1xi32> to vector<16xi32>
      %gather3A_786 = tpu.dynamic_gather %scan3A_710#4[%gather3A_785] in [0] : vector<16xi32>, vector<16xi32> -> vector<16xi32>
      %eq3A_787 = arith.cmpi eq, %add3A_583, %gather3A_783 : vector<16xi32>
      %select_n3A_788 = arith.select %eq3A_787, %gather3A_786, %scan3A_775 : vector<16xi1>, vector<16xi32>
      %eq3A_789 = arith.cmpi eq, %add3A_604, %gather3A_783 : vector<16xi32>
      %select_n3A_790 = arith.select %eq3A_789, %gather3A_786, %scan3A_776 : vector<16xi1>, vector<16xi32>
      %eq3A_791 = arith.cmpi eq, %add3A_625, %gather3A_783 : vector<16xi32>
      %select_n3A_792 = arith.select %eq3A_791, %gather3A_786, %scan3A_777 : vector<16xi1>, vector<16xi32>
      %eq3A_793 = arith.cmpi eq, %add3A_646, %gather3A_783 : vector<16xi32>
      %select_n3A_794 = arith.select %eq3A_793, %gather3A_786, %scan3A_778 : vector<16xi1>, vector<16xi32>
      %eq3A_795 = arith.cmpi eq, %add3A_667, %gather3A_783 : vector<16xi32>
      %select_n3A_796 = arith.select %eq3A_795, %gather3A_786, %scan3A_779 : vector<16xi1>, vector<16xi32>
      %eq3A_797 = arith.cmpi eq, %add3A_688, %gather3A_783 : vector<16xi32>
      %select_n3A_798 = arith.select %eq3A_797, %gather3A_786, %scan3A_780 : vector<16xi1>, vector<16xi32>
      scf.yield %select_n3A_788, %select_n3A_790, %select_n3A_792, %select_n3A_794, %select_n3A_796, %select_n3A_798 : vector<16xi32>, vector<16xi32>, vector<16xi32>, vector<16xi32>, vector<16xi32>, vector<16xi32>
    }
    %scan3A_723 = arith.constant 16 : i32
    %swap3A = arith.constant 0 : index
    %swap3A_724 = tpu.vector_load %arg7[%swap3A] {strides = array<i32>} : memref<96xi32, #tpu.memory_space<vmem>>, vector<16xi32>,
    %swap3A_725 = vector.shape_cast %swap3A_724 : vector<16xi32> to vector<16xi32>
    %swap3A_726 = vector.shape_cast %scan3A_722#0 : vector<16xi32> to vector<16xi32>
    tpu.vector_store %arg7[%swap3A], %swap3A_726 {strides = array<i32>} : memref<96xi32, #tpu.memory_space<vmem>>, vector<16xi32>,
    %swap3A_727 = arith.constant 0 : index
    %swap3A_728 = tpu.vector_load %arg8[%swap3A_727] {strides = array<i32>} : memref<96xi32, #tpu.memory_space<vmem>>, vector<16xi32>,
    %swap3A_729 = vector.shape_cast %swap3A_728 : vector<16xi32> to vector<16xi32>
    %swap3A_730 = vector.shape_cast %add3A_583 : vector<16xi32> to vector<16xi32>
    tpu.vector_store %arg8[%swap3A_727], %swap3A_730 {strides = array<i32>} : memref<96xi32, #tpu.memory_space<vmem>>, vector<16xi32>,
    %swap3A_731 = arith.constant 16 : index
    %swap3A_732 = tpu.vector_load %arg7[%swap3A_731] {strides = array<i32>} : memref<96xi32, #tpu.memory_space<vmem>>, vector<16xi32>,
    %swap3A_733 = vector.shape_cast %swap3A_732 : vector<16xi32> to vector<16xi32>
    %swap3A_734 = vector.shape_cast %scan3A_722#1 : vector<16xi32> to vector<16xi32>
    tpu.vector_store %arg7[%swap3A_731], %swap3A_734 {strides = array<i32>} : memref<96xi32, #tpu.memory_space<vmem>>, vector<16xi32>,
    %swap3A_735 = arith.constant 16 : index
    %swap3A_736 = tpu.vector_load %arg8[%swap3A_735] {strides = array<i32>} : memref<96xi32, #tpu.memory_space<vmem>>, vector<16xi32>,
    %swap3A_737 = vector.shape_cast %swap3A_736 : vector<16xi32> to vector<16xi32>
    %swap3A_738 = vector.shape_cast %add3A_604 : vector<16xi32> to vector<16xi32>
    tpu.vector_store %arg8[%swap3A_735], %swap3A_738 {strides = array<i32>} : memref<96xi32, #tpu.memory_space<vmem>>, vector<16xi32>,
    %swap3A_739 = arith.constant 32 : index
    %swap3A_740 = tpu.vector_load %arg7[%swap3A_739] {strides = array<i32>} : memref<96xi32, #tpu.memory_space<vmem>>, vector<16xi32>,
    %swap3A_741 = vector.shape_cast %swap3A_740 : vector<16xi32> to vector<16xi32>
    %swap3A_742 = vector.shape_cast %scan3A_722#2 : vector<16xi32> to vector<16xi32>
    tpu.vector_store %arg7[%swap3A_739], %swap3A_742 {strides = array<i32>} : memref<96xi32, #tpu.memory_space<vmem>>, vector<16xi32>,
    %swap3A_743 = arith.constant 32 : index
    %swap3A_744 = tpu.vector_load %arg8[%swap3A_743] {strides = array<i32>} : memref<96xi32, #tpu.memory_space<vmem>>, vector<16xi32>,
    %swap3A_745 = vector.shape_cast %swap3A_744 : vector<16xi32> to vector<16xi32>
    %swap3A_746 = vector.shape_cast %add3A_625 : vector<16xi32> to vector<16xi32>
    tpu.vector_store %arg8[%swap3A_743], %swap3A_746 {strides = array<i32>} : memref<96xi32, #tpu.memory_space<vmem>>, vector<16xi32>,
    %swap3A_747 = arith.constant 48 : index
    %swap3A_748 = tpu.vector_load %arg7[%swap3A_747] {strides = array<i32>} : memref<96xi32, #tpu.memory_space<vmem>>, vector<16xi32>,
    %swap3A_749 = vector.shape_cast %swap3A_748 : vector<16xi32> to vector<16xi32>
    %swap3A_750 = vector.shape_cast %scan3A_722#3 : vector<16xi32> to vector<16xi32>
    tpu.vector_store %arg7[%swap3A_747], %swap3A_750 {strides = array<i32>} : memref<96xi32, #tpu.memory_space<vmem>>, vector<16xi32>,
    %swap3A_751 = arith.constant 48 : index
    %swap3A_752 = tpu.vector_load %arg8[%swap3A_751] {strides = array<i32>} : memref<96xi32, #tpu.memory_space<vmem>>, vector<16xi32>,
    %swap3A_753 = vector.shape_cast %swap3A_752 : vector<16xi32> to vector<16xi32>
    %swap3A_754 = vector.shape_cast %add3A_646 : vector<16xi32> to vector<16xi32>
    tpu.vector_store %arg8[%swap3A_751], %swap3A_754 {strides = array<i32>} : memref<96xi32, #tpu.memory_space<vmem>>, vector<16xi32>,
    %swap3A_755 = arith.constant 64 : index
    %swap3A_756 = tpu.vector_load %arg7[%swap3A_755] {strides = array<i32>} : memref<96xi32, #tpu.memory_space<vmem>>, vector<16xi32>,
    %swap3A_757 = vector.shape_cast %swap3A_756 : vector<16xi32> to vector<16xi32>
    %swap3A_758 = vector.shape_cast %scan3A_722#4 : vector<16xi32> to vector<16xi32>
    tpu.vector_store %arg7[%swap3A_755], %swap3A_758 {strides = array<i32>} : memref<96xi32, #tpu.memory_space<vmem>>, vector<16xi32>,
    %swap3A_759 = arith.constant 64 : index
    %swap3A_760 = tpu.vector_load %arg8[%swap3A_759] {strides = array<i32>} : memref<96xi32, #tpu.memory_space<vmem>>, vector<16xi32>,
    %swap3A_761 = vector.shape_cast %swap3A_760 : vector<16xi32> to vector<16xi32>
    %swap3A_762 = vector.shape_cast %add3A_667 : vector<16xi32> to vector<16xi32>
    tpu.vector_store %arg8[%swap3A_759], %swap3A_762 {strides = array<i32>} : memref<96xi32, #tpu.memory_space<vmem>>, vector<16xi32>,
    %swap3A_763 = arith.constant 80 : index
    %swap3A_764 = tpu.vector_load %arg7[%swap3A_763] {strides = array<i32>} : memref<96xi32, #tpu.memory_space<vmem>>, vector<16xi32>,
    %swap3A_765 = vector.shape_cast %swap3A_764 : vector<16xi32> to vector<16xi32>
    %swap3A_766 = vector.shape_cast %scan3A_722#5 : vector<16xi32> to vector<16xi32>
    tpu.vector_store %arg7[%swap3A_763], %swap3A_766 {strides = array<i32>} : memref<96xi32, #tpu.memory_space<vmem>>, vector<16xi32>,
    %swap3A_767 = arith.constant 80 : index
    %swap3A_768 = tpu.vector_load %arg8[%swap3A_767] {strides = array<i32>} : memref<96xi32, #tpu.memory_space<vmem>>, vector<16xi32>,
    %swap3A_769 = vector.shape_cast %swap3A_768 : vector<16xi32> to vector<16xi32>
    %swap3A_770 = vector.shape_cast %add3A_688 : vector<16xi32> to vector<16xi32>
    tpu.vector_store %arg8[%swap3A_767], %swap3A_770 {strides = array<i32>} : memref<96xi32, #tpu.memory_space<vmem>>, vector<16xi32>,
    %eq3A_771 = arith.constant 0 : i32
    %eq3A_772 = arith.cmpi eq, %add3A, %eq3A_771 : i32
    %convert_element_type3A = arith.extui %eq3A_772 : i1 to i32
    %cond3A = arith.constant 0 : i32
    %cond3A_773 = arith.cmpi ne, %convert_element_type3A, %cond3A : i32
    scf.if %cond3A_773 {
      %dma_start3A = arith.constant 0 : i32
      %dma_start3A_774 = arith.constant 0 : i32
      %dma_start3A_775 = tpu.memref_slice %arg3[%dma_start3A, %dma_start3A_774] : memref<32768x256xf32, #tpu.memory_space<hbm>> -> memref<32768x256xf32, #tpu.memory_space<hbm>>
      tpu.enqueue_indirect_dma source(%dma_start3A_775 : memref<32768x256xf32, #tpu.memory_space<hbm>>) target(%arg9 : memref<96x256xf32, #tpu.memory_space<vmem>>) offsets(%arg7 : memref<96xi32, #tpu.memory_space<vmem>>) semaphore(%arg10 : memref<!tpu.dma_semaphore, #tpu.memory_space<semaphore_mem>>)
      %dma_wait3A = arith.constant 0 : i32
      %dma_wait3A_776 = arith.constant 0 : i32
      %dma_wait3A_777 = tpu.memref_slice %arg3[%dma_wait3A, %dma_wait3A_776] : memref<32768x256xf32, #tpu.memory_space<hbm>> -> memref<32768x256xf32, #tpu.memory_space<hbm>>
      tpu.wait_indirect_dma semaphore(%arg10 : memref<!tpu.dma_semaphore, #tpu.memory_space<semaphore_mem>>) src(%dma_wait3A_777 : memref<32768x256xf32, #tpu.memory_space<hbm>>) dst(%arg9 : memref<96x256xf32, #tpu.memory_space<vmem>>)
      "tpu.region"() ({
        %run_scoped3A = tpu.sem_alloc : memref<!tpu.dma_semaphore, #tpu.memory_space<semaphore_mem>>
        tpu.enqueue_dma source(%arg9 : memref<96x256xf32, #tpu.memory_space<vmem>>) target(%arg4 : memref<96x256xf32, #tpu.memory_space<hbm>>) target_semaphore(%run_scoped3A : memref<!tpu.dma_semaphore, #tpu.memory_space<semaphore_mem>>)
        tpu.wait_dma2 semaphore(%run_scoped3A : memref<!tpu.dma_semaphore, #tpu.memory_space<semaphore_mem>>) src(%arg9 : memref<96x256xf32, #tpu.memory_space<vmem>>) dst(%arg4 : memref<96x256xf32, #tpu.memory_space<hbm>>)
        tpu.yield
      }) : () -> ()
      "tpu.region"() ({
        %run_scoped3A = tpu.sem_alloc : memref<!tpu.dma_semaphore, #tpu.memory_space<semaphore_mem>>
        tpu.enqueue_dma source(%arg8 : memref<96xi32, #tpu.memory_space<vmem>>) target(%arg5 : memref<96xi32, #tpu.memory_space<hbm>>) target_semaphore(%run_scoped3A : memref<!tpu.dma_semaphore, #tpu.memory_space<semaphore_mem>>)
        tpu.wait_dma2 semaphore(%run_scoped3A : memref<!tpu.dma_semaphore, #tpu.memory_space<semaphore_mem>>) src(%arg8 : memref<96xi32, #tpu.memory_space<vmem>>) dst(%arg5 : memref<96xi32, #tpu.memory_space<hbm>>)
        tpu.yield
      }) : () -> ()
    } else {
    }
    return
  }
}

module attributes {stable_mosaic.version = 14 : i64} {
  func.func @_tc_copy_body(%arg0: i32, %arg1: memref<8192x256xf32, #tpu.memory_space<vmem>>, %arg2: memref<8192x256xf32, #tpu.memory_space<vmem>>) attributes {dimension_semantics = [#tpu.dimension_semantics<arbitrary>], iteration_bounds = array<i64: 4>, scalar_prefetch = 0 : i64, scratch_operands = 0 : i64, tpu.core_type = #tpu.core_type<tc>, window_params = [{transform_indices = @transform_0, window_bounds = array<i64: 8192, 256>}, {transform_indices = @transform_1, window_bounds = array<i64: 8192, 256>}]} {
    %get3A = arith.constant 0 : index
    %get3A_0 = arith.constant 0 : index
    %get3A_1 = vector.load %arg1[%get3A, %get3A_0] : memref<8192x256xf32, #tpu.memory_space<vmem>>, vector<8192x256xf32>
    %swap3A = arith.constant 0 : index
    %swap3A_2 = arith.constant 0 : index
    %swap3A_3 = vector.load %arg2[%swap3A, %swap3A_2] : memref<8192x256xf32, #tpu.memory_space<vmem>>, vector<8192x256xf32>
    tpu.vector_store %arg2[%swap3A, %swap3A_2], %get3A_1 {strides = array<i32>} : memref<8192x256xf32, #tpu.memory_space<vmem>>, vector<8192x256xf32>,
    return
  }
  func.func @transform_0(%arg0: i32) -> (i32, i32) {
    %c0_i32 = arith.constant 0 : i32
    %c0_i32_0 = arith.constant 0 : i32
    return %arg0, %c0_i32 : i32, i32
  }
  func.func @transform_1(%arg0: i32) -> (i32, i32) {
    %c0_i32 = arith.constant 0 : i32
    %c0_i32_0 = arith.constant 0 : i32
    return %arg0, %c0_i32 : i32, i32
  }
}

module attributes {stable_mosaic.version = 14 : i64} {
  func.func @_tc_patch_body(%arg0: memref<96xi32, #tpu.memory_space<smem>>, %arg1: memref<96x256xf32, #tpu.memory_space<vmem>>, %arg2: memref<32768x256xf32, #tpu.memory_space<hbm>>, %arg3: memref<32768x256xf32, #tpu.memory_space<hbm>>, %arg4: memref<!tpu.dma_semaphore, #tpu.memory_space<semaphore_mem>>) attributes {dimension_semantics = [], scalar_prefetch = 0 : i64, scratch_operands = 1 : i64, tpu.core_type = #tpu.core_type<tc>} {
    %get3A = arith.constant 0 : index
    %get3A_0 = memref.load %arg0[%get3A] : memref<96xi32, #tpu.memory_space<smem>>
    %dma_start3A = arith.constant 0 : i32
    %dma_start3A_1 = tpu.memref_slice %arg3[%get3A_0, %dma_start3A] : memref<32768x256xf32, #tpu.memory_space<hbm>> -> memref<1x256xf32, #tpu.memory_space<hbm>>
    %dma_start3A_2 = arith.constant 0 : i32
    %dma_start3A_3 = arith.constant 0 : i32
    %dma_start3A_4 = tpu.memref_slice %arg1[%dma_start3A_2, %dma_start3A_3] : memref<96x256xf32, #tpu.memory_space<vmem>> -> memref<1x256xf32, #tpu.memory_space<vmem>>
    tpu.enqueue_dma source(%dma_start3A_4 : memref<1x256xf32, #tpu.memory_space<vmem>>) target(%dma_start3A_1 : memref<1x256xf32, #tpu.memory_space<hbm>>) target_semaphore(%arg4 : memref<!tpu.dma_semaphore, #tpu.memory_space<semaphore_mem>>)
    %get3A_5 = arith.constant 1 : index
    %get3A_6 = memref.load %arg0[%get3A_5] : memref<96xi32, #tpu.memory_space<smem>>
    %dma_start3A_7 = arith.constant 0 : i32
    %dma_start3A_8 = tpu.memref_slice %arg3[%get3A_6, %dma_start3A_7] : memref<32768x256xf32, #tpu.memory_space<hbm>> -> memref<1x256xf32, #tpu.memory_space<hbm>>
    %dma_start3A_9 = arith.constant 1 : i32
    %dma_start3A_10 = arith.constant 0 : i32
    %dma_start3A_11 = tpu.memref_slice %arg1[%dma_start3A_9, %dma_start3A_10] : memref<96x256xf32, #tpu.memory_space<vmem>> -> memref<1x256xf32, #tpu.memory_space<vmem>>
    tpu.enqueue_dma source(%dma_start3A_11 : memref<1x256xf32, #tpu.memory_space<vmem>>) target(%dma_start3A_8 : memref<1x256xf32, #tpu.memory_space<hbm>>) target_semaphore(%arg4 : memref<!tpu.dma_semaphore, #tpu.memory_space<semaphore_mem>>)
    %get3A_12 = arith.constant 2 : index
    %get3A_13 = memref.load %arg0[%get3A_12] : memref<96xi32, #tpu.memory_space<smem>>
    %dma_start3A_14 = arith.constant 0 : i32
    %dma_start3A_15 = tpu.memref_slice %arg3[%get3A_13, %dma_start3A_14] : memref<32768x256xf32, #tpu.memory_space<hbm>> -> memref<1x256xf32, #tpu.memory_space<hbm>>
    %dma_start3A_16 = arith.constant 2 : i32
    %dma_start3A_17 = arith.constant 0 : i32
    %dma_start3A_18 = tpu.memref_slice %arg1[%dma_start3A_16, %dma_start3A_17] : memref<96x256xf32, #tpu.memory_space<vmem>> -> memref<1x256xf32, #tpu.memory_space<vmem>>
    tpu.enqueue_dma source(%dma_start3A_18 : memref<1x256xf32, #tpu.memory_space<vmem>>) target(%dma_start3A_15 : memref<1x256xf32, #tpu.memory_space<hbm>>) target_semaphore(%arg4 : memref<!tpu.dma_semaphore, #tpu.memory_space<semaphore_mem>>)
    %get3A_19 = arith.constant 3 : index
    %get3A_20 = memref.load %arg0[%get3A_19] : memref<96xi32, #tpu.memory_space<smem>>
    %dma_start3A_21 = arith.constant 0 : i32
    %dma_start3A_22 = tpu.memref_slice %arg3[%get3A_20, %dma_start3A_21] : memref<32768x256xf32, #tpu.memory_space<hbm>> -> memref<1x256xf32, #tpu.memory_space<hbm>>
    %dma_start3A_23 = arith.constant 3 : i32
    %dma_start3A_24 = arith.constant 0 : i32
    %dma_start3A_25 = tpu.memref_slice %arg1[%dma_start3A_23, %dma_start3A_24] : memref<96x256xf32, #tpu.memory_space<vmem>> -> memref<1x256xf32, #tpu.memory_space<vmem>>
    tpu.enqueue_dma source(%dma_start3A_25 : memref<1x256xf32, #tpu.memory_space<vmem>>) target(%dma_start3A_22 : memref<1x256xf32, #tpu.memory_space<hbm>>) target_semaphore(%arg4 : memref<!tpu.dma_semaphore, #tpu.memory_space<semaphore_mem>>)
    %get3A_26 = arith.constant 4 : index
    %get3A_27 = memref.load %arg0[%get3A_26] : memref<96xi32, #tpu.memory_space<smem>>
    %dma_start3A_28 = arith.constant 0 : i32
    %dma_start3A_29 = tpu.memref_slice %arg3[%get3A_27, %dma_start3A_28] : memref<32768x256xf32, #tpu.memory_space<hbm>> -> memref<1x256xf32, #tpu.memory_space<hbm>>
    %dma_start3A_30 = arith.constant 4 : i32
    %dma_start3A_31 = arith.constant 0 : i32
    %dma_start3A_32 = tpu.memref_slice %arg1[%dma_start3A_30, %dma_start3A_31] : memref<96x256xf32, #tpu.memory_space<vmem>> -> memref<1x256xf32, #tpu.memory_space<vmem>>
    tpu.enqueue_dma source(%dma_start3A_32 : memref<1x256xf32, #tpu.memory_space<vmem>>) target(%dma_start3A_29 : memref<1x256xf32, #tpu.memory_space<hbm>>) target_semaphore(%arg4 : memref<!tpu.dma_semaphore, #tpu.memory_space<semaphore_mem>>)
    %get3A_33 = arith.constant 5 : index
    %get3A_34 = memref.load %arg0[%get3A_33] : memref<96xi32, #tpu.memory_space<smem>>
    %dma_start3A_35 = arith.constant 0 : i32
    %dma_start3A_36 = tpu.memref_slice %arg3[%get3A_34, %dma_start3A_35] : memref<32768x256xf32, #tpu.memory_space<hbm>> -> memref<1x256xf32, #tpu.memory_space<hbm>>
    %dma_start3A_37 = arith.constant 5 : i32
    %dma_start3A_38 = arith.constant 0 : i32
    %dma_start3A_39 = tpu.memref_slice %arg1[%dma_start3A_37, %dma_start3A_38] : memref<96x256xf32, #tpu.memory_space<vmem>> -> memref<1x256xf32, #tpu.memory_space<vmem>>
    tpu.enqueue_dma source(%dma_start3A_39 : memref<1x256xf32, #tpu.memory_space<vmem>>) target(%dma_start3A_36 : memref<1x256xf32, #tpu.memory_space<hbm>>) target_semaphore(%arg4 : memref<!tpu.dma_semaphore, #tpu.memory_space<semaphore_mem>>)
    %get3A_40 = arith.constant 6 : index
    %get3A_41 = memref.load %arg0[%get3A_40] : memref<96xi32, #tpu.memory_space<smem>>
    %dma_start3A_42 = arith.constant 0 : i32
    %dma_start3A_43 = tpu.memref_slice %arg3[%get3A_41, %dma_start3A_42] : memref<32768x256xf32, #tpu.memory_space<hbm>> -> memref<1x256xf32, #tpu.memory_space<hbm>>
    %dma_start3A_44 = arith.constant 6 : i32
    %dma_start3A_45 = arith.constant 0 : i32
    %dma_start3A_46 = tpu.memref_slice %arg1[%dma_start3A_44, %dma_start3A_45] : memref<96x256xf32, #tpu.memory_space<vmem>> -> memref<1x256xf32, #tpu.memory_space<vmem>>
    tpu.enqueue_dma source(%dma_start3A_46 : memref<1x256xf32, #tpu.memory_space<vmem>>) target(%dma_start3A_43 : memref<1x256xf32, #tpu.memory_space<hbm>>) target_semaphore(%arg4 : memref<!tpu.dma_semaphore, #tpu.memory_space<semaphore_mem>>)
    %get3A_47 = arith.constant 7 : index
    %get3A_48 = memref.load %arg0[%get3A_47] : memref<96xi32, #tpu.memory_space<smem>>
    %dma_start3A_49 = arith.constant 0 : i32
    %dma_start3A_50 = tpu.memref_slice %arg3[%get3A_48, %dma_start3A_49] : memref<32768x256xf32, #tpu.memory_space<hbm>> -> memref<1x256xf32, #tpu.memory_space<hbm>>
    %dma_start3A_51 = arith.constant 7 : i32
    %dma_start3A_52 = arith.constant 0 : i32
    %dma_start3A_53 = tpu.memref_slice %arg1[%dma_start3A_51, %dma_start3A_52] : memref<96x256xf32, #tpu.memory_space<vmem>> -> memref<1x256xf32, #tpu.memory_space<vmem>>
    tpu.enqueue_dma source(%dma_start3A_53 : memref<1x256xf32, #tpu.memory_space<vmem>>) target(%dma_start3A_50 : memref<1x256xf32, #tpu.memory_space<hbm>>) target_semaphore(%arg4 : memref<!tpu.dma_semaphore, #tpu.memory_space<semaphore_mem>>)
    %get3A_54 = arith.constant 8 : index
    %get3A_55 = memref.load %arg0[%get3A_54] : memref<96xi32, #tpu.memory_space<smem>>
    %dma_start3A_56 = arith.constant 0 : i32
    %dma_start3A_57 = tpu.memref_slice %arg3[%get3A_55, %dma_start3A_56] : memref<32768x256xf32, #tpu.memory_space<hbm>> -> memref<1x256xf32, #tpu.memory_space<hbm>>
    %dma_start3A_58 = arith.constant 8 : i32
    %dma_start3A_59 = arith.constant 0 : i32
    %dma_start3A_60 = tpu.memref_slice %arg1[%dma_start3A_58, %dma_start3A_59] : memref<96x256xf32, #tpu.memory_space<vmem>> -> memref<1x256xf32, #tpu.memory_space<vmem>>
    tpu.enqueue_dma source(%dma_start3A_60 : memref<1x256xf32, #tpu.memory_space<vmem>>) target(%dma_start3A_57 : memref<1x256xf32, #tpu.memory_space<hbm>>) target_semaphore(%arg4 : memref<!tpu.dma_semaphore, #tpu.memory_space<semaphore_mem>>)
    %get3A_61 = arith.constant 9 : index
    %get3A_62 = memref.load %arg0[%get3A_61] : memref<96xi32, #tpu.memory_space<smem>>
    %dma_start3A_63 = arith.constant 0 : i32
    %dma_start3A_64 = tpu.memref_slice %arg3[%get3A_62, %dma_start3A_63] : memref<32768x256xf32, #tpu.memory_space<hbm>> -> memref<1x256xf32, #tpu.memory_space<hbm>>
    %dma_start3A_65 = arith.constant 9 : i32
    %dma_start3A_66 = arith.constant 0 : i32
    %dma_start3A_67 = tpu.memref_slice %arg1[%dma_start3A_65, %dma_start3A_66] : memref<96x256xf32, #tpu.memory_space<vmem>> -> memref<1x256xf32, #tpu.memory_space<vmem>>
    tpu.enqueue_dma source(%dma_start3A_67 : memref<1x256xf32, #tpu.memory_space<vmem>>) target(%dma_start3A_64 : memref<1x256xf32, #tpu.memory_space<hbm>>) target_semaphore(%arg4 : memref<!tpu.dma_semaphore, #tpu.memory_space<semaphore_mem>>)
    %get3A_68 = arith.constant 10 : index
    %get3A_69 = memref.load %arg0[%get3A_68] : memref<96xi32, #tpu.memory_space<smem>>
    %dma_start3A_70 = arith.constant 0 : i32
    %dma_start3A_71 = tpu.memref_slice %arg3[%get3A_69, %dma_start3A_70] : memref<32768x256xf32, #tpu.memory_space<hbm>> -> memref<1x256xf32, #tpu.memory_space<hbm>>
    %dma_start3A_72 = arith.constant 10 : i32
    %dma_start3A_73 = arith.constant 0 : i32
    %dma_start3A_74 = tpu.memref_slice %arg1[%dma_start3A_72, %dma_start3A_73] : memref<96x256xf32, #tpu.memory_space<vmem>> -> memref<1x256xf32, #tpu.memory_space<vmem>>
    tpu.enqueue_dma source(%dma_start3A_74 : memref<1x256xf32, #tpu.memory_space<vmem>>) target(%dma_start3A_71 : memref<1x256xf32, #tpu.memory_space<hbm>>) target_semaphore(%arg4 : memref<!tpu.dma_semaphore, #tpu.memory_space<semaphore_mem>>)
    %get3A_75 = arith.constant 11 : index
    %get3A_76 = memref.load %arg0[%get3A_75] : memref<96xi32, #tpu.memory_space<smem>>
    %dma_start3A_77 = arith.constant 0 : i32
    %dma_start3A_78 = tpu.memref_slice %arg3[%get3A_76, %dma_start3A_77] : memref<32768x256xf32, #tpu.memory_space<hbm>> -> memref<1x256xf32, #tpu.memory_space<hbm>>
    %dma_start3A_79 = arith.constant 11 : i32
    %dma_start3A_80 = arith.constant 0 : i32
    %dma_start3A_81 = tpu.memref_slice %arg1[%dma_start3A_79, %dma_start3A_80] : memref<96x256xf32, #tpu.memory_space<vmem>> -> memref<1x256xf32, #tpu.memory_space<vmem>>
    tpu.enqueue_dma source(%dma_start3A_81 : memref<1x256xf32, #tpu.memory_space<vmem>>) target(%dma_start3A_78 : memref<1x256xf32, #tpu.memory_space<hbm>>) target_semaphore(%arg4 : memref<!tpu.dma_semaphore, #tpu.memory_space<semaphore_mem>>)
    %get3A_82 = arith.constant 12 : index
    %get3A_83 = memref.load %arg0[%get3A_82] : memref<96xi32, #tpu.memory_space<smem>>
    %dma_start3A_84 = arith.constant 0 : i32
    %dma_start3A_85 = tpu.memref_slice %arg3[%get3A_83, %dma_start3A_84] : memref<32768x256xf32, #tpu.memory_space<hbm>> -> memref<1x256xf32, #tpu.memory_space<hbm>>
    %dma_start3A_86 = arith.constant 12 : i32
    %dma_start3A_87 = arith.constant 0 : i32
    %dma_start3A_88 = tpu.memref_slice %arg1[%dma_start3A_86, %dma_start3A_87] : memref<96x256xf32, #tpu.memory_space<vmem>> -> memref<1x256xf32, #tpu.memory_space<vmem>>
    tpu.enqueue_dma source(%dma_start3A_88 : memref<1x256xf32, #tpu.memory_space<vmem>>) target(%dma_start3A_85 : memref<1x256xf32, #tpu.memory_space<hbm>>) target_semaphore(%arg4 : memref<!tpu.dma_semaphore, #tpu.memory_space<semaphore_mem>>)
    %get3A_89 = arith.constant 13 : index
    %get3A_90 = memref.load %arg0[%get3A_89] : memref<96xi32, #tpu.memory_space<smem>>
    %dma_start3A_91 = arith.constant 0 : i32
    %dma_start3A_92 = tpu.memref_slice %arg3[%get3A_90, %dma_start3A_91] : memref<32768x256xf32, #tpu.memory_space<hbm>> -> memref<1x256xf32, #tpu.memory_space<hbm>>
    %dma_start3A_93 = arith.constant 13 : i32
    %dma_start3A_94 = arith.constant 0 : i32
    %dma_start3A_95 = tpu.memref_slice %arg1[%dma_start3A_93, %dma_start3A_94] : memref<96x256xf32, #tpu.memory_space<vmem>> -> memref<1x256xf32, #tpu.memory_space<vmem>>
    tpu.enqueue_dma source(%dma_start3A_95 : memref<1x256xf32, #tpu.memory_space<vmem>>) target(%dma_start3A_92 : memref<1x256xf32, #tpu.memory_space<hbm>>) target_semaphore(%arg4 : memref<!tpu.dma_semaphore, #tpu.memory_space<semaphore_mem>>)
    %get3A_96 = arith.constant 14 : index
    %get3A_97 = memref.load %arg0[%get3A_96] : memref<96xi32, #tpu.memory_space<smem>>
    %dma_start3A_98 = arith.constant 0 : i32
    %dma_start3A_99 = tpu.memref_slice %arg3[%get3A_97, %dma_start3A_98] : memref<32768x256xf32, #tpu.memory_space<hbm>> -> memref<1x256xf32, #tpu.memory_space<hbm>>
    %dma_start3A_100 = arith.constant 14 : i32
    %dma_start3A_101 = arith.constant 0 : i32
    %dma_start3A_102 = tpu.memref_slice %arg1[%dma_start3A_100, %dma_start3A_101] : memref<96x256xf32, #tpu.memory_space<vmem>> -> memref<1x256xf32, #tpu.memory_space<vmem>>
    tpu.enqueue_dma source(%dma_start3A_102 : memref<1x256xf32, #tpu.memory_space<vmem>>) target(%dma_start3A_99 : memref<1x256xf32, #tpu.memory_space<hbm>>) target_semaphore(%arg4 : memref<!tpu.dma_semaphore, #tpu.memory_space<semaphore_mem>>)
    %get3A_103 = arith.constant 15 : index
    %get3A_104 = memref.load %arg0[%get3A_103] : memref<96xi32, #tpu.memory_space<smem>>
    %dma_start3A_105 = arith.constant 0 : i32
    %dma_start3A_106 = tpu.memref_slice %arg3[%get3A_104, %dma_start3A_105] : memref<32768x256xf32, #tpu.memory_space<hbm>> -> memref<1x256xf32, #tpu.memory_space<hbm>>
    %dma_start3A_107 = arith.constant 15 : i32
    %dma_start3A_108 = arith.constant 0 : i32
    %dma_start3A_109 = tpu.memref_slice %arg1[%dma_start3A_107, %dma_start3A_108] : memref<96x256xf32, #tpu.memory_space<vmem>> -> memref<1x256xf32, #tpu.memory_space<vmem>>
    tpu.enqueue_dma source(%dma_start3A_109 : memref<1x256xf32, #tpu.memory_space<vmem>>) target(%dma_start3A_106 : memref<1x256xf32, #tpu.memory_space<hbm>>) target_semaphore(%arg4 : memref<!tpu.dma_semaphore, #tpu.memory_space<semaphore_mem>>)
    %get3A_110 = arith.constant 16 : index
    %get3A_111 = memref.load %arg0[%get3A_110] : memref<96xi32, #tpu.memory_space<smem>>
    %dma_start3A_112 = arith.constant 0 : i32
    %dma_start3A_113 = tpu.memref_slice %arg3[%get3A_111, %dma_start3A_112] : memref<32768x256xf32, #tpu.memory_space<hbm>> -> memref<1x256xf32, #tpu.memory_space<hbm>>
    %dma_start3A_114 = arith.constant 16 : i32
    %dma_start3A_115 = arith.constant 0 : i32
    %dma_start3A_116 = tpu.memref_slice %arg1[%dma_start3A_114, %dma_start3A_115] : memref<96x256xf32, #tpu.memory_space<vmem>> -> memref<1x256xf32, #tpu.memory_space<vmem>>
    tpu.enqueue_dma source(%dma_start3A_116 : memref<1x256xf32, #tpu.memory_space<vmem>>) target(%dma_start3A_113 : memref<1x256xf32, #tpu.memory_space<hbm>>) target_semaphore(%arg4 : memref<!tpu.dma_semaphore, #tpu.memory_space<semaphore_mem>>)
    %get3A_117 = arith.constant 17 : index
    %get3A_118 = memref.load %arg0[%get3A_117] : memref<96xi32, #tpu.memory_space<smem>>
    %dma_start3A_119 = arith.constant 0 : i32
    %dma_start3A_120 = tpu.memref_slice %arg3[%get3A_118, %dma_start3A_119] : memref<32768x256xf32, #tpu.memory_space<hbm>> -> memref<1x256xf32, #tpu.memory_space<hbm>>
    %dma_start3A_121 = arith.constant 17 : i32
    %dma_start3A_122 = arith.constant 0 : i32
    %dma_start3A_123 = tpu.memref_slice %arg1[%dma_start3A_121, %dma_start3A_122] : memref<96x256xf32, #tpu.memory_space<vmem>> -> memref<1x256xf32, #tpu.memory_space<vmem>>
    tpu.enqueue_dma source(%dma_start3A_123 : memref<1x256xf32, #tpu.memory_space<vmem>>) target(%dma_start3A_120 : memref<1x256xf32, #tpu.memory_space<hbm>>) target_semaphore(%arg4 : memref<!tpu.dma_semaphore, #tpu.memory_space<semaphore_mem>>)
    %get3A_124 = arith.constant 18 : index
    %get3A_125 = memref.load %arg0[%get3A_124] : memref<96xi32, #tpu.memory_space<smem>>
    %dma_start3A_126 = arith.constant 0 : i32
    %dma_start3A_127 = tpu.memref_slice %arg3[%get3A_125, %dma_start3A_126] : memref<32768x256xf32, #tpu.memory_space<hbm>> -> memref<1x256xf32, #tpu.memory_space<hbm>>
    %dma_start3A_128 = arith.constant 18 : i32
    %dma_start3A_129 = arith.constant 0 : i32
    %dma_start3A_130 = tpu.memref_slice %arg1[%dma_start3A_128, %dma_start3A_129] : memref<96x256xf32, #tpu.memory_space<vmem>> -> memref<1x256xf32, #tpu.memory_space<vmem>>
    tpu.enqueue_dma source(%dma_start3A_130 : memref<1x256xf32, #tpu.memory_space<vmem>>) target(%dma_start3A_127 : memref<1x256xf32, #tpu.memory_space<hbm>>) target_semaphore(%arg4 : memref<!tpu.dma_semaphore, #tpu.memory_space<semaphore_mem>>)
    %get3A_131 = arith.constant 19 : index
    %get3A_132 = memref.load %arg0[%get3A_131] : memref<96xi32, #tpu.memory_space<smem>>
    %dma_start3A_133 = arith.constant 0 : i32
    %dma_start3A_134 = tpu.memref_slice %arg3[%get3A_132, %dma_start3A_133] : memref<32768x256xf32, #tpu.memory_space<hbm>> -> memref<1x256xf32, #tpu.memory_space<hbm>>
    %dma_start3A_135 = arith.constant 19 : i32
    %dma_start3A_136 = arith.constant 0 : i32
    %dma_start3A_137 = tpu.memref_slice %arg1[%dma_start3A_135, %dma_start3A_136] : memref<96x256xf32, #tpu.memory_space<vmem>> -> memref<1x256xf32, #tpu.memory_space<vmem>>
    tpu.enqueue_dma source(%dma_start3A_137 : memref<1x256xf32, #tpu.memory_space<vmem>>) target(%dma_start3A_134 : memref<1x256xf32, #tpu.memory_space<hbm>>) target_semaphore(%arg4 : memref<!tpu.dma_semaphore, #tpu.memory_space<semaphore_mem>>)
    %get3A_138 = arith.constant 20 : index
    %get3A_139 = memref.load %arg0[%get3A_138] : memref<96xi32, #tpu.memory_space<smem>>
    %dma_start3A_140 = arith.constant 0 : i32
    %dma_start3A_141 = tpu.memref_slice %arg3[%get3A_139, %dma_start3A_140] : memref<32768x256xf32, #tpu.memory_space<hbm>> -> memref<1x256xf32, #tpu.memory_space<hbm>>
    %dma_start3A_142 = arith.constant 20 : i32
    %dma_start3A_143 = arith.constant 0 : i32
    %dma_start3A_144 = tpu.memref_slice %arg1[%dma_start3A_142, %dma_start3A_143] : memref<96x256xf32, #tpu.memory_space<vmem>> -> memref<1x256xf32, #tpu.memory_space<vmem>>
    tpu.enqueue_dma source(%dma_start3A_144 : memref<1x256xf32, #tpu.memory_space<vmem>>) target(%dma_start3A_141 : memref<1x256xf32, #tpu.memory_space<hbm>>) target_semaphore(%arg4 : memref<!tpu.dma_semaphore, #tpu.memory_space<semaphore_mem>>)
    %get3A_145 = arith.constant 21 : index
    %get3A_146 = memref.load %arg0[%get3A_145] : memref<96xi32, #tpu.memory_space<smem>>
    %dma_start3A_147 = arith.constant 0 : i32
    %dma_start3A_148 = tpu.memref_slice %arg3[%get3A_146, %dma_start3A_147] : memref<32768x256xf32, #tpu.memory_space<hbm>> -> memref<1x256xf32, #tpu.memory_space<hbm>>
    %dma_start3A_149 = arith.constant 21 : i32
    %dma_start3A_150 = arith.constant 0 : i32
    %dma_start3A_151 = tpu.memref_slice %arg1[%dma_start3A_149, %dma_start3A_150] : memref<96x256xf32, #tpu.memory_space<vmem>> -> memref<1x256xf32, #tpu.memory_space<vmem>>
    tpu.enqueue_dma source(%dma_start3A_151 : memref<1x256xf32, #tpu.memory_space<vmem>>) target(%dma_start3A_148 : memref<1x256xf32, #tpu.memory_space<hbm>>) target_semaphore(%arg4 : memref<!tpu.dma_semaphore, #tpu.memory_space<semaphore_mem>>)
    %get3A_152 = arith.constant 22 : index
    %get3A_153 = memref.load %arg0[%get3A_152] : memref<96xi32, #tpu.memory_space<smem>>
    %dma_start3A_154 = arith.constant 0 : i32
    %dma_start3A_155 = tpu.memref_slice %arg3[%get3A_153, %dma_start3A_154] : memref<32768x256xf32, #tpu.memory_space<hbm>> -> memref<1x256xf32, #tpu.memory_space<hbm>>
    %dma_start3A_156 = arith.constant 22 : i32
    %dma_start3A_157 = arith.constant 0 : i32
    %dma_start3A_158 = tpu.memref_slice %arg1[%dma_start3A_156, %dma_start3A_157] : memref<96x256xf32, #tpu.memory_space<vmem>> -> memref<1x256xf32, #tpu.memory_space<vmem>>
    tpu.enqueue_dma source(%dma_start3A_158 : memref<1x256xf32, #tpu.memory_space<vmem>>) target(%dma_start3A_155 : memref<1x256xf32, #tpu.memory_space<hbm>>) target_semaphore(%arg4 : memref<!tpu.dma_semaphore, #tpu.memory_space<semaphore_mem>>)
    %get3A_159 = arith.constant 23 : index
    %get3A_160 = memref.load %arg0[%get3A_159] : memref<96xi32, #tpu.memory_space<smem>>
    %dma_start3A_161 = arith.constant 0 : i32
    %dma_start3A_162 = tpu.memref_slice %arg3[%get3A_160, %dma_start3A_161] : memref<32768x256xf32, #tpu.memory_space<hbm>> -> memref<1x256xf32, #tpu.memory_space<hbm>>
    %dma_start3A_163 = arith.constant 23 : i32
    %dma_start3A_164 = arith.constant 0 : i32
    %dma_start3A_165 = tpu.memref_slice %arg1[%dma_start3A_163, %dma_start3A_164] : memref<96x256xf32, #tpu.memory_space<vmem>> -> memref<1x256xf32, #tpu.memory_space<vmem>>
    tpu.enqueue_dma source(%dma_start3A_165 : memref<1x256xf32, #tpu.memory_space<vmem>>) target(%dma_start3A_162 : memref<1x256xf32, #tpu.memory_space<hbm>>) target_semaphore(%arg4 : memref<!tpu.dma_semaphore, #tpu.memory_space<semaphore_mem>>)
    %get3A_166 = arith.constant 24 : index
    %get3A_167 = memref.load %arg0[%get3A_166] : memref<96xi32, #tpu.memory_space<smem>>
    %dma_start3A_168 = arith.constant 0 : i32
    %dma_start3A_169 = tpu.memref_slice %arg3[%get3A_167, %dma_start3A_168] : memref<32768x256xf32, #tpu.memory_space<hbm>> -> memref<1x256xf32, #tpu.memory_space<hbm>>
    %dma_start3A_170 = arith.constant 24 : i32
    %dma_start3A_171 = arith.constant 0 : i32
    %dma_start3A_172 = tpu.memref_slice %arg1[%dma_start3A_170, %dma_start3A_171] : memref<96x256xf32, #tpu.memory_space<vmem>> -> memref<1x256xf32, #tpu.memory_space<vmem>>
    tpu.enqueue_dma source(%dma_start3A_172 : memref<1x256xf32, #tpu.memory_space<vmem>>) target(%dma_start3A_169 : memref<1x256xf32, #tpu.memory_space<hbm>>) target_semaphore(%arg4 : memref<!tpu.dma_semaphore, #tpu.memory_space<semaphore_mem>>)
    %get3A_173 = arith.constant 25 : index
    %get3A_174 = memref.load %arg0[%get3A_173] : memref<96xi32, #tpu.memory_space<smem>>
    %dma_start3A_175 = arith.constant 0 : i32
    %dma_start3A_176 = tpu.memref_slice %arg3[%get3A_174, %dma_start3A_175] : memref<32768x256xf32, #tpu.memory_space<hbm>> -> memref<1x256xf32, #tpu.memory_space<hbm>>
    %dma_start3A_177 = arith.constant 25 : i32
    %dma_start3A_178 = arith.constant 0 : i32
    %dma_start3A_179 = tpu.memref_slice %arg1[%dma_start3A_177, %dma_start3A_178] : memref<96x256xf32, #tpu.memory_space<vmem>> -> memref<1x256xf32, #tpu.memory_space<vmem>>
    tpu.enqueue_dma source(%dma_start3A_179 : memref<1x256xf32, #tpu.memory_space<vmem>>) target(%dma_start3A_176 : memref<1x256xf32, #tpu.memory_space<hbm>>) target_semaphore(%arg4 : memref<!tpu.dma_semaphore, #tpu.memory_space<semaphore_mem>>)
    %get3A_180 = arith.constant 26 : index
    %get3A_181 = memref.load %arg0[%get3A_180] : memref<96xi32, #tpu.memory_space<smem>>
    %dma_start3A_182 = arith.constant 0 : i32
    %dma_start3A_183 = tpu.memref_slice %arg3[%get3A_181, %dma_start3A_182] : memref<32768x256xf32, #tpu.memory_space<hbm>> -> memref<1x256xf32, #tpu.memory_space<hbm>>
    %dma_start3A_184 = arith.constant 26 : i32
    %dma_start3A_185 = arith.constant 0 : i32
    %dma_start3A_186 = tpu.memref_slice %arg1[%dma_start3A_184, %dma_start3A_185] : memref<96x256xf32, #tpu.memory_space<vmem>> -> memref<1x256xf32, #tpu.memory_space<vmem>>
    tpu.enqueue_dma source(%dma_start3A_186 : memref<1x256xf32, #tpu.memory_space<vmem>>) target(%dma_start3A_183 : memref<1x256xf32, #tpu.memory_space<hbm>>) target_semaphore(%arg4 : memref<!tpu.dma_semaphore, #tpu.memory_space<semaphore_mem>>)
    %get3A_187 = arith.constant 27 : index
    %get3A_188 = memref.load %arg0[%get3A_187] : memref<96xi32, #tpu.memory_space<smem>>
    %dma_start3A_189 = arith.constant 0 : i32
    %dma_start3A_190 = tpu.memref_slice %arg3[%get3A_188, %dma_start3A_189] : memref<32768x256xf32, #tpu.memory_space<hbm>> -> memref<1x256xf32, #tpu.memory_space<hbm>>
    %dma_start3A_191 = arith.constant 27 : i32
    %dma_start3A_192 = arith.constant 0 : i32
    %dma_start3A_193 = tpu.memref_slice %arg1[%dma_start3A_191, %dma_start3A_192] : memref<96x256xf32, #tpu.memory_space<vmem>> -> memref<1x256xf32, #tpu.memory_space<vmem>>
    tpu.enqueue_dma source(%dma_start3A_193 : memref<1x256xf32, #tpu.memory_space<vmem>>) target(%dma_start3A_190 : memref<1x256xf32, #tpu.memory_space<hbm>>) target_semaphore(%arg4 : memref<!tpu.dma_semaphore, #tpu.memory_space<semaphore_mem>>)
    %get3A_194 = arith.constant 28 : index
    %get3A_195 = memref.load %arg0[%get3A_194] : memref<96xi32, #tpu.memory_space<smem>>
    %dma_start3A_196 = arith.constant 0 : i32
    %dma_start3A_197 = tpu.memref_slice %arg3[%get3A_195, %dma_start3A_196] : memref<32768x256xf32, #tpu.memory_space<hbm>> -> memref<1x256xf32, #tpu.memory_space<hbm>>
    %dma_start3A_198 = arith.constant 28 : i32
    %dma_start3A_199 = arith.constant 0 : i32
    %dma_start3A_200 = tpu.memref_slice %arg1[%dma_start3A_198, %dma_start3A_199] : memref<96x256xf32, #tpu.memory_space<vmem>> -> memref<1x256xf32, #tpu.memory_space<vmem>>
    tpu.enqueue_dma source(%dma_start3A_200 : memref<1x256xf32, #tpu.memory_space<vmem>>) target(%dma_start3A_197 : memref<1x256xf32, #tpu.memory_space<hbm>>) target_semaphore(%arg4 : memref<!tpu.dma_semaphore, #tpu.memory_space<semaphore_mem>>)
    %get3A_201 = arith.constant 29 : index
    %get3A_202 = memref.load %arg0[%get3A_201] : memref<96xi32, #tpu.memory_space<smem>>
    %dma_start3A_203 = arith.constant 0 : i32
    %dma_start3A_204 = tpu.memref_slice %arg3[%get3A_202, %dma_start3A_203] : memref<32768x256xf32, #tpu.memory_space<hbm>> -> memref<1x256xf32, #tpu.memory_space<hbm>>
    %dma_start3A_205 = arith.constant 29 : i32
    %dma_start3A_206 = arith.constant 0 : i32
    %dma_start3A_207 = tpu.memref_slice %arg1[%dma_start3A_205, %dma_start3A_206] : memref<96x256xf32, #tpu.memory_space<vmem>> -> memref<1x256xf32, #tpu.memory_space<vmem>>
    tpu.enqueue_dma source(%dma_start3A_207 : memref<1x256xf32, #tpu.memory_space<vmem>>) target(%dma_start3A_204 : memref<1x256xf32, #tpu.memory_space<hbm>>) target_semaphore(%arg4 : memref<!tpu.dma_semaphore, #tpu.memory_space<semaphore_mem>>)
    %get3A_208 = arith.constant 30 : index
    %get3A_209 = memref.load %arg0[%get3A_208] : memref<96xi32, #tpu.memory_space<smem>>
    %dma_start3A_210 = arith.constant 0 : i32
    %dma_start3A_211 = tpu.memref_slice %arg3[%get3A_209, %dma_start3A_210] : memref<32768x256xf32, #tpu.memory_space<hbm>> -> memref<1x256xf32, #tpu.memory_space<hbm>>
    %dma_start3A_212 = arith.constant 30 : i32
    %dma_start3A_213 = arith.constant 0 : i32
    %dma_start3A_214 = tpu.memref_slice %arg1[%dma_start3A_212, %dma_start3A_213] : memref<96x256xf32, #tpu.memory_space<vmem>> -> memref<1x256xf32, #tpu.memory_space<vmem>>
    tpu.enqueue_dma source(%dma_start3A_214 : memref<1x256xf32, #tpu.memory_space<vmem>>) target(%dma_start3A_211 : memref<1x256xf32, #tpu.memory_space<hbm>>) target_semaphore(%arg4 : memref<!tpu.dma_semaphore, #tpu.memory_space<semaphore_mem>>)
    %get3A_215 = arith.constant 31 : index
    %get3A_216 = memref.load %arg0[%get3A_215] : memref<96xi32, #tpu.memory_space<smem>>
    %dma_start3A_217 = arith.constant 0 : i32
    %dma_start3A_218 = tpu.memref_slice %arg3[%get3A_216, %dma_start3A_217] : memref<32768x256xf32, #tpu.memory_space<hbm>> -> memref<1x256xf32, #tpu.memory_space<hbm>>
    %dma_start3A_219 = arith.constant 31 : i32
    %dma_start3A_220 = arith.constant 0 : i32
    %dma_start3A_221 = tpu.memref_slice %arg1[%dma_start3A_219, %dma_start3A_220] : memref<96x256xf32, #tpu.memory_space<vmem>> -> memref<1x256xf32, #tpu.memory_space<vmem>>
    tpu.enqueue_dma source(%dma_start3A_221 : memref<1x256xf32, #tpu.memory_space<vmem>>) target(%dma_start3A_218 : memref<1x256xf32, #tpu.memory_space<hbm>>) target_semaphore(%arg4 : memref<!tpu.dma_semaphore, #tpu.memory_space<semaphore_mem>>)
    %get3A_222 = arith.constant 32 : index
    %get3A_223 = memref.load %arg0[%get3A_222] : memref<96xi32, #tpu.memory_space<smem>>
    %dma_start3A_224 = arith.constant 0 : i32
    %dma_start3A_225 = tpu.memref_slice %arg3[%get3A_223, %dma_start3A_224] : memref<32768x256xf32, #tpu.memory_space<hbm>> -> memref<1x256xf32, #tpu.memory_space<hbm>>
    %dma_start3A_226 = arith.constant 32 : i32
    %dma_start3A_227 = arith.constant 0 : i32
    %dma_start3A_228 = tpu.memref_slice %arg1[%dma_start3A_226, %dma_start3A_227] : memref<96x256xf32, #tpu.memory_space<vmem>> -> memref<1x256xf32, #tpu.memory_space<vmem>>
    tpu.enqueue_dma source(%dma_start3A_228 : memref<1x256xf32, #tpu.memory_space<vmem>>) target(%dma_start3A_225 : memref<1x256xf32, #tpu.memory_space<hbm>>) target_semaphore(%arg4 : memref<!tpu.dma_semaphore, #tpu.memory_space<semaphore_mem>>)
    %get3A_229 = arith.constant 33 : index
    %get3A_230 = memref.load %arg0[%get3A_229] : memref<96xi32, #tpu.memory_space<smem>>
    %dma_start3A_231 = arith.constant 0 : i32
    %dma_start3A_232 = tpu.memref_slice %arg3[%get3A_230, %dma_start3A_231] : memref<32768x256xf32, #tpu.memory_space<hbm>> -> memref<1x256xf32, #tpu.memory_space<hbm>>
    %dma_start3A_233 = arith.constant 33 : i32
    %dma_start3A_234 = arith.constant 0 : i32
    %dma_start3A_235 = tpu.memref_slice %arg1[%dma_start3A_233, %dma_start3A_234] : memref<96x256xf32, #tpu.memory_space<vmem>> -> memref<1x256xf32, #tpu.memory_space<vmem>>
    tpu.enqueue_dma source(%dma_start3A_235 : memref<1x256xf32, #tpu.memory_space<vmem>>) target(%dma_start3A_232 : memref<1x256xf32, #tpu.memory_space<hbm>>) target_semaphore(%arg4 : memref<!tpu.dma_semaphore, #tpu.memory_space<semaphore_mem>>)
    %get3A_236 = arith.constant 34 : index
    %get3A_237 = memref.load %arg0[%get3A_236] : memref<96xi32, #tpu.memory_space<smem>>
    %dma_start3A_238 = arith.constant 0 : i32
    %dma_start3A_239 = tpu.memref_slice %arg3[%get3A_237, %dma_start3A_238] : memref<32768x256xf32, #tpu.memory_space<hbm>> -> memref<1x256xf32, #tpu.memory_space<hbm>>
    %dma_start3A_240 = arith.constant 34 : i32
    %dma_start3A_241 = arith.constant 0 : i32
    %dma_start3A_242 = tpu.memref_slice %arg1[%dma_start3A_240, %dma_start3A_241] : memref<96x256xf32, #tpu.memory_space<vmem>> -> memref<1x256xf32, #tpu.memory_space<vmem>>
    tpu.enqueue_dma source(%dma_start3A_242 : memref<1x256xf32, #tpu.memory_space<vmem>>) target(%dma_start3A_239 : memref<1x256xf32, #tpu.memory_space<hbm>>) target_semaphore(%arg4 : memref<!tpu.dma_semaphore, #tpu.memory_space<semaphore_mem>>)
    %get3A_243 = arith.constant 35 : index
    %get3A_244 = memref.load %arg0[%get3A_243] : memref<96xi32, #tpu.memory_space<smem>>
    %dma_start3A_245 = arith.constant 0 : i32
    %dma_start3A_246 = tpu.memref_slice %arg3[%get3A_244, %dma_start3A_245] : memref<32768x256xf32, #tpu.memory_space<hbm>> -> memref<1x256xf32, #tpu.memory_space<hbm>>
    %dma_start3A_247 = arith.constant 35 : i32
    %dma_start3A_248 = arith.constant 0 : i32
    %dma_start3A_249 = tpu.memref_slice %arg1[%dma_start3A_247, %dma_start3A_248] : memref<96x256xf32, #tpu.memory_space<vmem>> -> memref<1x256xf32, #tpu.memory_space<vmem>>
    tpu.enqueue_dma source(%dma_start3A_249 : memref<1x256xf32, #tpu.memory_space<vmem>>) target(%dma_start3A_246 : memref<1x256xf32, #tpu.memory_space<hbm>>) target_semaphore(%arg4 : memref<!tpu.dma_semaphore, #tpu.memory_space<semaphore_mem>>)
    %get3A_250 = arith.constant 36 : index
    %get3A_251 = memref.load %arg0[%get3A_250] : memref<96xi32, #tpu.memory_space<smem>>
    %dma_start3A_252 = arith.constant 0 : i32
    %dma_start3A_253 = tpu.memref_slice %arg3[%get3A_251, %dma_start3A_252] : memref<32768x256xf32, #tpu.memory_space<hbm>> -> memref<1x256xf32, #tpu.memory_space<hbm>>
    %dma_start3A_254 = arith.constant 36 : i32
    %dma_start3A_255 = arith.constant 0 : i32
    %dma_start3A_256 = tpu.memref_slice %arg1[%dma_start3A_254, %dma_start3A_255] : memref<96x256xf32, #tpu.memory_space<vmem>> -> memref<1x256xf32, #tpu.memory_space<vmem>>
    tpu.enqueue_dma source(%dma_start3A_256 : memref<1x256xf32, #tpu.memory_space<vmem>>) target(%dma_start3A_253 : memref<1x256xf32, #tpu.memory_space<hbm>>) target_semaphore(%arg4 : memref<!tpu.dma_semaphore, #tpu.memory_space<semaphore_mem>>)
    %get3A_257 = arith.constant 37 : index
    %get3A_258 = memref.load %arg0[%get3A_257] : memref<96xi32, #tpu.memory_space<smem>>
    %dma_start3A_259 = arith.constant 0 : i32
    %dma_start3A_260 = tpu.memref_slice %arg3[%get3A_258, %dma_start3A_259] : memref<32768x256xf32, #tpu.memory_space<hbm>> -> memref<1x256xf32, #tpu.memory_space<hbm>>
    %dma_start3A_261 = arith.constant 37 : i32
    %dma_start3A_262 = arith.constant 0 : i32
    %dma_start3A_263 = tpu.memref_slice %arg1[%dma_start3A_261, %dma_start3A_262] : memref<96x256xf32, #tpu.memory_space<vmem>> -> memref<1x256xf32, #tpu.memory_space<vmem>>
    tpu.enqueue_dma source(%dma_start3A_263 : memref<1x256xf32, #tpu.memory_space<vmem>>) target(%dma_start3A_260 : memref<1x256xf32, #tpu.memory_space<hbm>>) target_semaphore(%arg4 : memref<!tpu.dma_semaphore, #tpu.memory_space<semaphore_mem>>)
    %get3A_264 = arith.constant 38 : index
    %get3A_265 = memref.load %arg0[%get3A_264] : memref<96xi32, #tpu.memory_space<smem>>
    %dma_start3A_266 = arith.constant 0 : i32
    %dma_start3A_267 = tpu.memref_slice %arg3[%get3A_265, %dma_start3A_266] : memref<32768x256xf32, #tpu.memory_space<hbm>> -> memref<1x256xf32, #tpu.memory_space<hbm>>
    %dma_start3A_268 = arith.constant 38 : i32
    %dma_start3A_269 = arith.constant 0 : i32
    %dma_start3A_270 = tpu.memref_slice %arg1[%dma_start3A_268, %dma_start3A_269] : memref<96x256xf32, #tpu.memory_space<vmem>> -> memref<1x256xf32, #tpu.memory_space<vmem>>
    tpu.enqueue_dma source(%dma_start3A_270 : memref<1x256xf32, #tpu.memory_space<vmem>>) target(%dma_start3A_267 : memref<1x256xf32, #tpu.memory_space<hbm>>) target_semaphore(%arg4 : memref<!tpu.dma_semaphore, #tpu.memory_space<semaphore_mem>>)
    %get3A_271 = arith.constant 39 : index
    %get3A_272 = memref.load %arg0[%get3A_271] : memref<96xi32, #tpu.memory_space<smem>>
    %dma_start3A_273 = arith.constant 0 : i32
    %dma_start3A_274 = tpu.memref_slice %arg3[%get3A_272, %dma_start3A_273] : memref<32768x256xf32, #tpu.memory_space<hbm>> -> memref<1x256xf32, #tpu.memory_space<hbm>>
    %dma_start3A_275 = arith.constant 39 : i32
    %dma_start3A_276 = arith.constant 0 : i32
    %dma_start3A_277 = tpu.memref_slice %arg1[%dma_start3A_275, %dma_start3A_276] : memref<96x256xf32, #tpu.memory_space<vmem>> -> memref<1x256xf32, #tpu.memory_space<vmem>>
    tpu.enqueue_dma source(%dma_start3A_277 : memref<1x256xf32, #tpu.memory_space<vmem>>) target(%dma_start3A_274 : memref<1x256xf32, #tpu.memory_space<hbm>>) target_semaphore(%arg4 : memref<!tpu.dma_semaphore, #tpu.memory_space<semaphore_mem>>)
    %get3A_278 = arith.constant 40 : index
    %get3A_279 = memref.load %arg0[%get3A_278] : memref<96xi32, #tpu.memory_space<smem>>
    %dma_start3A_280 = arith.constant 0 : i32
    %dma_start3A_281 = tpu.memref_slice %arg3[%get3A_279, %dma_start3A_280] : memref<32768x256xf32, #tpu.memory_space<hbm>> -> memref<1x256xf32, #tpu.memory_space<hbm>>
    %dma_start3A_282 = arith.constant 40 : i32
    %dma_start3A_283 = arith.constant 0 : i32
    %dma_start3A_284 = tpu.memref_slice %arg1[%dma_start3A_282, %dma_start3A_283] : memref<96x256xf32, #tpu.memory_space<vmem>> -> memref<1x256xf32, #tpu.memory_space<vmem>>
    tpu.enqueue_dma source(%dma_start3A_284 : memref<1x256xf32, #tpu.memory_space<vmem>>) target(%dma_start3A_281 : memref<1x256xf32, #tpu.memory_space<hbm>>) target_semaphore(%arg4 : memref<!tpu.dma_semaphore, #tpu.memory_space<semaphore_mem>>)
    %get3A_285 = arith.constant 41 : index
    %get3A_286 = memref.load %arg0[%get3A_285] : memref<96xi32, #tpu.memory_space<smem>>
    %dma_start3A_287 = arith.constant 0 : i32
    %dma_start3A_288 = tpu.memref_slice %arg3[%get3A_286, %dma_start3A_287] : memref<32768x256xf32, #tpu.memory_space<hbm>> -> memref<1x256xf32, #tpu.memory_space<hbm>>
    %dma_start3A_289 = arith.constant 41 : i32
    %dma_start3A_290 = arith.constant 0 : i32
    %dma_start3A_291 = tpu.memref_slice %arg1[%dma_start3A_289, %dma_start3A_290] : memref<96x256xf32, #tpu.memory_space<vmem>> -> memref<1x256xf32, #tpu.memory_space<vmem>>
    tpu.enqueue_dma source(%dma_start3A_291 : memref<1x256xf32, #tpu.memory_space<vmem>>) target(%dma_start3A_288 : memref<1x256xf32, #tpu.memory_space<hbm>>) target_semaphore(%arg4 : memref<!tpu.dma_semaphore, #tpu.memory_space<semaphore_mem>>)
    %get3A_292 = arith.constant 42 : index
    %get3A_293 = memref.load %arg0[%get3A_292] : memref<96xi32, #tpu.memory_space<smem>>
    %dma_start3A_294 = arith.constant 0 : i32
    %dma_start3A_295 = tpu.memref_slice %arg3[%get3A_293, %dma_start3A_294] : memref<32768x256xf32, #tpu.memory_space<hbm>> -> memref<1x256xf32, #tpu.memory_space<hbm>>
    %dma_start3A_296 = arith.constant 42 : i32
    %dma_start3A_297 = arith.constant 0 : i32
    %dma_start3A_298 = tpu.memref_slice %arg1[%dma_start3A_296, %dma_start3A_297] : memref<96x256xf32, #tpu.memory_space<vmem>> -> memref<1x256xf32, #tpu.memory_space<vmem>>
    tpu.enqueue_dma source(%dma_start3A_298 : memref<1x256xf32, #tpu.memory_space<vmem>>) target(%dma_start3A_295 : memref<1x256xf32, #tpu.memory_space<hbm>>) target_semaphore(%arg4 : memref<!tpu.dma_semaphore, #tpu.memory_space<semaphore_mem>>)
    %get3A_299 = arith.constant 43 : index
    %get3A_300 = memref.load %arg0[%get3A_299] : memref<96xi32, #tpu.memory_space<smem>>
    %dma_start3A_301 = arith.constant 0 : i32
    %dma_start3A_302 = tpu.memref_slice %arg3[%get3A_300, %dma_start3A_301] : memref<32768x256xf32, #tpu.memory_space<hbm>> -> memref<1x256xf32, #tpu.memory_space<hbm>>
    %dma_start3A_303 = arith.constant 43 : i32
    %dma_start3A_304 = arith.constant 0 : i32
    %dma_start3A_305 = tpu.memref_slice %arg1[%dma_start3A_303, %dma_start3A_304] : memref<96x256xf32, #tpu.memory_space<vmem>> -> memref<1x256xf32, #tpu.memory_space<vmem>>
    tpu.enqueue_dma source(%dma_start3A_305 : memref<1x256xf32, #tpu.memory_space<vmem>>) target(%dma_start3A_302 : memref<1x256xf32, #tpu.memory_space<hbm>>) target_semaphore(%arg4 : memref<!tpu.dma_semaphore, #tpu.memory_space<semaphore_mem>>)
    %get3A_306 = arith.constant 44 : index
    %get3A_307 = memref.load %arg0[%get3A_306] : memref<96xi32, #tpu.memory_space<smem>>
    %dma_start3A_308 = arith.constant 0 : i32
    %dma_start3A_309 = tpu.memref_slice %arg3[%get3A_307, %dma_start3A_308] : memref<32768x256xf32, #tpu.memory_space<hbm>> -> memref<1x256xf32, #tpu.memory_space<hbm>>
    %dma_start3A_310 = arith.constant 44 : i32
    %dma_start3A_311 = arith.constant 0 : i32
    %dma_start3A_312 = tpu.memref_slice %arg1[%dma_start3A_310, %dma_start3A_311] : memref<96x256xf32, #tpu.memory_space<vmem>> -> memref<1x256xf32, #tpu.memory_space<vmem>>
    tpu.enqueue_dma source(%dma_start3A_312 : memref<1x256xf32, #tpu.memory_space<vmem>>) target(%dma_start3A_309 : memref<1x256xf32, #tpu.memory_space<hbm>>) target_semaphore(%arg4 : memref<!tpu.dma_semaphore, #tpu.memory_space<semaphore_mem>>)
    %get3A_313 = arith.constant 45 : index
    %get3A_314 = memref.load %arg0[%get3A_313] : memref<96xi32, #tpu.memory_space<smem>>
    %dma_start3A_315 = arith.constant 0 : i32
    %dma_start3A_316 = tpu.memref_slice %arg3[%get3A_314, %dma_start3A_315] : memref<32768x256xf32, #tpu.memory_space<hbm>> -> memref<1x256xf32, #tpu.memory_space<hbm>>
    %dma_start3A_317 = arith.constant 45 : i32
    %dma_start3A_318 = arith.constant 0 : i32
    %dma_start3A_319 = tpu.memref_slice %arg1[%dma_start3A_317, %dma_start3A_318] : memref<96x256xf32, #tpu.memory_space<vmem>> -> memref<1x256xf32, #tpu.memory_space<vmem>>
    tpu.enqueue_dma source(%dma_start3A_319 : memref<1x256xf32, #tpu.memory_space<vmem>>) target(%dma_start3A_316 : memref<1x256xf32, #tpu.memory_space<hbm>>) target_semaphore(%arg4 : memref<!tpu.dma_semaphore, #tpu.memory_space<semaphore_mem>>)
    %get3A_320 = arith.constant 46 : index
    %get3A_321 = memref.load %arg0[%get3A_320] : memref<96xi32, #tpu.memory_space<smem>>
    %dma_start3A_322 = arith.constant 0 : i32
    %dma_start3A_323 = tpu.memref_slice %arg3[%get3A_321, %dma_start3A_322] : memref<32768x256xf32, #tpu.memory_space<hbm>> -> memref<1x256xf32, #tpu.memory_space<hbm>>
    %dma_start3A_324 = arith.constant 46 : i32
    %dma_start3A_325 = arith.constant 0 : i32
    %dma_start3A_326 = tpu.memref_slice %arg1[%dma_start3A_324, %dma_start3A_325] : memref<96x256xf32, #tpu.memory_space<vmem>> -> memref<1x256xf32, #tpu.memory_space<vmem>>
    tpu.enqueue_dma source(%dma_start3A_326 : memref<1x256xf32, #tpu.memory_space<vmem>>) target(%dma_start3A_323 : memref<1x256xf32, #tpu.memory_space<hbm>>) target_semaphore(%arg4 : memref<!tpu.dma_semaphore, #tpu.memory_space<semaphore_mem>>)
    %get3A_327 = arith.constant 47 : index
    %get3A_328 = memref.load %arg0[%get3A_327] : memref<96xi32, #tpu.memory_space<smem>>
    %dma_start3A_329 = arith.constant 0 : i32
    %dma_start3A_330 = tpu.memref_slice %arg3[%get3A_328, %dma_start3A_329] : memref<32768x256xf32, #tpu.memory_space<hbm>> -> memref<1x256xf32, #tpu.memory_space<hbm>>
    %dma_start3A_331 = arith.constant 47 : i32
    %dma_start3A_332 = arith.constant 0 : i32
    %dma_start3A_333 = tpu.memref_slice %arg1[%dma_start3A_331, %dma_start3A_332] : memref<96x256xf32, #tpu.memory_space<vmem>> -> memref<1x256xf32, #tpu.memory_space<vmem>>
    tpu.enqueue_dma source(%dma_start3A_333 : memref<1x256xf32, #tpu.memory_space<vmem>>) target(%dma_start3A_330 : memref<1x256xf32, #tpu.memory_space<hbm>>) target_semaphore(%arg4 : memref<!tpu.dma_semaphore, #tpu.memory_space<semaphore_mem>>)
    %get3A_334 = arith.constant 48 : index
    %get3A_335 = memref.load %arg0[%get3A_334] : memref<96xi32, #tpu.memory_space<smem>>
    %dma_start3A_336 = arith.constant 0 : i32
    %dma_start3A_337 = tpu.memref_slice %arg3[%get3A_335, %dma_start3A_336] : memref<32768x256xf32, #tpu.memory_space<hbm>> -> memref<1x256xf32, #tpu.memory_space<hbm>>
    %dma_start3A_338 = arith.constant 48 : i32
    %dma_start3A_339 = arith.constant 0 : i32
    %dma_start3A_340 = tpu.memref_slice %arg1[%dma_start3A_338, %dma_start3A_339] : memref<96x256xf32, #tpu.memory_space<vmem>> -> memref<1x256xf32, #tpu.memory_space<vmem>>
    tpu.enqueue_dma source(%dma_start3A_340 : memref<1x256xf32, #tpu.memory_space<vmem>>) target(%dma_start3A_337 : memref<1x256xf32, #tpu.memory_space<hbm>>) target_semaphore(%arg4 : memref<!tpu.dma_semaphore, #tpu.memory_space<semaphore_mem>>)
    %get3A_341 = arith.constant 49 : index
    %get3A_342 = memref.load %arg0[%get3A_341] : memref<96xi32, #tpu.memory_space<smem>>
    %dma_start3A_343 = arith.constant 0 : i32
    %dma_start3A_344 = tpu.memref_slice %arg3[%get3A_342, %dma_start3A_343] : memref<32768x256xf32, #tpu.memory_space<hbm>> -> memref<1x256xf32, #tpu.memory_space<hbm>>
    %dma_start3A_345 = arith.constant 49 : i32
    %dma_start3A_346 = arith.constant 0 : i32
    %dma_start3A_347 = tpu.memref_slice %arg1[%dma_start3A_345, %dma_start3A_346] : memref<96x256xf32, #tpu.memory_space<vmem>> -> memref<1x256xf32, #tpu.memory_space<vmem>>
    tpu.enqueue_dma source(%dma_start3A_347 : memref<1x256xf32, #tpu.memory_space<vmem>>) target(%dma_start3A_344 : memref<1x256xf32, #tpu.memory_space<hbm>>) target_semaphore(%arg4 : memref<!tpu.dma_semaphore, #tpu.memory_space<semaphore_mem>>)
    %get3A_348 = arith.constant 50 : index
    %get3A_349 = memref.load %arg0[%get3A_348] : memref<96xi32, #tpu.memory_space<smem>>
    %dma_start3A_350 = arith.constant 0 : i32
    %dma_start3A_351 = tpu.memref_slice %arg3[%get3A_349, %dma_start3A_350] : memref<32768x256xf32, #tpu.memory_space<hbm>> -> memref<1x256xf32, #tpu.memory_space<hbm>>
    %dma_start3A_352 = arith.constant 50 : i32
    %dma_start3A_353 = arith.constant 0 : i32
    %dma_start3A_354 = tpu.memref_slice %arg1[%dma_start3A_352, %dma_start3A_353] : memref<96x256xf32, #tpu.memory_space<vmem>> -> memref<1x256xf32, #tpu.memory_space<vmem>>
    tpu.enqueue_dma source(%dma_start3A_354 : memref<1x256xf32, #tpu.memory_space<vmem>>) target(%dma_start3A_351 : memref<1x256xf32, #tpu.memory_space<hbm>>) target_semaphore(%arg4 : memref<!tpu.dma_semaphore, #tpu.memory_space<semaphore_mem>>)
    %get3A_355 = arith.constant 51 : index
    %get3A_356 = memref.load %arg0[%get3A_355] : memref<96xi32, #tpu.memory_space<smem>>
    %dma_start3A_357 = arith.constant 0 : i32
    %dma_start3A_358 = tpu.memref_slice %arg3[%get3A_356, %dma_start3A_357] : memref<32768x256xf32, #tpu.memory_space<hbm>> -> memref<1x256xf32, #tpu.memory_space<hbm>>
    %dma_start3A_359 = arith.constant 51 : i32
    %dma_start3A_360 = arith.constant 0 : i32
    %dma_start3A_361 = tpu.memref_slice %arg1[%dma_start3A_359, %dma_start3A_360] : memref<96x256xf32, #tpu.memory_space<vmem>> -> memref<1x256xf32, #tpu.memory_space<vmem>>
    tpu.enqueue_dma source(%dma_start3A_361 : memref<1x256xf32, #tpu.memory_space<vmem>>) target(%dma_start3A_358 : memref<1x256xf32, #tpu.memory_space<hbm>>) target_semaphore(%arg4 : memref<!tpu.dma_semaphore, #tpu.memory_space<semaphore_mem>>)
    %get3A_362 = arith.constant 52 : index
    %get3A_363 = memref.load %arg0[%get3A_362] : memref<96xi32, #tpu.memory_space<smem>>
    %dma_start3A_364 = arith.constant 0 : i32
    %dma_start3A_365 = tpu.memref_slice %arg3[%get3A_363, %dma_start3A_364] : memref<32768x256xf32, #tpu.memory_space<hbm>> -> memref<1x256xf32, #tpu.memory_space<hbm>>
    %dma_start3A_366 = arith.constant 52 : i32
    %dma_start3A_367 = arith.constant 0 : i32
    %dma_start3A_368 = tpu.memref_slice %arg1[%dma_start3A_366, %dma_start3A_367] : memref<96x256xf32, #tpu.memory_space<vmem>> -> memref<1x256xf32, #tpu.memory_space<vmem>>
    tpu.enqueue_dma source(%dma_start3A_368 : memref<1x256xf32, #tpu.memory_space<vmem>>) target(%dma_start3A_365 : memref<1x256xf32, #tpu.memory_space<hbm>>) target_semaphore(%arg4 : memref<!tpu.dma_semaphore, #tpu.memory_space<semaphore_mem>>)
    %get3A_369 = arith.constant 53 : index
    %get3A_370 = memref.load %arg0[%get3A_369] : memref<96xi32, #tpu.memory_space<smem>>
    %dma_start3A_371 = arith.constant 0 : i32
    %dma_start3A_372 = tpu.memref_slice %arg3[%get3A_370, %dma_start3A_371] : memref<32768x256xf32, #tpu.memory_space<hbm>> -> memref<1x256xf32, #tpu.memory_space<hbm>>
    %dma_start3A_373 = arith.constant 53 : i32
    %dma_start3A_374 = arith.constant 0 : i32
    %dma_start3A_375 = tpu.memref_slice %arg1[%dma_start3A_373, %dma_start3A_374] : memref<96x256xf32, #tpu.memory_space<vmem>> -> memref<1x256xf32, #tpu.memory_space<vmem>>
    tpu.enqueue_dma source(%dma_start3A_375 : memref<1x256xf32, #tpu.memory_space<vmem>>) target(%dma_start3A_372 : memref<1x256xf32, #tpu.memory_space<hbm>>) target_semaphore(%arg4 : memref<!tpu.dma_semaphore, #tpu.memory_space<semaphore_mem>>)
    %get3A_376 = arith.constant 54 : index
    %get3A_377 = memref.load %arg0[%get3A_376] : memref<96xi32, #tpu.memory_space<smem>>
    %dma_start3A_378 = arith.constant 0 : i32
    %dma_start3A_379 = tpu.memref_slice %arg3[%get3A_377, %dma_start3A_378] : memref<32768x256xf32, #tpu.memory_space<hbm>> -> memref<1x256xf32, #tpu.memory_space<hbm>>
    %dma_start3A_380 = arith.constant 54 : i32
    %dma_start3A_381 = arith.constant 0 : i32
    %dma_start3A_382 = tpu.memref_slice %arg1[%dma_start3A_380, %dma_start3A_381] : memref<96x256xf32, #tpu.memory_space<vmem>> -> memref<1x256xf32, #tpu.memory_space<vmem>>
    tpu.enqueue_dma source(%dma_start3A_382 : memref<1x256xf32, #tpu.memory_space<vmem>>) target(%dma_start3A_379 : memref<1x256xf32, #tpu.memory_space<hbm>>) target_semaphore(%arg4 : memref<!tpu.dma_semaphore, #tpu.memory_space<semaphore_mem>>)
    %get3A_383 = arith.constant 55 : index
    %get3A_384 = memref.load %arg0[%get3A_383] : memref<96xi32, #tpu.memory_space<smem>>
    %dma_start3A_385 = arith.constant 0 : i32
    %dma_start3A_386 = tpu.memref_slice %arg3[%get3A_384, %dma_start3A_385] : memref<32768x256xf32, #tpu.memory_space<hbm>> -> memref<1x256xf32, #tpu.memory_space<hbm>>
    %dma_start3A_387 = arith.constant 55 : i32
    %dma_start3A_388 = arith.constant 0 : i32
    %dma_start3A_389 = tpu.memref_slice %arg1[%dma_start3A_387, %dma_start3A_388] : memref<96x256xf32, #tpu.memory_space<vmem>> -> memref<1x256xf32, #tpu.memory_space<vmem>>
    tpu.enqueue_dma source(%dma_start3A_389 : memref<1x256xf32, #tpu.memory_space<vmem>>) target(%dma_start3A_386 : memref<1x256xf32, #tpu.memory_space<hbm>>) target_semaphore(%arg4 : memref<!tpu.dma_semaphore, #tpu.memory_space<semaphore_mem>>)
    %get3A_390 = arith.constant 56 : index
    %get3A_391 = memref.load %arg0[%get3A_390] : memref<96xi32, #tpu.memory_space<smem>>
    %dma_start3A_392 = arith.constant 0 : i32
    %dma_start3A_393 = tpu.memref_slice %arg3[%get3A_391, %dma_start3A_392] : memref<32768x256xf32, #tpu.memory_space<hbm>> -> memref<1x256xf32, #tpu.memory_space<hbm>>
    %dma_start3A_394 = arith.constant 56 : i32
    %dma_start3A_395 = arith.constant 0 : i32
    %dma_start3A_396 = tpu.memref_slice %arg1[%dma_start3A_394, %dma_start3A_395] : memref<96x256xf32, #tpu.memory_space<vmem>> -> memref<1x256xf32, #tpu.memory_space<vmem>>
    tpu.enqueue_dma source(%dma_start3A_396 : memref<1x256xf32, #tpu.memory_space<vmem>>) target(%dma_start3A_393 : memref<1x256xf32, #tpu.memory_space<hbm>>) target_semaphore(%arg4 : memref<!tpu.dma_semaphore, #tpu.memory_space<semaphore_mem>>)
    %get3A_397 = arith.constant 57 : index
    %get3A_398 = memref.load %arg0[%get3A_397] : memref<96xi32, #tpu.memory_space<smem>>
    %dma_start3A_399 = arith.constant 0 : i32
    %dma_start3A_400 = tpu.memref_slice %arg3[%get3A_398, %dma_start3A_399] : memref<32768x256xf32, #tpu.memory_space<hbm>> -> memref<1x256xf32, #tpu.memory_space<hbm>>
    %dma_start3A_401 = arith.constant 57 : i32
    %dma_start3A_402 = arith.constant 0 : i32
    %dma_start3A_403 = tpu.memref_slice %arg1[%dma_start3A_401, %dma_start3A_402] : memref<96x256xf32, #tpu.memory_space<vmem>> -> memref<1x256xf32, #tpu.memory_space<vmem>>
    tpu.enqueue_dma source(%dma_start3A_403 : memref<1x256xf32, #tpu.memory_space<vmem>>) target(%dma_start3A_400 : memref<1x256xf32, #tpu.memory_space<hbm>>) target_semaphore(%arg4 : memref<!tpu.dma_semaphore, #tpu.memory_space<semaphore_mem>>)
    %get3A_404 = arith.constant 58 : index
    %get3A_405 = memref.load %arg0[%get3A_404] : memref<96xi32, #tpu.memory_space<smem>>
    %dma_start3A_406 = arith.constant 0 : i32
    %dma_start3A_407 = tpu.memref_slice %arg3[%get3A_405, %dma_start3A_406] : memref<32768x256xf32, #tpu.memory_space<hbm>> -> memref<1x256xf32, #tpu.memory_space<hbm>>
    %dma_start3A_408 = arith.constant 58 : i32
    %dma_start3A_409 = arith.constant 0 : i32
    %dma_start3A_410 = tpu.memref_slice %arg1[%dma_start3A_408, %dma_start3A_409] : memref<96x256xf32, #tpu.memory_space<vmem>> -> memref<1x256xf32, #tpu.memory_space<vmem>>
    tpu.enqueue_dma source(%dma_start3A_410 : memref<1x256xf32, #tpu.memory_space<vmem>>) target(%dma_start3A_407 : memref<1x256xf32, #tpu.memory_space<hbm>>) target_semaphore(%arg4 : memref<!tpu.dma_semaphore, #tpu.memory_space<semaphore_mem>>)
    %get3A_411 = arith.constant 59 : index
    %get3A_412 = memref.load %arg0[%get3A_411] : memref<96xi32, #tpu.memory_space<smem>>
    %dma_start3A_413 = arith.constant 0 : i32
    %dma_start3A_414 = tpu.memref_slice %arg3[%get3A_412, %dma_start3A_413] : memref<32768x256xf32, #tpu.memory_space<hbm>> -> memref<1x256xf32, #tpu.memory_space<hbm>>
    %dma_start3A_415 = arith.constant 59 : i32
    %dma_start3A_416 = arith.constant 0 : i32
    %dma_start3A_417 = tpu.memref_slice %arg1[%dma_start3A_415, %dma_start3A_416] : memref<96x256xf32, #tpu.memory_space<vmem>> -> memref<1x256xf32, #tpu.memory_space<vmem>>
    tpu.enqueue_dma source(%dma_start3A_417 : memref<1x256xf32, #tpu.memory_space<vmem>>) target(%dma_start3A_414 : memref<1x256xf32, #tpu.memory_space<hbm>>) target_semaphore(%arg4 : memref<!tpu.dma_semaphore, #tpu.memory_space<semaphore_mem>>)
    %get3A_418 = arith.constant 60 : index
    %get3A_419 = memref.load %arg0[%get3A_418] : memref<96xi32, #tpu.memory_space<smem>>
    %dma_start3A_420 = arith.constant 0 : i32
    %dma_start3A_421 = tpu.memref_slice %arg3[%get3A_419, %dma_start3A_420] : memref<32768x256xf32, #tpu.memory_space<hbm>> -> memref<1x256xf32, #tpu.memory_space<hbm>>
    %dma_start3A_422 = arith.constant 60 : i32
    %dma_start3A_423 = arith.constant 0 : i32
    %dma_start3A_424 = tpu.memref_slice %arg1[%dma_start3A_422, %dma_start3A_423] : memref<96x256xf32, #tpu.memory_space<vmem>> -> memref<1x256xf32, #tpu.memory_space<vmem>>
    tpu.enqueue_dma source(%dma_start3A_424 : memref<1x256xf32, #tpu.memory_space<vmem>>) target(%dma_start3A_421 : memref<1x256xf32, #tpu.memory_space<hbm>>) target_semaphore(%arg4 : memref<!tpu.dma_semaphore, #tpu.memory_space<semaphore_mem>>)
    %get3A_425 = arith.constant 61 : index
    %get3A_426 = memref.load %arg0[%get3A_425] : memref<96xi32, #tpu.memory_space<smem>>
    %dma_start3A_427 = arith.constant 0 : i32
    %dma_start3A_428 = tpu.memref_slice %arg3[%get3A_426, %dma_start3A_427] : memref<32768x256xf32, #tpu.memory_space<hbm>> -> memref<1x256xf32, #tpu.memory_space<hbm>>
    %dma_start3A_429 = arith.constant 61 : i32
    %dma_start3A_430 = arith.constant 0 : i32
    %dma_start3A_431 = tpu.memref_slice %arg1[%dma_start3A_429, %dma_start3A_430] : memref<96x256xf32, #tpu.memory_space<vmem>> -> memref<1x256xf32, #tpu.memory_space<vmem>>
    tpu.enqueue_dma source(%dma_start3A_431 : memref<1x256xf32, #tpu.memory_space<vmem>>) target(%dma_start3A_428 : memref<1x256xf32, #tpu.memory_space<hbm>>) target_semaphore(%arg4 : memref<!tpu.dma_semaphore, #tpu.memory_space<semaphore_mem>>)
    %get3A_432 = arith.constant 62 : index
    %get3A_433 = memref.load %arg0[%get3A_432] : memref<96xi32, #tpu.memory_space<smem>>
    %dma_start3A_434 = arith.constant 0 : i32
    %dma_start3A_435 = tpu.memref_slice %arg3[%get3A_433, %dma_start3A_434] : memref<32768x256xf32, #tpu.memory_space<hbm>> -> memref<1x256xf32, #tpu.memory_space<hbm>>
    %dma_start3A_436 = arith.constant 62 : i32
    %dma_start3A_437 = arith.constant 0 : i32
    %dma_start3A_438 = tpu.memref_slice %arg1[%dma_start3A_436, %dma_start3A_437] : memref<96x256xf32, #tpu.memory_space<vmem>> -> memref<1x256xf32, #tpu.memory_space<vmem>>
    tpu.enqueue_dma source(%dma_start3A_438 : memref<1x256xf32, #tpu.memory_space<vmem>>) target(%dma_start3A_435 : memref<1x256xf32, #tpu.memory_space<hbm>>) target_semaphore(%arg4 : memref<!tpu.dma_semaphore, #tpu.memory_space<semaphore_mem>>)
    %get3A_439 = arith.constant 63 : index
    %get3A_440 = memref.load %arg0[%get3A_439] : memref<96xi32, #tpu.memory_space<smem>>
    %dma_start3A_441 = arith.constant 0 : i32
    %dma_start3A_442 = tpu.memref_slice %arg3[%get3A_440, %dma_start3A_441] : memref<32768x256xf32, #tpu.memory_space<hbm>> -> memref<1x256xf32, #tpu.memory_space<hbm>>
    %dma_start3A_443 = arith.constant 63 : i32
    %dma_start3A_444 = arith.constant 0 : i32
    %dma_start3A_445 = tpu.memref_slice %arg1[%dma_start3A_443, %dma_start3A_444] : memref<96x256xf32, #tpu.memory_space<vmem>> -> memref<1x256xf32, #tpu.memory_space<vmem>>
    tpu.enqueue_dma source(%dma_start3A_445 : memref<1x256xf32, #tpu.memory_space<vmem>>) target(%dma_start3A_442 : memref<1x256xf32, #tpu.memory_space<hbm>>) target_semaphore(%arg4 : memref<!tpu.dma_semaphore, #tpu.memory_space<semaphore_mem>>)
    %get3A_446 = arith.constant 64 : index
    %get3A_447 = memref.load %arg0[%get3A_446] : memref<96xi32, #tpu.memory_space<smem>>
    %dma_start3A_448 = arith.constant 0 : i32
    %dma_start3A_449 = tpu.memref_slice %arg3[%get3A_447, %dma_start3A_448] : memref<32768x256xf32, #tpu.memory_space<hbm>> -> memref<1x256xf32, #tpu.memory_space<hbm>>
    %dma_start3A_450 = arith.constant 64 : i32
    %dma_start3A_451 = arith.constant 0 : i32
    %dma_start3A_452 = tpu.memref_slice %arg1[%dma_start3A_450, %dma_start3A_451] : memref<96x256xf32, #tpu.memory_space<vmem>> -> memref<1x256xf32, #tpu.memory_space<vmem>>
    tpu.enqueue_dma source(%dma_start3A_452 : memref<1x256xf32, #tpu.memory_space<vmem>>) target(%dma_start3A_449 : memref<1x256xf32, #tpu.memory_space<hbm>>) target_semaphore(%arg4 : memref<!tpu.dma_semaphore, #tpu.memory_space<semaphore_mem>>)
    %get3A_453 = arith.constant 65 : index
    %get3A_454 = memref.load %arg0[%get3A_453] : memref<96xi32, #tpu.memory_space<smem>>
    %dma_start3A_455 = arith.constant 0 : i32
    %dma_start3A_456 = tpu.memref_slice %arg3[%get3A_454, %dma_start3A_455] : memref<32768x256xf32, #tpu.memory_space<hbm>> -> memref<1x256xf32, #tpu.memory_space<hbm>>
    %dma_start3A_457 = arith.constant 65 : i32
    %dma_start3A_458 = arith.constant 0 : i32
    %dma_start3A_459 = tpu.memref_slice %arg1[%dma_start3A_457, %dma_start3A_458] : memref<96x256xf32, #tpu.memory_space<vmem>> -> memref<1x256xf32, #tpu.memory_space<vmem>>
    tpu.enqueue_dma source(%dma_start3A_459 : memref<1x256xf32, #tpu.memory_space<vmem>>) target(%dma_start3A_456 : memref<1x256xf32, #tpu.memory_space<hbm>>) target_semaphore(%arg4 : memref<!tpu.dma_semaphore, #tpu.memory_space<semaphore_mem>>)
    %get3A_460 = arith.constant 66 : index
    %get3A_461 = memref.load %arg0[%get3A_460] : memref<96xi32, #tpu.memory_space<smem>>
    %dma_start3A_462 = arith.constant 0 : i32
    %dma_start3A_463 = tpu.memref_slice %arg3[%get3A_461, %dma_start3A_462] : memref<32768x256xf32, #tpu.memory_space<hbm>> -> memref<1x256xf32, #tpu.memory_space<hbm>>
    %dma_start3A_464 = arith.constant 66 : i32
    %dma_start3A_465 = arith.constant 0 : i32
    %dma_start3A_466 = tpu.memref_slice %arg1[%dma_start3A_464, %dma_start3A_465] : memref<96x256xf32, #tpu.memory_space<vmem>> -> memref<1x256xf32, #tpu.memory_space<vmem>>
    tpu.enqueue_dma source(%dma_start3A_466 : memref<1x256xf32, #tpu.memory_space<vmem>>) target(%dma_start3A_463 : memref<1x256xf32, #tpu.memory_space<hbm>>) target_semaphore(%arg4 : memref<!tpu.dma_semaphore, #tpu.memory_space<semaphore_mem>>)
    %get3A_467 = arith.constant 67 : index
    %get3A_468 = memref.load %arg0[%get3A_467] : memref<96xi32, #tpu.memory_space<smem>>
    %dma_start3A_469 = arith.constant 0 : i32
    %dma_start3A_470 = tpu.memref_slice %arg3[%get3A_468, %dma_start3A_469] : memref<32768x256xf32, #tpu.memory_space<hbm>> -> memref<1x256xf32, #tpu.memory_space<hbm>>
    %dma_start3A_471 = arith.constant 67 : i32
    %dma_start3A_472 = arith.constant 0 : i32
    %dma_start3A_473 = tpu.memref_slice %arg1[%dma_start3A_471, %dma_start3A_472] : memref<96x256xf32, #tpu.memory_space<vmem>> -> memref<1x256xf32, #tpu.memory_space<vmem>>
    tpu.enqueue_dma source(%dma_start3A_473 : memref<1x256xf32, #tpu.memory_space<vmem>>) target(%dma_start3A_470 : memref<1x256xf32, #tpu.memory_space<hbm>>) target_semaphore(%arg4 : memref<!tpu.dma_semaphore, #tpu.memory_space<semaphore_mem>>)
    %get3A_474 = arith.constant 68 : index
    %get3A_475 = memref.load %arg0[%get3A_474] : memref<96xi32, #tpu.memory_space<smem>>
    %dma_start3A_476 = arith.constant 0 : i32
    %dma_start3A_477 = tpu.memref_slice %arg3[%get3A_475, %dma_start3A_476] : memref<32768x256xf32, #tpu.memory_space<hbm>> -> memref<1x256xf32, #tpu.memory_space<hbm>>
    %dma_start3A_478 = arith.constant 68 : i32
    %dma_start3A_479 = arith.constant 0 : i32
    %dma_start3A_480 = tpu.memref_slice %arg1[%dma_start3A_478, %dma_start3A_479] : memref<96x256xf32, #tpu.memory_space<vmem>> -> memref<1x256xf32, #tpu.memory_space<vmem>>
    tpu.enqueue_dma source(%dma_start3A_480 : memref<1x256xf32, #tpu.memory_space<vmem>>) target(%dma_start3A_477 : memref<1x256xf32, #tpu.memory_space<hbm>>) target_semaphore(%arg4 : memref<!tpu.dma_semaphore, #tpu.memory_space<semaphore_mem>>)
    %get3A_481 = arith.constant 69 : index
    %get3A_482 = memref.load %arg0[%get3A_481] : memref<96xi32, #tpu.memory_space<smem>>
    %dma_start3A_483 = arith.constant 0 : i32
    %dma_start3A_484 = tpu.memref_slice %arg3[%get3A_482, %dma_start3A_483] : memref<32768x256xf32, #tpu.memory_space<hbm>> -> memref<1x256xf32, #tpu.memory_space<hbm>>
    %dma_start3A_485 = arith.constant 69 : i32
    %dma_start3A_486 = arith.constant 0 : i32
    %dma_start3A_487 = tpu.memref_slice %arg1[%dma_start3A_485, %dma_start3A_486] : memref<96x256xf32, #tpu.memory_space<vmem>> -> memref<1x256xf32, #tpu.memory_space<vmem>>
    tpu.enqueue_dma source(%dma_start3A_487 : memref<1x256xf32, #tpu.memory_space<vmem>>) target(%dma_start3A_484 : memref<1x256xf32, #tpu.memory_space<hbm>>) target_semaphore(%arg4 : memref<!tpu.dma_semaphore, #tpu.memory_space<semaphore_mem>>)
    %get3A_488 = arith.constant 70 : index
    %get3A_489 = memref.load %arg0[%get3A_488] : memref<96xi32, #tpu.memory_space<smem>>
    %dma_start3A_490 = arith.constant 0 : i32
    %dma_start3A_491 = tpu.memref_slice %arg3[%get3A_489, %dma_start3A_490] : memref<32768x256xf32, #tpu.memory_space<hbm>> -> memref<1x256xf32, #tpu.memory_space<hbm>>
    %dma_start3A_492 = arith.constant 70 : i32
    %dma_start3A_493 = arith.constant 0 : i32
    %dma_start3A_494 = tpu.memref_slice %arg1[%dma_start3A_492, %dma_start3A_493] : memref<96x256xf32, #tpu.memory_space<vmem>> -> memref<1x256xf32, #tpu.memory_space<vmem>>
    tpu.enqueue_dma source(%dma_start3A_494 : memref<1x256xf32, #tpu.memory_space<vmem>>) target(%dma_start3A_491 : memref<1x256xf32, #tpu.memory_space<hbm>>) target_semaphore(%arg4 : memref<!tpu.dma_semaphore, #tpu.memory_space<semaphore_mem>>)
    %get3A_495 = arith.constant 71 : index
    %get3A_496 = memref.load %arg0[%get3A_495] : memref<96xi32, #tpu.memory_space<smem>>
    %dma_start3A_497 = arith.constant 0 : i32
    %dma_start3A_498 = tpu.memref_slice %arg3[%get3A_496, %dma_start3A_497] : memref<32768x256xf32, #tpu.memory_space<hbm>> -> memref<1x256xf32, #tpu.memory_space<hbm>>
    %dma_start3A_499 = arith.constant 71 : i32
    %dma_start3A_500 = arith.constant 0 : i32
    %dma_start3A_501 = tpu.memref_slice %arg1[%dma_start3A_499, %dma_start3A_500] : memref<96x256xf32, #tpu.memory_space<vmem>> -> memref<1x256xf32, #tpu.memory_space<vmem>>
    tpu.enqueue_dma source(%dma_start3A_501 : memref<1x256xf32, #tpu.memory_space<vmem>>) target(%dma_start3A_498 : memref<1x256xf32, #tpu.memory_space<hbm>>) target_semaphore(%arg4 : memref<!tpu.dma_semaphore, #tpu.memory_space<semaphore_mem>>)
    %get3A_502 = arith.constant 72 : index
    %get3A_503 = memref.load %arg0[%get3A_502] : memref<96xi32, #tpu.memory_space<smem>>
    %dma_start3A_504 = arith.constant 0 : i32
    %dma_start3A_505 = tpu.memref_slice %arg3[%get3A_503, %dma_start3A_504] : memref<32768x256xf32, #tpu.memory_space<hbm>> -> memref<1x256xf32, #tpu.memory_space<hbm>>
    %dma_start3A_506 = arith.constant 72 : i32
    %dma_start3A_507 = arith.constant 0 : i32
    %dma_start3A_508 = tpu.memref_slice %arg1[%dma_start3A_506, %dma_start3A_507] : memref<96x256xf32, #tpu.memory_space<vmem>> -> memref<1x256xf32, #tpu.memory_space<vmem>>
    tpu.enqueue_dma source(%dma_start3A_508 : memref<1x256xf32, #tpu.memory_space<vmem>>) target(%dma_start3A_505 : memref<1x256xf32, #tpu.memory_space<hbm>>) target_semaphore(%arg4 : memref<!tpu.dma_semaphore, #tpu.memory_space<semaphore_mem>>)
    %get3A_509 = arith.constant 73 : index
    %get3A_510 = memref.load %arg0[%get3A_509] : memref<96xi32, #tpu.memory_space<smem>>
    %dma_start3A_511 = arith.constant 0 : i32
    %dma_start3A_512 = tpu.memref_slice %arg3[%get3A_510, %dma_start3A_511] : memref<32768x256xf32, #tpu.memory_space<hbm>> -> memref<1x256xf32, #tpu.memory_space<hbm>>
    %dma_start3A_513 = arith.constant 73 : i32
    %dma_start3A_514 = arith.constant 0 : i32
    %dma_start3A_515 = tpu.memref_slice %arg1[%dma_start3A_513, %dma_start3A_514] : memref<96x256xf32, #tpu.memory_space<vmem>> -> memref<1x256xf32, #tpu.memory_space<vmem>>
    tpu.enqueue_dma source(%dma_start3A_515 : memref<1x256xf32, #tpu.memory_space<vmem>>) target(%dma_start3A_512 : memref<1x256xf32, #tpu.memory_space<hbm>>) target_semaphore(%arg4 : memref<!tpu.dma_semaphore, #tpu.memory_space<semaphore_mem>>)
    %get3A_516 = arith.constant 74 : index
    %get3A_517 = memref.load %arg0[%get3A_516] : memref<96xi32, #tpu.memory_space<smem>>
    %dma_start3A_518 = arith.constant 0 : i32
    %dma_start3A_519 = tpu.memref_slice %arg3[%get3A_517, %dma_start3A_518] : memref<32768x256xf32, #tpu.memory_space<hbm>> -> memref<1x256xf32, #tpu.memory_space<hbm>>
    %dma_start3A_520 = arith.constant 74 : i32
    %dma_start3A_521 = arith.constant 0 : i32
    %dma_start3A_522 = tpu.memref_slice %arg1[%dma_start3A_520, %dma_start3A_521] : memref<96x256xf32, #tpu.memory_space<vmem>> -> memref<1x256xf32, #tpu.memory_space<vmem>>
    tpu.enqueue_dma source(%dma_start3A_522 : memref<1x256xf32, #tpu.memory_space<vmem>>) target(%dma_start3A_519 : memref<1x256xf32, #tpu.memory_space<hbm>>) target_semaphore(%arg4 : memref<!tpu.dma_semaphore, #tpu.memory_space<semaphore_mem>>)
    %get3A_523 = arith.constant 75 : index
    %get3A_524 = memref.load %arg0[%get3A_523] : memref<96xi32, #tpu.memory_space<smem>>
    %dma_start3A_525 = arith.constant 0 : i32
    %dma_start3A_526 = tpu.memref_slice %arg3[%get3A_524, %dma_start3A_525] : memref<32768x256xf32, #tpu.memory_space<hbm>> -> memref<1x256xf32, #tpu.memory_space<hbm>>
    %dma_start3A_527 = arith.constant 75 : i32
    %dma_start3A_528 = arith.constant 0 : i32
    %dma_start3A_529 = tpu.memref_slice %arg1[%dma_start3A_527, %dma_start3A_528] : memref<96x256xf32, #tpu.memory_space<vmem>> -> memref<1x256xf32, #tpu.memory_space<vmem>>
    tpu.enqueue_dma source(%dma_start3A_529 : memref<1x256xf32, #tpu.memory_space<vmem>>) target(%dma_start3A_526 : memref<1x256xf32, #tpu.memory_space<hbm>>) target_semaphore(%arg4 : memref<!tpu.dma_semaphore, #tpu.memory_space<semaphore_mem>>)
    %get3A_530 = arith.constant 76 : index
    %get3A_531 = memref.load %arg0[%get3A_530] : memref<96xi32, #tpu.memory_space<smem>>
    %dma_start3A_532 = arith.constant 0 : i32
    %dma_start3A_533 = tpu.memref_slice %arg3[%get3A_531, %dma_start3A_532] : memref<32768x256xf32, #tpu.memory_space<hbm>> -> memref<1x256xf32, #tpu.memory_space<hbm>>
    %dma_start3A_534 = arith.constant 76 : i32
    %dma_start3A_535 = arith.constant 0 : i32
    %dma_start3A_536 = tpu.memref_slice %arg1[%dma_start3A_534, %dma_start3A_535] : memref<96x256xf32, #tpu.memory_space<vmem>> -> memref<1x256xf32, #tpu.memory_space<vmem>>
    tpu.enqueue_dma source(%dma_start3A_536 : memref<1x256xf32, #tpu.memory_space<vmem>>) target(%dma_start3A_533 : memref<1x256xf32, #tpu.memory_space<hbm>>) target_semaphore(%arg4 : memref<!tpu.dma_semaphore, #tpu.memory_space<semaphore_mem>>)
    %get3A_537 = arith.constant 77 : index
    %get3A_538 = memref.load %arg0[%get3A_537] : memref<96xi32, #tpu.memory_space<smem>>
    %dma_start3A_539 = arith.constant 0 : i32
    %dma_start3A_540 = tpu.memref_slice %arg3[%get3A_538, %dma_start3A_539] : memref<32768x256xf32, #tpu.memory_space<hbm>> -> memref<1x256xf32, #tpu.memory_space<hbm>>
    %dma_start3A_541 = arith.constant 77 : i32
    %dma_start3A_542 = arith.constant 0 : i32
    %dma_start3A_543 = tpu.memref_slice %arg1[%dma_start3A_541, %dma_start3A_542] : memref<96x256xf32, #tpu.memory_space<vmem>> -> memref<1x256xf32, #tpu.memory_space<vmem>>
    tpu.enqueue_dma source(%dma_start3A_543 : memref<1x256xf32, #tpu.memory_space<vmem>>) target(%dma_start3A_540 : memref<1x256xf32, #tpu.memory_space<hbm>>) target_semaphore(%arg4 : memref<!tpu.dma_semaphore, #tpu.memory_space<semaphore_mem>>)
    %get3A_544 = arith.constant 78 : index
    %get3A_545 = memref.load %arg0[%get3A_544] : memref<96xi32, #tpu.memory_space<smem>>
    %dma_start3A_546 = arith.constant 0 : i32
    %dma_start3A_547 = tpu.memref_slice %arg3[%get3A_545, %dma_start3A_546] : memref<32768x256xf32, #tpu.memory_space<hbm>> -> memref<1x256xf32, #tpu.memory_space<hbm>>
    %dma_start3A_548 = arith.constant 78 : i32
    %dma_start3A_549 = arith.constant 0 : i32
    %dma_start3A_550 = tpu.memref_slice %arg1[%dma_start3A_548, %dma_start3A_549] : memref<96x256xf32, #tpu.memory_space<vmem>> -> memref<1x256xf32, #tpu.memory_space<vmem>>
    tpu.enqueue_dma source(%dma_start3A_550 : memref<1x256xf32, #tpu.memory_space<vmem>>) target(%dma_start3A_547 : memref<1x256xf32, #tpu.memory_space<hbm>>) target_semaphore(%arg4 : memref<!tpu.dma_semaphore, #tpu.memory_space<semaphore_mem>>)
    %get3A_551 = arith.constant 79 : index
    %get3A_552 = memref.load %arg0[%get3A_551] : memref<96xi32, #tpu.memory_space<smem>>
    %dma_start3A_553 = arith.constant 0 : i32
    %dma_start3A_554 = tpu.memref_slice %arg3[%get3A_552, %dma_start3A_553] : memref<32768x256xf32, #tpu.memory_space<hbm>> -> memref<1x256xf32, #tpu.memory_space<hbm>>
    %dma_start3A_555 = arith.constant 79 : i32
    %dma_start3A_556 = arith.constant 0 : i32
    %dma_start3A_557 = tpu.memref_slice %arg1[%dma_start3A_555, %dma_start3A_556] : memref<96x256xf32, #tpu.memory_space<vmem>> -> memref<1x256xf32, #tpu.memory_space<vmem>>
    tpu.enqueue_dma source(%dma_start3A_557 : memref<1x256xf32, #tpu.memory_space<vmem>>) target(%dma_start3A_554 : memref<1x256xf32, #tpu.memory_space<hbm>>) target_semaphore(%arg4 : memref<!tpu.dma_semaphore, #tpu.memory_space<semaphore_mem>>)
    %get3A_558 = arith.constant 80 : index
    %get3A_559 = memref.load %arg0[%get3A_558] : memref<96xi32, #tpu.memory_space<smem>>
    %dma_start3A_560 = arith.constant 0 : i32
    %dma_start3A_561 = tpu.memref_slice %arg3[%get3A_559, %dma_start3A_560] : memref<32768x256xf32, #tpu.memory_space<hbm>> -> memref<1x256xf32, #tpu.memory_space<hbm>>
    %dma_start3A_562 = arith.constant 80 : i32
    %dma_start3A_563 = arith.constant 0 : i32
    %dma_start3A_564 = tpu.memref_slice %arg1[%dma_start3A_562, %dma_start3A_563] : memref<96x256xf32, #tpu.memory_space<vmem>> -> memref<1x256xf32, #tpu.memory_space<vmem>>
    tpu.enqueue_dma source(%dma_start3A_564 : memref<1x256xf32, #tpu.memory_space<vmem>>) target(%dma_start3A_561 : memref<1x256xf32, #tpu.memory_space<hbm>>) target_semaphore(%arg4 : memref<!tpu.dma_semaphore, #tpu.memory_space<semaphore_mem>>)
    %get3A_565 = arith.constant 81 : index
    %get3A_566 = memref.load %arg0[%get3A_565] : memref<96xi32, #tpu.memory_space<smem>>
    %dma_start3A_567 = arith.constant 0 : i32
    %dma_start3A_568 = tpu.memref_slice %arg3[%get3A_566, %dma_start3A_567] : memref<32768x256xf32, #tpu.memory_space<hbm>> -> memref<1x256xf32, #tpu.memory_space<hbm>>
    %dma_start3A_569 = arith.constant 81 : i32
    %dma_start3A_570 = arith.constant 0 : i32
    %dma_start3A_571 = tpu.memref_slice %arg1[%dma_start3A_569, %dma_start3A_570] : memref<96x256xf32, #tpu.memory_space<vmem>> -> memref<1x256xf32, #tpu.memory_space<vmem>>
    tpu.enqueue_dma source(%dma_start3A_571 : memref<1x256xf32, #tpu.memory_space<vmem>>) target(%dma_start3A_568 : memref<1x256xf32, #tpu.memory_space<hbm>>) target_semaphore(%arg4 : memref<!tpu.dma_semaphore, #tpu.memory_space<semaphore_mem>>)
    %get3A_572 = arith.constant 82 : index
    %get3A_573 = memref.load %arg0[%get3A_572] : memref<96xi32, #tpu.memory_space<smem>>
    %dma_start3A_574 = arith.constant 0 : i32
    %dma_start3A_575 = tpu.memref_slice %arg3[%get3A_573, %dma_start3A_574] : memref<32768x256xf32, #tpu.memory_space<hbm>> -> memref<1x256xf32, #tpu.memory_space<hbm>>
    %dma_start3A_576 = arith.constant 82 : i32
    %dma_start3A_577 = arith.constant 0 : i32
    %dma_start3A_578 = tpu.memref_slice %arg1[%dma_start3A_576, %dma_start3A_577] : memref<96x256xf32, #tpu.memory_space<vmem>> -> memref<1x256xf32, #tpu.memory_space<vmem>>
    tpu.enqueue_dma source(%dma_start3A_578 : memref<1x256xf32, #tpu.memory_space<vmem>>) target(%dma_start3A_575 : memref<1x256xf32, #tpu.memory_space<hbm>>) target_semaphore(%arg4 : memref<!tpu.dma_semaphore, #tpu.memory_space<semaphore_mem>>)
    %get3A_579 = arith.constant 83 : index
    %get3A_580 = memref.load %arg0[%get3A_579] : memref<96xi32, #tpu.memory_space<smem>>
    %dma_start3A_581 = arith.constant 0 : i32
    %dma_start3A_582 = tpu.memref_slice %arg3[%get3A_580, %dma_start3A_581] : memref<32768x256xf32, #tpu.memory_space<hbm>> -> memref<1x256xf32, #tpu.memory_space<hbm>>
    %dma_start3A_583 = arith.constant 83 : i32
    %dma_start3A_584 = arith.constant 0 : i32
    %dma_start3A_585 = tpu.memref_slice %arg1[%dma_start3A_583, %dma_start3A_584] : memref<96x256xf32, #tpu.memory_space<vmem>> -> memref<1x256xf32, #tpu.memory_space<vmem>>
    tpu.enqueue_dma source(%dma_start3A_585 : memref<1x256xf32, #tpu.memory_space<vmem>>) target(%dma_start3A_582 : memref<1x256xf32, #tpu.memory_space<hbm>>) target_semaphore(%arg4 : memref<!tpu.dma_semaphore, #tpu.memory_space<semaphore_mem>>)
    %get3A_586 = arith.constant 84 : index
    %get3A_587 = memref.load %arg0[%get3A_586] : memref<96xi32, #tpu.memory_space<smem>>
    %dma_start3A_588 = arith.constant 0 : i32
    %dma_start3A_589 = tpu.memref_slice %arg3[%get3A_587, %dma_start3A_588] : memref<32768x256xf32, #tpu.memory_space<hbm>> -> memref<1x256xf32, #tpu.memory_space<hbm>>
    %dma_start3A_590 = arith.constant 84 : i32
    %dma_start3A_591 = arith.constant 0 : i32
    %dma_start3A_592 = tpu.memref_slice %arg1[%dma_start3A_590, %dma_start3A_591] : memref<96x256xf32, #tpu.memory_space<vmem>> -> memref<1x256xf32, #tpu.memory_space<vmem>>
    tpu.enqueue_dma source(%dma_start3A_592 : memref<1x256xf32, #tpu.memory_space<vmem>>) target(%dma_start3A_589 : memref<1x256xf32, #tpu.memory_space<hbm>>) target_semaphore(%arg4 : memref<!tpu.dma_semaphore, #tpu.memory_space<semaphore_mem>>)
    %get3A_593 = arith.constant 85 : index
    %get3A_594 = memref.load %arg0[%get3A_593] : memref<96xi32, #tpu.memory_space<smem>>
    %dma_start3A_595 = arith.constant 0 : i32
    %dma_start3A_596 = tpu.memref_slice %arg3[%get3A_594, %dma_start3A_595] : memref<32768x256xf32, #tpu.memory_space<hbm>> -> memref<1x256xf32, #tpu.memory_space<hbm>>
    %dma_start3A_597 = arith.constant 85 : i32
    %dma_start3A_598 = arith.constant 0 : i32
    %dma_start3A_599 = tpu.memref_slice %arg1[%dma_start3A_597, %dma_start3A_598] : memref<96x256xf32, #tpu.memory_space<vmem>> -> memref<1x256xf32, #tpu.memory_space<vmem>>
    tpu.enqueue_dma source(%dma_start3A_599 : memref<1x256xf32, #tpu.memory_space<vmem>>) target(%dma_start3A_596 : memref<1x256xf32, #tpu.memory_space<hbm>>) target_semaphore(%arg4 : memref<!tpu.dma_semaphore, #tpu.memory_space<semaphore_mem>>)
    %get3A_600 = arith.constant 86 : index
    %get3A_601 = memref.load %arg0[%get3A_600] : memref<96xi32, #tpu.memory_space<smem>>
    %dma_start3A_602 = arith.constant 0 : i32
    %dma_start3A_603 = tpu.memref_slice %arg3[%get3A_601, %dma_start3A_602] : memref<32768x256xf32, #tpu.memory_space<hbm>> -> memref<1x256xf32, #tpu.memory_space<hbm>>
    %dma_start3A_604 = arith.constant 86 : i32
    %dma_start3A_605 = arith.constant 0 : i32
    %dma_start3A_606 = tpu.memref_slice %arg1[%dma_start3A_604, %dma_start3A_605] : memref<96x256xf32, #tpu.memory_space<vmem>> -> memref<1x256xf32, #tpu.memory_space<vmem>>
    tpu.enqueue_dma source(%dma_start3A_606 : memref<1x256xf32, #tpu.memory_space<vmem>>) target(%dma_start3A_603 : memref<1x256xf32, #tpu.memory_space<hbm>>) target_semaphore(%arg4 : memref<!tpu.dma_semaphore, #tpu.memory_space<semaphore_mem>>)
    %get3A_607 = arith.constant 87 : index
    %get3A_608 = memref.load %arg0[%get3A_607] : memref<96xi32, #tpu.memory_space<smem>>
    %dma_start3A_609 = arith.constant 0 : i32
    %dma_start3A_610 = tpu.memref_slice %arg3[%get3A_608, %dma_start3A_609] : memref<32768x256xf32, #tpu.memory_space<hbm>> -> memref<1x256xf32, #tpu.memory_space<hbm>>
    %dma_start3A_611 = arith.constant 87 : i32
    %dma_start3A_612 = arith.constant 0 : i32
    %dma_start3A_613 = tpu.memref_slice %arg1[%dma_start3A_611, %dma_start3A_612] : memref<96x256xf32, #tpu.memory_space<vmem>> -> memref<1x256xf32, #tpu.memory_space<vmem>>
    tpu.enqueue_dma source(%dma_start3A_613 : memref<1x256xf32, #tpu.memory_space<vmem>>) target(%dma_start3A_610 : memref<1x256xf32, #tpu.memory_space<hbm>>) target_semaphore(%arg4 : memref<!tpu.dma_semaphore, #tpu.memory_space<semaphore_mem>>)
    %get3A_614 = arith.constant 88 : index
    %get3A_615 = memref.load %arg0[%get3A_614] : memref<96xi32, #tpu.memory_space<smem>>
    %dma_start3A_616 = arith.constant 0 : i32
    %dma_start3A_617 = tpu.memref_slice %arg3[%get3A_615, %dma_start3A_616] : memref<32768x256xf32, #tpu.memory_space<hbm>> -> memref<1x256xf32, #tpu.memory_space<hbm>>
    %dma_start3A_618 = arith.constant 88 : i32
    %dma_start3A_619 = arith.constant 0 : i32
    %dma_start3A_620 = tpu.memref_slice %arg1[%dma_start3A_618, %dma_start3A_619] : memref<96x256xf32, #tpu.memory_space<vmem>> -> memref<1x256xf32, #tpu.memory_space<vmem>>
    tpu.enqueue_dma source(%dma_start3A_620 : memref<1x256xf32, #tpu.memory_space<vmem>>) target(%dma_start3A_617 : memref<1x256xf32, #tpu.memory_space<hbm>>) target_semaphore(%arg4 : memref<!tpu.dma_semaphore, #tpu.memory_space<semaphore_mem>>)
    %get3A_621 = arith.constant 89 : index
    %get3A_622 = memref.load %arg0[%get3A_621] : memref<96xi32, #tpu.memory_space<smem>>
    %dma_start3A_623 = arith.constant 0 : i32
    %dma_start3A_624 = tpu.memref_slice %arg3[%get3A_622, %dma_start3A_623] : memref<32768x256xf32, #tpu.memory_space<hbm>> -> memref<1x256xf32, #tpu.memory_space<hbm>>
    %dma_start3A_625 = arith.constant 89 : i32
    %dma_start3A_626 = arith.constant 0 : i32
    %dma_start3A_627 = tpu.memref_slice %arg1[%dma_start3A_625, %dma_start3A_626] : memref<96x256xf32, #tpu.memory_space<vmem>> -> memref<1x256xf32, #tpu.memory_space<vmem>>
    tpu.enqueue_dma source(%dma_start3A_627 : memref<1x256xf32, #tpu.memory_space<vmem>>) target(%dma_start3A_624 : memref<1x256xf32, #tpu.memory_space<hbm>>) target_semaphore(%arg4 : memref<!tpu.dma_semaphore, #tpu.memory_space<semaphore_mem>>)
    %get3A_628 = arith.constant 90 : index
    %get3A_629 = memref.load %arg0[%get3A_628] : memref<96xi32, #tpu.memory_space<smem>>
    %dma_start3A_630 = arith.constant 0 : i32
    %dma_start3A_631 = tpu.memref_slice %arg3[%get3A_629, %dma_start3A_630] : memref<32768x256xf32, #tpu.memory_space<hbm>> -> memref<1x256xf32, #tpu.memory_space<hbm>>
    %dma_start3A_632 = arith.constant 90 : i32
    %dma_start3A_633 = arith.constant 0 : i32
    %dma_start3A_634 = tpu.memref_slice %arg1[%dma_start3A_632, %dma_start3A_633] : memref<96x256xf32, #tpu.memory_space<vmem>> -> memref<1x256xf32, #tpu.memory_space<vmem>>
    tpu.enqueue_dma source(%dma_start3A_634 : memref<1x256xf32, #tpu.memory_space<vmem>>) target(%dma_start3A_631 : memref<1x256xf32, #tpu.memory_space<hbm>>) target_semaphore(%arg4 : memref<!tpu.dma_semaphore, #tpu.memory_space<semaphore_mem>>)
    %get3A_635 = arith.constant 91 : index
    %get3A_636 = memref.load %arg0[%get3A_635] : memref<96xi32, #tpu.memory_space<smem>>
    %dma_start3A_637 = arith.constant 0 : i32
    %dma_start3A_638 = tpu.memref_slice %arg3[%get3A_636, %dma_start3A_637] : memref<32768x256xf32, #tpu.memory_space<hbm>> -> memref<1x256xf32, #tpu.memory_space<hbm>>
    %dma_start3A_639 = arith.constant 91 : i32
    %dma_start3A_640 = arith.constant 0 : i32
    %dma_start3A_641 = tpu.memref_slice %arg1[%dma_start3A_639, %dma_start3A_640] : memref<96x256xf32, #tpu.memory_space<vmem>> -> memref<1x256xf32, #tpu.memory_space<vmem>>
    tpu.enqueue_dma source(%dma_start3A_641 : memref<1x256xf32, #tpu.memory_space<vmem>>) target(%dma_start3A_638 : memref<1x256xf32, #tpu.memory_space<hbm>>) target_semaphore(%arg4 : memref<!tpu.dma_semaphore, #tpu.memory_space<semaphore_mem>>)
    %get3A_642 = arith.constant 92 : index
    %get3A_643 = memref.load %arg0[%get3A_642] : memref<96xi32, #tpu.memory_space<smem>>
    %dma_start3A_644 = arith.constant 0 : i32
    %dma_start3A_645 = tpu.memref_slice %arg3[%get3A_643, %dma_start3A_644] : memref<32768x256xf32, #tpu.memory_space<hbm>> -> memref<1x256xf32, #tpu.memory_space<hbm>>
    %dma_start3A_646 = arith.constant 92 : i32
    %dma_start3A_647 = arith.constant 0 : i32
    %dma_start3A_648 = tpu.memref_slice %arg1[%dma_start3A_646, %dma_start3A_647] : memref<96x256xf32, #tpu.memory_space<vmem>> -> memref<1x256xf32, #tpu.memory_space<vmem>>
    tpu.enqueue_dma source(%dma_start3A_648 : memref<1x256xf32, #tpu.memory_space<vmem>>) target(%dma_start3A_645 : memref<1x256xf32, #tpu.memory_space<hbm>>) target_semaphore(%arg4 : memref<!tpu.dma_semaphore, #tpu.memory_space<semaphore_mem>>)
    %get3A_649 = arith.constant 93 : index
    %get3A_650 = memref.load %arg0[%get3A_649] : memref<96xi32, #tpu.memory_space<smem>>
    %dma_start3A_651 = arith.constant 0 : i32
    %dma_start3A_652 = tpu.memref_slice %arg3[%get3A_650, %dma_start3A_651] : memref<32768x256xf32, #tpu.memory_space<hbm>> -> memref<1x256xf32, #tpu.memory_space<hbm>>
    %dma_start3A_653 = arith.constant 93 : i32
    %dma_start3A_654 = arith.constant 0 : i32
    %dma_start3A_655 = tpu.memref_slice %arg1[%dma_start3A_653, %dma_start3A_654] : memref<96x256xf32, #tpu.memory_space<vmem>> -> memref<1x256xf32, #tpu.memory_space<vmem>>
    tpu.enqueue_dma source(%dma_start3A_655 : memref<1x256xf32, #tpu.memory_space<vmem>>) target(%dma_start3A_652 : memref<1x256xf32, #tpu.memory_space<hbm>>) target_semaphore(%arg4 : memref<!tpu.dma_semaphore, #tpu.memory_space<semaphore_mem>>)
    %get3A_656 = arith.constant 94 : index
    %get3A_657 = memref.load %arg0[%get3A_656] : memref<96xi32, #tpu.memory_space<smem>>
    %dma_start3A_658 = arith.constant 0 : i32
    %dma_start3A_659 = tpu.memref_slice %arg3[%get3A_657, %dma_start3A_658] : memref<32768x256xf32, #tpu.memory_space<hbm>> -> memref<1x256xf32, #tpu.memory_space<hbm>>
    %dma_start3A_660 = arith.constant 94 : i32
    %dma_start3A_661 = arith.constant 0 : i32
    %dma_start3A_662 = tpu.memref_slice %arg1[%dma_start3A_660, %dma_start3A_661] : memref<96x256xf32, #tpu.memory_space<vmem>> -> memref<1x256xf32, #tpu.memory_space<vmem>>
    tpu.enqueue_dma source(%dma_start3A_662 : memref<1x256xf32, #tpu.memory_space<vmem>>) target(%dma_start3A_659 : memref<1x256xf32, #tpu.memory_space<hbm>>) target_semaphore(%arg4 : memref<!tpu.dma_semaphore, #tpu.memory_space<semaphore_mem>>)
    %get3A_663 = arith.constant 95 : index
    %get3A_664 = memref.load %arg0[%get3A_663] : memref<96xi32, #tpu.memory_space<smem>>
    %dma_start3A_665 = arith.constant 0 : i32
    %dma_start3A_666 = tpu.memref_slice %arg3[%get3A_664, %dma_start3A_665] : memref<32768x256xf32, #tpu.memory_space<hbm>> -> memref<1x256xf32, #tpu.memory_space<hbm>>
    %dma_start3A_667 = arith.constant 95 : i32
    %dma_start3A_668 = arith.constant 0 : i32
    %dma_start3A_669 = tpu.memref_slice %arg1[%dma_start3A_667, %dma_start3A_668] : memref<96x256xf32, #tpu.memory_space<vmem>> -> memref<1x256xf32, #tpu.memory_space<vmem>>
    tpu.enqueue_dma source(%dma_start3A_669 : memref<1x256xf32, #tpu.memory_space<vmem>>) target(%dma_start3A_666 : memref<1x256xf32, #tpu.memory_space<hbm>>) target_semaphore(%arg4 : memref<!tpu.dma_semaphore, #tpu.memory_space<semaphore_mem>>)
    %dma_wait3A = arith.constant 0 : i32
    %dma_wait3A_670 = tpu.memref_slice %arg3[%get3A_0, %dma_wait3A] : memref<32768x256xf32, #tpu.memory_space<hbm>> -> memref<1x256xf32, #tpu.memory_space<hbm>>
    %dma_wait3A_671 = arith.constant 0 : i32
    %dma_wait3A_672 = arith.constant 0 : i32
    %dma_wait3A_673 = tpu.memref_slice %arg1[%dma_wait3A_671, %dma_wait3A_672] : memref<96x256xf32, #tpu.memory_space<vmem>> -> memref<1x256xf32, #tpu.memory_space<vmem>>
    tpu.wait_dma2 semaphore(%arg4 : memref<!tpu.dma_semaphore, #tpu.memory_space<semaphore_mem>>) src(%dma_wait3A_673 : memref<1x256xf32, #tpu.memory_space<vmem>>) dst(%dma_wait3A_670 : memref<1x256xf32, #tpu.memory_space<hbm>>)
    %dma_wait3A_674 = arith.constant 0 : i32
    %dma_wait3A_675 = tpu.memref_slice %arg3[%get3A_6, %dma_wait3A_674] : memref<32768x256xf32, #tpu.memory_space<hbm>> -> memref<1x256xf32, #tpu.memory_space<hbm>>
    %dma_wait3A_676 = arith.constant 1 : i32
    %dma_wait3A_677 = arith.constant 0 : i32
    %dma_wait3A_678 = tpu.memref_slice %arg1[%dma_wait3A_676, %dma_wait3A_677] : memref<96x256xf32, #tpu.memory_space<vmem>> -> memref<1x256xf32, #tpu.memory_space<vmem>>
    tpu.wait_dma2 semaphore(%arg4 : memref<!tpu.dma_semaphore, #tpu.memory_space<semaphore_mem>>) src(%dma_wait3A_678 : memref<1x256xf32, #tpu.memory_space<vmem>>) dst(%dma_wait3A_675 : memref<1x256xf32, #tpu.memory_space<hbm>>)
    %dma_wait3A_679 = arith.constant 0 : i32
    %dma_wait3A_680 = tpu.memref_slice %arg3[%get3A_13, %dma_wait3A_679] : memref<32768x256xf32, #tpu.memory_space<hbm>> -> memref<1x256xf32, #tpu.memory_space<hbm>>
    %dma_wait3A_681 = arith.constant 2 : i32
    %dma_wait3A_682 = arith.constant 0 : i32
    %dma_wait3A_683 = tpu.memref_slice %arg1[%dma_wait3A_681, %dma_wait3A_682] : memref<96x256xf32, #tpu.memory_space<vmem>> -> memref<1x256xf32, #tpu.memory_space<vmem>>
    tpu.wait_dma2 semaphore(%arg4 : memref<!tpu.dma_semaphore, #tpu.memory_space<semaphore_mem>>) src(%dma_wait3A_683 : memref<1x256xf32, #tpu.memory_space<vmem>>) dst(%dma_wait3A_680 : memref<1x256xf32, #tpu.memory_space<hbm>>)
    %dma_wait3A_684 = arith.constant 0 : i32
    %dma_wait3A_685 = tpu.memref_slice %arg3[%get3A_20, %dma_wait3A_684] : memref<32768x256xf32, #tpu.memory_space<hbm>> -> memref<1x256xf32, #tpu.memory_space<hbm>>
    %dma_wait3A_686 = arith.constant 3 : i32
    %dma_wait3A_687 = arith.constant 0 : i32
    %dma_wait3A_688 = tpu.memref_slice %arg1[%dma_wait3A_686, %dma_wait3A_687] : memref<96x256xf32, #tpu.memory_space<vmem>> -> memref<1x256xf32, #tpu.memory_space<vmem>>
    tpu.wait_dma2 semaphore(%arg4 : memref<!tpu.dma_semaphore, #tpu.memory_space<semaphore_mem>>) src(%dma_wait3A_688 : memref<1x256xf32, #tpu.memory_space<vmem>>) dst(%dma_wait3A_685 : memref<1x256xf32, #tpu.memory_space<hbm>>)
    %dma_wait3A_689 = arith.constant 0 : i32
    %dma_wait3A_690 = tpu.memref_slice %arg3[%get3A_27, %dma_wait3A_689] : memref<32768x256xf32, #tpu.memory_space<hbm>> -> memref<1x256xf32, #tpu.memory_space<hbm>>
    %dma_wait3A_691 = arith.constant 4 : i32
    %dma_wait3A_692 = arith.constant 0 : i32
    %dma_wait3A_693 = tpu.memref_slice %arg1[%dma_wait3A_691, %dma_wait3A_692] : memref<96x256xf32, #tpu.memory_space<vmem>> -> memref<1x256xf32, #tpu.memory_space<vmem>>
    tpu.wait_dma2 semaphore(%arg4 : memref<!tpu.dma_semaphore, #tpu.memory_space<semaphore_mem>>) src(%dma_wait3A_693 : memref<1x256xf32, #tpu.memory_space<vmem>>) dst(%dma_wait3A_690 : memref<1x256xf32, #tpu.memory_space<hbm>>)
    %dma_wait3A_694 = arith.constant 0 : i32
    %dma_wait3A_695 = tpu.memref_slice %arg3[%get3A_34, %dma_wait3A_694] : memref<32768x256xf32, #tpu.memory_space<hbm>> -> memref<1x256xf32, #tpu.memory_space<hbm>>
    %dma_wait3A_696 = arith.constant 5 : i32
    %dma_wait3A_697 = arith.constant 0 : i32
    %dma_wait3A_698 = tpu.memref_slice %arg1[%dma_wait3A_696, %dma_wait3A_697] : memref<96x256xf32, #tpu.memory_space<vmem>> -> memref<1x256xf32, #tpu.memory_space<vmem>>
    tpu.wait_dma2 semaphore(%arg4 : memref<!tpu.dma_semaphore, #tpu.memory_space<semaphore_mem>>) src(%dma_wait3A_698 : memref<1x256xf32, #tpu.memory_space<vmem>>) dst(%dma_wait3A_695 : memref<1x256xf32, #tpu.memory_space<hbm>>)
    %dma_wait3A_699 = arith.constant 0 : i32
    %dma_wait3A_700 = tpu.memref_slice %arg3[%get3A_41, %dma_wait3A_699] : memref<32768x256xf32, #tpu.memory_space<hbm>> -> memref<1x256xf32, #tpu.memory_space<hbm>>
    %dma_wait3A_701 = arith.constant 6 : i32
    %dma_wait3A_702 = arith.constant 0 : i32
    %dma_wait3A_703 = tpu.memref_slice %arg1[%dma_wait3A_701, %dma_wait3A_702] : memref<96x256xf32, #tpu.memory_space<vmem>> -> memref<1x256xf32, #tpu.memory_space<vmem>>
    tpu.wait_dma2 semaphore(%arg4 : memref<!tpu.dma_semaphore, #tpu.memory_space<semaphore_mem>>) src(%dma_wait3A_703 : memref<1x256xf32, #tpu.memory_space<vmem>>) dst(%dma_wait3A_700 : memref<1x256xf32, #tpu.memory_space<hbm>>)
    %dma_wait3A_704 = arith.constant 0 : i32
    %dma_wait3A_705 = tpu.memref_slice %arg3[%get3A_48, %dma_wait3A_704] : memref<32768x256xf32, #tpu.memory_space<hbm>> -> memref<1x256xf32, #tpu.memory_space<hbm>>
    %dma_wait3A_706 = arith.constant 7 : i32
    %dma_wait3A_707 = arith.constant 0 : i32
    %dma_wait3A_708 = tpu.memref_slice %arg1[%dma_wait3A_706, %dma_wait3A_707] : memref<96x256xf32, #tpu.memory_space<vmem>> -> memref<1x256xf32, #tpu.memory_space<vmem>>
    tpu.wait_dma2 semaphore(%arg4 : memref<!tpu.dma_semaphore, #tpu.memory_space<semaphore_mem>>) src(%dma_wait3A_708 : memref<1x256xf32, #tpu.memory_space<vmem>>) dst(%dma_wait3A_705 : memref<1x256xf32, #tpu.memory_space<hbm>>)
    %dma_wait3A_709 = arith.constant 0 : i32
    %dma_wait3A_710 = tpu.memref_slice %arg3[%get3A_55, %dma_wait3A_709] : memref<32768x256xf32, #tpu.memory_space<hbm>> -> memref<1x256xf32, #tpu.memory_space<hbm>>
    %dma_wait3A_711 = arith.constant 8 : i32
    %dma_wait3A_712 = arith.constant 0 : i32
    %dma_wait3A_713 = tpu.memref_slice %arg1[%dma_wait3A_711, %dma_wait3A_712] : memref<96x256xf32, #tpu.memory_space<vmem>> -> memref<1x256xf32, #tpu.memory_space<vmem>>
    tpu.wait_dma2 semaphore(%arg4 : memref<!tpu.dma_semaphore, #tpu.memory_space<semaphore_mem>>) src(%dma_wait3A_713 : memref<1x256xf32, #tpu.memory_space<vmem>>) dst(%dma_wait3A_710 : memref<1x256xf32, #tpu.memory_space<hbm>>)
    %dma_wait3A_714 = arith.constant 0 : i32
    %dma_wait3A_715 = tpu.memref_slice %arg3[%get3A_62, %dma_wait3A_714] : memref<32768x256xf32, #tpu.memory_space<hbm>> -> memref<1x256xf32, #tpu.memory_space<hbm>>
    %dma_wait3A_716 = arith.constant 9 : i32
    %dma_wait3A_717 = arith.constant 0 : i32
    %dma_wait3A_718 = tpu.memref_slice %arg1[%dma_wait3A_716, %dma_wait3A_717] : memref<96x256xf32, #tpu.memory_space<vmem>> -> memref<1x256xf32, #tpu.memory_space<vmem>>
    tpu.wait_dma2 semaphore(%arg4 : memref<!tpu.dma_semaphore, #tpu.memory_space<semaphore_mem>>) src(%dma_wait3A_718 : memref<1x256xf32, #tpu.memory_space<vmem>>) dst(%dma_wait3A_715 : memref<1x256xf32, #tpu.memory_space<hbm>>)
    %dma_wait3A_719 = arith.constant 0 : i32
    %dma_wait3A_720 = tpu.memref_slice %arg3[%get3A_69, %dma_wait3A_719] : memref<32768x256xf32, #tpu.memory_space<hbm>> -> memref<1x256xf32, #tpu.memory_space<hbm>>
    %dma_wait3A_721 = arith.constant 10 : i32
    %dma_wait3A_722 = arith.constant 0 : i32
    %dma_wait3A_723 = tpu.memref_slice %arg1[%dma_wait3A_721, %dma_wait3A_722] : memref<96x256xf32, #tpu.memory_space<vmem>> -> memref<1x256xf32, #tpu.memory_space<vmem>>
    tpu.wait_dma2 semaphore(%arg4 : memref<!tpu.dma_semaphore, #tpu.memory_space<semaphore_mem>>) src(%dma_wait3A_723 : memref<1x256xf32, #tpu.memory_space<vmem>>) dst(%dma_wait3A_720 : memref<1x256xf32, #tpu.memory_space<hbm>>)
    %dma_wait3A_724 = arith.constant 0 : i32
    %dma_wait3A_725 = tpu.memref_slice %arg3[%get3A_76, %dma_wait3A_724] : memref<32768x256xf32, #tpu.memory_space<hbm>> -> memref<1x256xf32, #tpu.memory_space<hbm>>
    %dma_wait3A_726 = arith.constant 11 : i32
    %dma_wait3A_727 = arith.constant 0 : i32
    %dma_wait3A_728 = tpu.memref_slice %arg1[%dma_wait3A_726, %dma_wait3A_727] : memref<96x256xf32, #tpu.memory_space<vmem>> -> memref<1x256xf32, #tpu.memory_space<vmem>>
    tpu.wait_dma2 semaphore(%arg4 : memref<!tpu.dma_semaphore, #tpu.memory_space<semaphore_mem>>) src(%dma_wait3A_728 : memref<1x256xf32, #tpu.memory_space<vmem>>) dst(%dma_wait3A_725 : memref<1x256xf32, #tpu.memory_space<hbm>>)
    %dma_wait3A_729 = arith.constant 0 : i32
    %dma_wait3A_730 = tpu.memref_slice %arg3[%get3A_83, %dma_wait3A_729] : memref<32768x256xf32, #tpu.memory_space<hbm>> -> memref<1x256xf32, #tpu.memory_space<hbm>>
    %dma_wait3A_731 = arith.constant 12 : i32
    %dma_wait3A_732 = arith.constant 0 : i32
    %dma_wait3A_733 = tpu.memref_slice %arg1[%dma_wait3A_731, %dma_wait3A_732] : memref<96x256xf32, #tpu.memory_space<vmem>> -> memref<1x256xf32, #tpu.memory_space<vmem>>
    tpu.wait_dma2 semaphore(%arg4 : memref<!tpu.dma_semaphore, #tpu.memory_space<semaphore_mem>>) src(%dma_wait3A_733 : memref<1x256xf32, #tpu.memory_space<vmem>>) dst(%dma_wait3A_730 : memref<1x256xf32, #tpu.memory_space<hbm>>)
    %dma_wait3A_734 = arith.constant 0 : i32
    %dma_wait3A_735 = tpu.memref_slice %arg3[%get3A_90, %dma_wait3A_734] : memref<32768x256xf32, #tpu.memory_space<hbm>> -> memref<1x256xf32, #tpu.memory_space<hbm>>
    %dma_wait3A_736 = arith.constant 13 : i32
    %dma_wait3A_737 = arith.constant 0 : i32
    %dma_wait3A_738 = tpu.memref_slice %arg1[%dma_wait3A_736, %dma_wait3A_737] : memref<96x256xf32, #tpu.memory_space<vmem>> -> memref<1x256xf32, #tpu.memory_space<vmem>>
    tpu.wait_dma2 semaphore(%arg4 : memref<!tpu.dma_semaphore, #tpu.memory_space<semaphore_mem>>) src(%dma_wait3A_738 : memref<1x256xf32, #tpu.memory_space<vmem>>) dst(%dma_wait3A_735 : memref<1x256xf32, #tpu.memory_space<hbm>>)
    %dma_wait3A_739 = arith.constant 0 : i32
    %dma_wait3A_740 = tpu.memref_slice %arg3[%get3A_97, %dma_wait3A_739] : memref<32768x256xf32, #tpu.memory_space<hbm>> -> memref<1x256xf32, #tpu.memory_space<hbm>>
    %dma_wait3A_741 = arith.constant 14 : i32
    %dma_wait3A_742 = arith.constant 0 : i32
    %dma_wait3A_743 = tpu.memref_slice %arg1[%dma_wait3A_741, %dma_wait3A_742] : memref<96x256xf32, #tpu.memory_space<vmem>> -> memref<1x256xf32, #tpu.memory_space<vmem>>
    tpu.wait_dma2 semaphore(%arg4 : memref<!tpu.dma_semaphore, #tpu.memory_space<semaphore_mem>>) src(%dma_wait3A_743 : memref<1x256xf32, #tpu.memory_space<vmem>>) dst(%dma_wait3A_740 : memref<1x256xf32, #tpu.memory_space<hbm>>)
    %dma_wait3A_744 = arith.constant 0 : i32
    %dma_wait3A_745 = tpu.memref_slice %arg3[%get3A_104, %dma_wait3A_744] : memref<32768x256xf32, #tpu.memory_space<hbm>> -> memref<1x256xf32, #tpu.memory_space<hbm>>
    %dma_wait3A_746 = arith.constant 15 : i32
    %dma_wait3A_747 = arith.constant 0 : i32
    %dma_wait3A_748 = tpu.memref_slice %arg1[%dma_wait3A_746, %dma_wait3A_747] : memref<96x256xf32, #tpu.memory_space<vmem>> -> memref<1x256xf32, #tpu.memory_space<vmem>>
    tpu.wait_dma2 semaphore(%arg4 : memref<!tpu.dma_semaphore, #tpu.memory_space<semaphore_mem>>) src(%dma_wait3A_748 : memref<1x256xf32, #tpu.memory_space<vmem>>) dst(%dma_wait3A_745 : memref<1x256xf32, #tpu.memory_space<hbm>>)
    %dma_wait3A_749 = arith.constant 0 : i32
    %dma_wait3A_750 = tpu.memref_slice %arg3[%get3A_111, %dma_wait3A_749] : memref<32768x256xf32, #tpu.memory_space<hbm>> -> memref<1x256xf32, #tpu.memory_space<hbm>>
    %dma_wait3A_751 = arith.constant 16 : i32
    %dma_wait3A_752 = arith.constant 0 : i32
    %dma_wait3A_753 = tpu.memref_slice %arg1[%dma_wait3A_751, %dma_wait3A_752] : memref<96x256xf32, #tpu.memory_space<vmem>> -> memref<1x256xf32, #tpu.memory_space<vmem>>
    tpu.wait_dma2 semaphore(%arg4 : memref<!tpu.dma_semaphore, #tpu.memory_space<semaphore_mem>>) src(%dma_wait3A_753 : memref<1x256xf32, #tpu.memory_space<vmem>>) dst(%dma_wait3A_750 : memref<1x256xf32, #tpu.memory_space<hbm>>)
    %dma_wait3A_754 = arith.constant 0 : i32
    %dma_wait3A_755 = tpu.memref_slice %arg3[%get3A_118, %dma_wait3A_754] : memref<32768x256xf32, #tpu.memory_space<hbm>> -> memref<1x256xf32, #tpu.memory_space<hbm>>
    %dma_wait3A_756 = arith.constant 17 : i32
    %dma_wait3A_757 = arith.constant 0 : i32
    %dma_wait3A_758 = tpu.memref_slice %arg1[%dma_wait3A_756, %dma_wait3A_757] : memref<96x256xf32, #tpu.memory_space<vmem>> -> memref<1x256xf32, #tpu.memory_space<vmem>>
    tpu.wait_dma2 semaphore(%arg4 : memref<!tpu.dma_semaphore, #tpu.memory_space<semaphore_mem>>) src(%dma_wait3A_758 : memref<1x256xf32, #tpu.memory_space<vmem>>) dst(%dma_wait3A_755 : memref<1x256xf32, #tpu.memory_space<hbm>>)
    %dma_wait3A_759 = arith.constant 0 : i32
    %dma_wait3A_760 = tpu.memref_slice %arg3[%get3A_125, %dma_wait3A_759] : memref<32768x256xf32, #tpu.memory_space<hbm>> -> memref<1x256xf32, #tpu.memory_space<hbm>>
    %dma_wait3A_761 = arith.constant 18 : i32
    %dma_wait3A_762 = arith.constant 0 : i32
    %dma_wait3A_763 = tpu.memref_slice %arg1[%dma_wait3A_761, %dma_wait3A_762] : memref<96x256xf32, #tpu.memory_space<vmem>> -> memref<1x256xf32, #tpu.memory_space<vmem>>
    tpu.wait_dma2 semaphore(%arg4 : memref<!tpu.dma_semaphore, #tpu.memory_space<semaphore_mem>>) src(%dma_wait3A_763 : memref<1x256xf32, #tpu.memory_space<vmem>>) dst(%dma_wait3A_760 : memref<1x256xf32, #tpu.memory_space<hbm>>)
    %dma_wait3A_764 = arith.constant 0 : i32
    %dma_wait3A_765 = tpu.memref_slice %arg3[%get3A_132, %dma_wait3A_764] : memref<32768x256xf32, #tpu.memory_space<hbm>> -> memref<1x256xf32, #tpu.memory_space<hbm>>
    %dma_wait3A_766 = arith.constant 19 : i32
    %dma_wait3A_767 = arith.constant 0 : i32
    %dma_wait3A_768 = tpu.memref_slice %arg1[%dma_wait3A_766, %dma_wait3A_767] : memref<96x256xf32, #tpu.memory_space<vmem>> -> memref<1x256xf32, #tpu.memory_space<vmem>>
    tpu.wait_dma2 semaphore(%arg4 : memref<!tpu.dma_semaphore, #tpu.memory_space<semaphore_mem>>) src(%dma_wait3A_768 : memref<1x256xf32, #tpu.memory_space<vmem>>) dst(%dma_wait3A_765 : memref<1x256xf32, #tpu.memory_space<hbm>>)
    %dma_wait3A_769 = arith.constant 0 : i32
    %dma_wait3A_770 = tpu.memref_slice %arg3[%get3A_139, %dma_wait3A_769] : memref<32768x256xf32, #tpu.memory_space<hbm>> -> memref<1x256xf32, #tpu.memory_space<hbm>>
    %dma_wait3A_771 = arith.constant 20 : i32
    %dma_wait3A_772 = arith.constant 0 : i32
    %dma_wait3A_773 = tpu.memref_slice %arg1[%dma_wait3A_771, %dma_wait3A_772] : memref<96x256xf32, #tpu.memory_space<vmem>> -> memref<1x256xf32, #tpu.memory_space<vmem>>
    tpu.wait_dma2 semaphore(%arg4 : memref<!tpu.dma_semaphore, #tpu.memory_space<semaphore_mem>>) src(%dma_wait3A_773 : memref<1x256xf32, #tpu.memory_space<vmem>>) dst(%dma_wait3A_770 : memref<1x256xf32, #tpu.memory_space<hbm>>)
    %dma_wait3A_774 = arith.constant 0 : i32
    %dma_wait3A_775 = tpu.memref_slice %arg3[%get3A_146, %dma_wait3A_774] : memref<32768x256xf32, #tpu.memory_space<hbm>> -> memref<1x256xf32, #tpu.memory_space<hbm>>
    %dma_wait3A_776 = arith.constant 21 : i32
    %dma_wait3A_777 = arith.constant 0 : i32
    %dma_wait3A_778 = tpu.memref_slice %arg1[%dma_wait3A_776, %dma_wait3A_777] : memref<96x256xf32, #tpu.memory_space<vmem>> -> memref<1x256xf32, #tpu.memory_space<vmem>>
    tpu.wait_dma2 semaphore(%arg4 : memref<!tpu.dma_semaphore, #tpu.memory_space<semaphore_mem>>) src(%dma_wait3A_778 : memref<1x256xf32, #tpu.memory_space<vmem>>) dst(%dma_wait3A_775 : memref<1x256xf32, #tpu.memory_space<hbm>>)
    %dma_wait3A_779 = arith.constant 0 : i32
    %dma_wait3A_780 = tpu.memref_slice %arg3[%get3A_153, %dma_wait3A_779] : memref<32768x256xf32, #tpu.memory_space<hbm>> -> memref<1x256xf32, #tpu.memory_space<hbm>>
    %dma_wait3A_781 = arith.constant 22 : i32
    %dma_wait3A_782 = arith.constant 0 : i32
    %dma_wait3A_783 = tpu.memref_slice %arg1[%dma_wait3A_781, %dma_wait3A_782] : memref<96x256xf32, #tpu.memory_space<vmem>> -> memref<1x256xf32, #tpu.memory_space<vmem>>
    tpu.wait_dma2 semaphore(%arg4 : memref<!tpu.dma_semaphore, #tpu.memory_space<semaphore_mem>>) src(%dma_wait3A_783 : memref<1x256xf32, #tpu.memory_space<vmem>>) dst(%dma_wait3A_780 : memref<1x256xf32, #tpu.memory_space<hbm>>)
    %dma_wait3A_784 = arith.constant 0 : i32
    %dma_wait3A_785 = tpu.memref_slice %arg3[%get3A_160, %dma_wait3A_784] : memref<32768x256xf32, #tpu.memory_space<hbm>> -> memref<1x256xf32, #tpu.memory_space<hbm>>
    %dma_wait3A_786 = arith.constant 23 : i32
    %dma_wait3A_787 = arith.constant 0 : i32
    %dma_wait3A_788 = tpu.memref_slice %arg1[%dma_wait3A_786, %dma_wait3A_787] : memref<96x256xf32, #tpu.memory_space<vmem>> -> memref<1x256xf32, #tpu.memory_space<vmem>>
    tpu.wait_dma2 semaphore(%arg4 : memref<!tpu.dma_semaphore, #tpu.memory_space<semaphore_mem>>) src(%dma_wait3A_788 : memref<1x256xf32, #tpu.memory_space<vmem>>) dst(%dma_wait3A_785 : memref<1x256xf32, #tpu.memory_space<hbm>>)
    %dma_wait3A_789 = arith.constant 0 : i32
    %dma_wait3A_790 = tpu.memref_slice %arg3[%get3A_167, %dma_wait3A_789] : memref<32768x256xf32, #tpu.memory_space<hbm>> -> memref<1x256xf32, #tpu.memory_space<hbm>>
    %dma_wait3A_791 = arith.constant 24 : i32
    %dma_wait3A_792 = arith.constant 0 : i32
    %dma_wait3A_793 = tpu.memref_slice %arg1[%dma_wait3A_791, %dma_wait3A_792] : memref<96x256xf32, #tpu.memory_space<vmem>> -> memref<1x256xf32, #tpu.memory_space<vmem>>
    tpu.wait_dma2 semaphore(%arg4 : memref<!tpu.dma_semaphore, #tpu.memory_space<semaphore_mem>>) src(%dma_wait3A_793 : memref<1x256xf32, #tpu.memory_space<vmem>>) dst(%dma_wait3A_790 : memref<1x256xf32, #tpu.memory_space<hbm>>)
    %dma_wait3A_794 = arith.constant 0 : i32
    %dma_wait3A_795 = tpu.memref_slice %arg3[%get3A_174, %dma_wait3A_794] : memref<32768x256xf32, #tpu.memory_space<hbm>> -> memref<1x256xf32, #tpu.memory_space<hbm>>
    %dma_wait3A_796 = arith.constant 25 : i32
    %dma_wait3A_797 = arith.constant 0 : i32
    %dma_wait3A_798 = tpu.memref_slice %arg1[%dma_wait3A_796, %dma_wait3A_797] : memref<96x256xf32, #tpu.memory_space<vmem>> -> memref<1x256xf32, #tpu.memory_space<vmem>>
    tpu.wait_dma2 semaphore(%arg4 : memref<!tpu.dma_semaphore, #tpu.memory_space<semaphore_mem>>) src(%dma_wait3A_798 : memref<1x256xf32, #tpu.memory_space<vmem>>) dst(%dma_wait3A_795 : memref<1x256xf32, #tpu.memory_space<hbm>>)
    %dma_wait3A_799 = arith.constant 0 : i32
    %dma_wait3A_800 = tpu.memref_slice %arg3[%get3A_181, %dma_wait3A_799] : memref<32768x256xf32, #tpu.memory_space<hbm>> -> memref<1x256xf32, #tpu.memory_space<hbm>>
    %dma_wait3A_801 = arith.constant 26 : i32
    %dma_wait3A_802 = arith.constant 0 : i32
    %dma_wait3A_803 = tpu.memref_slice %arg1[%dma_wait3A_801, %dma_wait3A_802] : memref<96x256xf32, #tpu.memory_space<vmem>> -> memref<1x256xf32, #tpu.memory_space<vmem>>
    tpu.wait_dma2 semaphore(%arg4 : memref<!tpu.dma_semaphore, #tpu.memory_space<semaphore_mem>>) src(%dma_wait3A_803 : memref<1x256xf32, #tpu.memory_space<vmem>>) dst(%dma_wait3A_800 : memref<1x256xf32, #tpu.memory_space<hbm>>)
    %dma_wait3A_804 = arith.constant 0 : i32
    %dma_wait3A_805 = tpu.memref_slice %arg3[%get3A_188, %dma_wait3A_804] : memref<32768x256xf32, #tpu.memory_space<hbm>> -> memref<1x256xf32, #tpu.memory_space<hbm>>
    %dma_wait3A_806 = arith.constant 27 : i32
    %dma_wait3A_807 = arith.constant 0 : i32
    %dma_wait3A_808 = tpu.memref_slice %arg1[%dma_wait3A_806, %dma_wait3A_807] : memref<96x256xf32, #tpu.memory_space<vmem>> -> memref<1x256xf32, #tpu.memory_space<vmem>>
    tpu.wait_dma2 semaphore(%arg4 : memref<!tpu.dma_semaphore, #tpu.memory_space<semaphore_mem>>) src(%dma_wait3A_808 : memref<1x256xf32, #tpu.memory_space<vmem>>) dst(%dma_wait3A_805 : memref<1x256xf32, #tpu.memory_space<hbm>>)
    %dma_wait3A_809 = arith.constant 0 : i32
    %dma_wait3A_810 = tpu.memref_slice %arg3[%get3A_195, %dma_wait3A_809] : memref<32768x256xf32, #tpu.memory_space<hbm>> -> memref<1x256xf32, #tpu.memory_space<hbm>>
    %dma_wait3A_811 = arith.constant 28 : i32
    %dma_wait3A_812 = arith.constant 0 : i32
    %dma_wait3A_813 = tpu.memref_slice %arg1[%dma_wait3A_811, %dma_wait3A_812] : memref<96x256xf32, #tpu.memory_space<vmem>> -> memref<1x256xf32, #tpu.memory_space<vmem>>
    tpu.wait_dma2 semaphore(%arg4 : memref<!tpu.dma_semaphore, #tpu.memory_space<semaphore_mem>>) src(%dma_wait3A_813 : memref<1x256xf32, #tpu.memory_space<vmem>>) dst(%dma_wait3A_810 : memref<1x256xf32, #tpu.memory_space<hbm>>)
    %dma_wait3A_814 = arith.constant 0 : i32
    %dma_wait3A_815 = tpu.memref_slice %arg3[%get3A_202, %dma_wait3A_814] : memref<32768x256xf32, #tpu.memory_space<hbm>> -> memref<1x256xf32, #tpu.memory_space<hbm>>
    %dma_wait3A_816 = arith.constant 29 : i32
    %dma_wait3A_817 = arith.constant 0 : i32
    %dma_wait3A_818 = tpu.memref_slice %arg1[%dma_wait3A_816, %dma_wait3A_817] : memref<96x256xf32, #tpu.memory_space<vmem>> -> memref<1x256xf32, #tpu.memory_space<vmem>>
    tpu.wait_dma2 semaphore(%arg4 : memref<!tpu.dma_semaphore, #tpu.memory_space<semaphore_mem>>) src(%dma_wait3A_818 : memref<1x256xf32, #tpu.memory_space<vmem>>) dst(%dma_wait3A_815 : memref<1x256xf32, #tpu.memory_space<hbm>>)
    %dma_wait3A_819 = arith.constant 0 : i32
    %dma_wait3A_820 = tpu.memref_slice %arg3[%get3A_209, %dma_wait3A_819] : memref<32768x256xf32, #tpu.memory_space<hbm>> -> memref<1x256xf32, #tpu.memory_space<hbm>>
    %dma_wait3A_821 = arith.constant 30 : i32
    %dma_wait3A_822 = arith.constant 0 : i32
    %dma_wait3A_823 = tpu.memref_slice %arg1[%dma_wait3A_821, %dma_wait3A_822] : memref<96x256xf32, #tpu.memory_space<vmem>> -> memref<1x256xf32, #tpu.memory_space<vmem>>
    tpu.wait_dma2 semaphore(%arg4 : memref<!tpu.dma_semaphore, #tpu.memory_space<semaphore_mem>>) src(%dma_wait3A_823 : memref<1x256xf32, #tpu.memory_space<vmem>>) dst(%dma_wait3A_820 : memref<1x256xf32, #tpu.memory_space<hbm>>)
    %dma_wait3A_824 = arith.constant 0 : i32
    %dma_wait3A_825 = tpu.memref_slice %arg3[%get3A_216, %dma_wait3A_824] : memref<32768x256xf32, #tpu.memory_space<hbm>> -> memref<1x256xf32, #tpu.memory_space<hbm>>
    %dma_wait3A_826 = arith.constant 31 : i32
    %dma_wait3A_827 = arith.constant 0 : i32
    %dma_wait3A_828 = tpu.memref_slice %arg1[%dma_wait3A_826, %dma_wait3A_827] : memref<96x256xf32, #tpu.memory_space<vmem>> -> memref<1x256xf32, #tpu.memory_space<vmem>>
    tpu.wait_dma2 semaphore(%arg4 : memref<!tpu.dma_semaphore, #tpu.memory_space<semaphore_mem>>) src(%dma_wait3A_828 : memref<1x256xf32, #tpu.memory_space<vmem>>) dst(%dma_wait3A_825 : memref<1x256xf32, #tpu.memory_space<hbm>>)
    %dma_wait3A_829 = arith.constant 0 : i32
    %dma_wait3A_830 = tpu.memref_slice %arg3[%get3A_223, %dma_wait3A_829] : memref<32768x256xf32, #tpu.memory_space<hbm>> -> memref<1x256xf32, #tpu.memory_space<hbm>>
    %dma_wait3A_831 = arith.constant 32 : i32
    %dma_wait3A_832 = arith.constant 0 : i32
    %dma_wait3A_833 = tpu.memref_slice %arg1[%dma_wait3A_831, %dma_wait3A_832] : memref<96x256xf32, #tpu.memory_space<vmem>> -> memref<1x256xf32, #tpu.memory_space<vmem>>
    tpu.wait_dma2 semaphore(%arg4 : memref<!tpu.dma_semaphore, #tpu.memory_space<semaphore_mem>>) src(%dma_wait3A_833 : memref<1x256xf32, #tpu.memory_space<vmem>>) dst(%dma_wait3A_830 : memref<1x256xf32, #tpu.memory_space<hbm>>)
    %dma_wait3A_834 = arith.constant 0 : i32
    %dma_wait3A_835 = tpu.memref_slice %arg3[%get3A_230, %dma_wait3A_834] : memref<32768x256xf32, #tpu.memory_space<hbm>> -> memref<1x256xf32, #tpu.memory_space<hbm>>
    %dma_wait3A_836 = arith.constant 33 : i32
    %dma_wait3A_837 = arith.constant 0 : i32
    %dma_wait3A_838 = tpu.memref_slice %arg1[%dma_wait3A_836, %dma_wait3A_837] : memref<96x256xf32, #tpu.memory_space<vmem>> -> memref<1x256xf32, #tpu.memory_space<vmem>>
    tpu.wait_dma2 semaphore(%arg4 : memref<!tpu.dma_semaphore, #tpu.memory_space<semaphore_mem>>) src(%dma_wait3A_838 : memref<1x256xf32, #tpu.memory_space<vmem>>) dst(%dma_wait3A_835 : memref<1x256xf32, #tpu.memory_space<hbm>>)
    %dma_wait3A_839 = arith.constant 0 : i32
    %dma_wait3A_840 = tpu.memref_slice %arg3[%get3A_237, %dma_wait3A_839] : memref<32768x256xf32, #tpu.memory_space<hbm>> -> memref<1x256xf32, #tpu.memory_space<hbm>>
    %dma_wait3A_841 = arith.constant 34 : i32
    %dma_wait3A_842 = arith.constant 0 : i32
    %dma_wait3A_843 = tpu.memref_slice %arg1[%dma_wait3A_841, %dma_wait3A_842] : memref<96x256xf32, #tpu.memory_space<vmem>> -> memref<1x256xf32, #tpu.memory_space<vmem>>
    tpu.wait_dma2 semaphore(%arg4 : memref<!tpu.dma_semaphore, #tpu.memory_space<semaphore_mem>>) src(%dma_wait3A_843 : memref<1x256xf32, #tpu.memory_space<vmem>>) dst(%dma_wait3A_840 : memref<1x256xf32, #tpu.memory_space<hbm>>)
    %dma_wait3A_844 = arith.constant 0 : i32
    %dma_wait3A_845 = tpu.memref_slice %arg3[%get3A_244, %dma_wait3A_844] : memref<32768x256xf32, #tpu.memory_space<hbm>> -> memref<1x256xf32, #tpu.memory_space<hbm>>
    %dma_wait3A_846 = arith.constant 35 : i32
    %dma_wait3A_847 = arith.constant 0 : i32
    %dma_wait3A_848 = tpu.memref_slice %arg1[%dma_wait3A_846, %dma_wait3A_847] : memref<96x256xf32, #tpu.memory_space<vmem>> -> memref<1x256xf32, #tpu.memory_space<vmem>>
    tpu.wait_dma2 semaphore(%arg4 : memref<!tpu.dma_semaphore, #tpu.memory_space<semaphore_mem>>) src(%dma_wait3A_848 : memref<1x256xf32, #tpu.memory_space<vmem>>) dst(%dma_wait3A_845 : memref<1x256xf32, #tpu.memory_space<hbm>>)
    %dma_wait3A_849 = arith.constant 0 : i32
    %dma_wait3A_850 = tpu.memref_slice %arg3[%get3A_251, %dma_wait3A_849] : memref<32768x256xf32, #tpu.memory_space<hbm>> -> memref<1x256xf32, #tpu.memory_space<hbm>>
    %dma_wait3A_851 = arith.constant 36 : i32
    %dma_wait3A_852 = arith.constant 0 : i32
    %dma_wait3A_853 = tpu.memref_slice %arg1[%dma_wait3A_851, %dma_wait3A_852] : memref<96x256xf32, #tpu.memory_space<vmem>> -> memref<1x256xf32, #tpu.memory_space<vmem>>
    tpu.wait_dma2 semaphore(%arg4 : memref<!tpu.dma_semaphore, #tpu.memory_space<semaphore_mem>>) src(%dma_wait3A_853 : memref<1x256xf32, #tpu.memory_space<vmem>>) dst(%dma_wait3A_850 : memref<1x256xf32, #tpu.memory_space<hbm>>)
    %dma_wait3A_854 = arith.constant 0 : i32
    %dma_wait3A_855 = tpu.memref_slice %arg3[%get3A_258, %dma_wait3A_854] : memref<32768x256xf32, #tpu.memory_space<hbm>> -> memref<1x256xf32, #tpu.memory_space<hbm>>
    %dma_wait3A_856 = arith.constant 37 : i32
    %dma_wait3A_857 = arith.constant 0 : i32
    %dma_wait3A_858 = tpu.memref_slice %arg1[%dma_wait3A_856, %dma_wait3A_857] : memref<96x256xf32, #tpu.memory_space<vmem>> -> memref<1x256xf32, #tpu.memory_space<vmem>>
    tpu.wait_dma2 semaphore(%arg4 : memref<!tpu.dma_semaphore, #tpu.memory_space<semaphore_mem>>) src(%dma_wait3A_858 : memref<1x256xf32, #tpu.memory_space<vmem>>) dst(%dma_wait3A_855 : memref<1x256xf32, #tpu.memory_space<hbm>>)
    %dma_wait3A_859 = arith.constant 0 : i32
    %dma_wait3A_860 = tpu.memref_slice %arg3[%get3A_265, %dma_wait3A_859] : memref<32768x256xf32, #tpu.memory_space<hbm>> -> memref<1x256xf32, #tpu.memory_space<hbm>>
    %dma_wait3A_861 = arith.constant 38 : i32
    %dma_wait3A_862 = arith.constant 0 : i32
    %dma_wait3A_863 = tpu.memref_slice %arg1[%dma_wait3A_861, %dma_wait3A_862] : memref<96x256xf32, #tpu.memory_space<vmem>> -> memref<1x256xf32, #tpu.memory_space<vmem>>
    tpu.wait_dma2 semaphore(%arg4 : memref<!tpu.dma_semaphore, #tpu.memory_space<semaphore_mem>>) src(%dma_wait3A_863 : memref<1x256xf32, #tpu.memory_space<vmem>>) dst(%dma_wait3A_860 : memref<1x256xf32, #tpu.memory_space<hbm>>)
    %dma_wait3A_864 = arith.constant 0 : i32
    %dma_wait3A_865 = tpu.memref_slice %arg3[%get3A_272, %dma_wait3A_864] : memref<32768x256xf32, #tpu.memory_space<hbm>> -> memref<1x256xf32, #tpu.memory_space<hbm>>
    %dma_wait3A_866 = arith.constant 39 : i32
    %dma_wait3A_867 = arith.constant 0 : i32
    %dma_wait3A_868 = tpu.memref_slice %arg1[%dma_wait3A_866, %dma_wait3A_867] : memref<96x256xf32, #tpu.memory_space<vmem>> -> memref<1x256xf32, #tpu.memory_space<vmem>>
    tpu.wait_dma2 semaphore(%arg4 : memref<!tpu.dma_semaphore, #tpu.memory_space<semaphore_mem>>) src(%dma_wait3A_868 : memref<1x256xf32, #tpu.memory_space<vmem>>) dst(%dma_wait3A_865 : memref<1x256xf32, #tpu.memory_space<hbm>>)
    %dma_wait3A_869 = arith.constant 0 : i32
    %dma_wait3A_870 = tpu.memref_slice %arg3[%get3A_279, %dma_wait3A_869] : memref<32768x256xf32, #tpu.memory_space<hbm>> -> memref<1x256xf32, #tpu.memory_space<hbm>>
    %dma_wait3A_871 = arith.constant 40 : i32
    %dma_wait3A_872 = arith.constant 0 : i32
    %dma_wait3A_873 = tpu.memref_slice %arg1[%dma_wait3A_871, %dma_wait3A_872] : memref<96x256xf32, #tpu.memory_space<vmem>> -> memref<1x256xf32, #tpu.memory_space<vmem>>
    tpu.wait_dma2 semaphore(%arg4 : memref<!tpu.dma_semaphore, #tpu.memory_space<semaphore_mem>>) src(%dma_wait3A_873 : memref<1x256xf32, #tpu.memory_space<vmem>>) dst(%dma_wait3A_870 : memref<1x256xf32, #tpu.memory_space<hbm>>)
    %dma_wait3A_874 = arith.constant 0 : i32
    %dma_wait3A_875 = tpu.memref_slice %arg3[%get3A_286, %dma_wait3A_874] : memref<32768x256xf32, #tpu.memory_space<hbm>> -> memref<1x256xf32, #tpu.memory_space<hbm>>
    %dma_wait3A_876 = arith.constant 41 : i32
    %dma_wait3A_877 = arith.constant 0 : i32
    %dma_wait3A_878 = tpu.memref_slice %arg1[%dma_wait3A_876, %dma_wait3A_877] : memref<96x256xf32, #tpu.memory_space<vmem>> -> memref<1x256xf32, #tpu.memory_space<vmem>>
    tpu.wait_dma2 semaphore(%arg4 : memref<!tpu.dma_semaphore, #tpu.memory_space<semaphore_mem>>) src(%dma_wait3A_878 : memref<1x256xf32, #tpu.memory_space<vmem>>) dst(%dma_wait3A_875 : memref<1x256xf32, #tpu.memory_space<hbm>>)
    %dma_wait3A_879 = arith.constant 0 : i32
    %dma_wait3A_880 = tpu.memref_slice %arg3[%get3A_293, %dma_wait3A_879] : memref<32768x256xf32, #tpu.memory_space<hbm>> -> memref<1x256xf32, #tpu.memory_space<hbm>>
    %dma_wait3A_881 = arith.constant 42 : i32
    %dma_wait3A_882 = arith.constant 0 : i32
    %dma_wait3A_883 = tpu.memref_slice %arg1[%dma_wait3A_881, %dma_wait3A_882] : memref<96x256xf32, #tpu.memory_space<vmem>> -> memref<1x256xf32, #tpu.memory_space<vmem>>
    tpu.wait_dma2 semaphore(%arg4 : memref<!tpu.dma_semaphore, #tpu.memory_space<semaphore_mem>>) src(%dma_wait3A_883 : memref<1x256xf32, #tpu.memory_space<vmem>>) dst(%dma_wait3A_880 : memref<1x256xf32, #tpu.memory_space<hbm>>)
    %dma_wait3A_884 = arith.constant 0 : i32
    %dma_wait3A_885 = tpu.memref_slice %arg3[%get3A_300, %dma_wait3A_884] : memref<32768x256xf32, #tpu.memory_space<hbm>> -> memref<1x256xf32, #tpu.memory_space<hbm>>
    %dma_wait3A_886 = arith.constant 43 : i32
    %dma_wait3A_887 = arith.constant 0 : i32
    %dma_wait3A_888 = tpu.memref_slice %arg1[%dma_wait3A_886, %dma_wait3A_887] : memref<96x256xf32, #tpu.memory_space<vmem>> -> memref<1x256xf32, #tpu.memory_space<vmem>>
    tpu.wait_dma2 semaphore(%arg4 : memref<!tpu.dma_semaphore, #tpu.memory_space<semaphore_mem>>) src(%dma_wait3A_888 : memref<1x256xf32, #tpu.memory_space<vmem>>) dst(%dma_wait3A_885 : memref<1x256xf32, #tpu.memory_space<hbm>>)
    %dma_wait3A_889 = arith.constant 0 : i32
    %dma_wait3A_890 = tpu.memref_slice %arg3[%get3A_307, %dma_wait3A_889] : memref<32768x256xf32, #tpu.memory_space<hbm>> -> memref<1x256xf32, #tpu.memory_space<hbm>>
    %dma_wait3A_891 = arith.constant 44 : i32
    %dma_wait3A_892 = arith.constant 0 : i32
    %dma_wait3A_893 = tpu.memref_slice %arg1[%dma_wait3A_891, %dma_wait3A_892] : memref<96x256xf32, #tpu.memory_space<vmem>> -> memref<1x256xf32, #tpu.memory_space<vmem>>
    tpu.wait_dma2 semaphore(%arg4 : memref<!tpu.dma_semaphore, #tpu.memory_space<semaphore_mem>>) src(%dma_wait3A_893 : memref<1x256xf32, #tpu.memory_space<vmem>>) dst(%dma_wait3A_890 : memref<1x256xf32, #tpu.memory_space<hbm>>)
    %dma_wait3A_894 = arith.constant 0 : i32
    %dma_wait3A_895 = tpu.memref_slice %arg3[%get3A_314, %dma_wait3A_894] : memref<32768x256xf32, #tpu.memory_space<hbm>> -> memref<1x256xf32, #tpu.memory_space<hbm>>
    %dma_wait3A_896 = arith.constant 45 : i32
    %dma_wait3A_897 = arith.constant 0 : i32
    %dma_wait3A_898 = tpu.memref_slice %arg1[%dma_wait3A_896, %dma_wait3A_897] : memref<96x256xf32, #tpu.memory_space<vmem>> -> memref<1x256xf32, #tpu.memory_space<vmem>>
    tpu.wait_dma2 semaphore(%arg4 : memref<!tpu.dma_semaphore, #tpu.memory_space<semaphore_mem>>) src(%dma_wait3A_898 : memref<1x256xf32, #tpu.memory_space<vmem>>) dst(%dma_wait3A_895 : memref<1x256xf32, #tpu.memory_space<hbm>>)
    %dma_wait3A_899 = arith.constant 0 : i32
    %dma_wait3A_900 = tpu.memref_slice %arg3[%get3A_321, %dma_wait3A_899] : memref<32768x256xf32, #tpu.memory_space<hbm>> -> memref<1x256xf32, #tpu.memory_space<hbm>>
    %dma_wait3A_901 = arith.constant 46 : i32
    %dma_wait3A_902 = arith.constant 0 : i32
    %dma_wait3A_903 = tpu.memref_slice %arg1[%dma_wait3A_901, %dma_wait3A_902] : memref<96x256xf32, #tpu.memory_space<vmem>> -> memref<1x256xf32, #tpu.memory_space<vmem>>
    tpu.wait_dma2 semaphore(%arg4 : memref<!tpu.dma_semaphore, #tpu.memory_space<semaphore_mem>>) src(%dma_wait3A_903 : memref<1x256xf32, #tpu.memory_space<vmem>>) dst(%dma_wait3A_900 : memref<1x256xf32, #tpu.memory_space<hbm>>)
    %dma_wait3A_904 = arith.constant 0 : i32
    %dma_wait3A_905 = tpu.memref_slice %arg3[%get3A_328, %dma_wait3A_904] : memref<32768x256xf32, #tpu.memory_space<hbm>> -> memref<1x256xf32, #tpu.memory_space<hbm>>
    %dma_wait3A_906 = arith.constant 47 : i32
    %dma_wait3A_907 = arith.constant 0 : i32
    %dma_wait3A_908 = tpu.memref_slice %arg1[%dma_wait3A_906, %dma_wait3A_907] : memref<96x256xf32, #tpu.memory_space<vmem>> -> memref<1x256xf32, #tpu.memory_space<vmem>>
    tpu.wait_dma2 semaphore(%arg4 : memref<!tpu.dma_semaphore, #tpu.memory_space<semaphore_mem>>) src(%dma_wait3A_908 : memref<1x256xf32, #tpu.memory_space<vmem>>) dst(%dma_wait3A_905 : memref<1x256xf32, #tpu.memory_space<hbm>>)
    %dma_wait3A_909 = arith.constant 0 : i32
    %dma_wait3A_910 = tpu.memref_slice %arg3[%get3A_335, %dma_wait3A_909] : memref<32768x256xf32, #tpu.memory_space<hbm>> -> memref<1x256xf32, #tpu.memory_space<hbm>>
    %dma_wait3A_911 = arith.constant 48 : i32
    %dma_wait3A_912 = arith.constant 0 : i32
    %dma_wait3A_913 = tpu.memref_slice %arg1[%dma_wait3A_911, %dma_wait3A_912] : memref<96x256xf32, #tpu.memory_space<vmem>> -> memref<1x256xf32, #tpu.memory_space<vmem>>
    tpu.wait_dma2 semaphore(%arg4 : memref<!tpu.dma_semaphore, #tpu.memory_space<semaphore_mem>>) src(%dma_wait3A_913 : memref<1x256xf32, #tpu.memory_space<vmem>>) dst(%dma_wait3A_910 : memref<1x256xf32, #tpu.memory_space<hbm>>)
    %dma_wait3A_914 = arith.constant 0 : i32
    %dma_wait3A_915 = tpu.memref_slice %arg3[%get3A_342, %dma_wait3A_914] : memref<32768x256xf32, #tpu.memory_space<hbm>> -> memref<1x256xf32, #tpu.memory_space<hbm>>
    %dma_wait3A_916 = arith.constant 49 : i32
    %dma_wait3A_917 = arith.constant 0 : i32
    %dma_wait3A_918 = tpu.memref_slice %arg1[%dma_wait3A_916, %dma_wait3A_917] : memref<96x256xf32, #tpu.memory_space<vmem>> -> memref<1x256xf32, #tpu.memory_space<vmem>>
    tpu.wait_dma2 semaphore(%arg4 : memref<!tpu.dma_semaphore, #tpu.memory_space<semaphore_mem>>) src(%dma_wait3A_918 : memref<1x256xf32, #tpu.memory_space<vmem>>) dst(%dma_wait3A_915 : memref<1x256xf32, #tpu.memory_space<hbm>>)
    %dma_wait3A_919 = arith.constant 0 : i32
    %dma_wait3A_920 = tpu.memref_slice %arg3[%get3A_349, %dma_wait3A_919] : memref<32768x256xf32, #tpu.memory_space<hbm>> -> memref<1x256xf32, #tpu.memory_space<hbm>>
    %dma_wait3A_921 = arith.constant 50 : i32
    %dma_wait3A_922 = arith.constant 0 : i32
    %dma_wait3A_923 = tpu.memref_slice %arg1[%dma_wait3A_921, %dma_wait3A_922] : memref<96x256xf32, #tpu.memory_space<vmem>> -> memref<1x256xf32, #tpu.memory_space<vmem>>
    tpu.wait_dma2 semaphore(%arg4 : memref<!tpu.dma_semaphore, #tpu.memory_space<semaphore_mem>>) src(%dma_wait3A_923 : memref<1x256xf32, #tpu.memory_space<vmem>>) dst(%dma_wait3A_920 : memref<1x256xf32, #tpu.memory_space<hbm>>)
    %dma_wait3A_924 = arith.constant 0 : i32
    %dma_wait3A_925 = tpu.memref_slice %arg3[%get3A_356, %dma_wait3A_924] : memref<32768x256xf32, #tpu.memory_space<hbm>> -> memref<1x256xf32, #tpu.memory_space<hbm>>
    %dma_wait3A_926 = arith.constant 51 : i32
    %dma_wait3A_927 = arith.constant 0 : i32
    %dma_wait3A_928 = tpu.memref_slice %arg1[%dma_wait3A_926, %dma_wait3A_927] : memref<96x256xf32, #tpu.memory_space<vmem>> -> memref<1x256xf32, #tpu.memory_space<vmem>>
    tpu.wait_dma2 semaphore(%arg4 : memref<!tpu.dma_semaphore, #tpu.memory_space<semaphore_mem>>) src(%dma_wait3A_928 : memref<1x256xf32, #tpu.memory_space<vmem>>) dst(%dma_wait3A_925 : memref<1x256xf32, #tpu.memory_space<hbm>>)
    %dma_wait3A_929 = arith.constant 0 : i32
    %dma_wait3A_930 = tpu.memref_slice %arg3[%get3A_363, %dma_wait3A_929] : memref<32768x256xf32, #tpu.memory_space<hbm>> -> memref<1x256xf32, #tpu.memory_space<hbm>>
    %dma_wait3A_931 = arith.constant 52 : i32
    %dma_wait3A_932 = arith.constant 0 : i32
    %dma_wait3A_933 = tpu.memref_slice %arg1[%dma_wait3A_931, %dma_wait3A_932] : memref<96x256xf32, #tpu.memory_space<vmem>> -> memref<1x256xf32, #tpu.memory_space<vmem>>
    tpu.wait_dma2 semaphore(%arg4 : memref<!tpu.dma_semaphore, #tpu.memory_space<semaphore_mem>>) src(%dma_wait3A_933 : memref<1x256xf32, #tpu.memory_space<vmem>>) dst(%dma_wait3A_930 : memref<1x256xf32, #tpu.memory_space<hbm>>)
    %dma_wait3A_934 = arith.constant 0 : i32
    %dma_wait3A_935 = tpu.memref_slice %arg3[%get3A_370, %dma_wait3A_934] : memref<32768x256xf32, #tpu.memory_space<hbm>> -> memref<1x256xf32, #tpu.memory_space<hbm>>
    %dma_wait3A_936 = arith.constant 53 : i32
    %dma_wait3A_937 = arith.constant 0 : i32
    %dma_wait3A_938 = tpu.memref_slice %arg1[%dma_wait3A_936, %dma_wait3A_937] : memref<96x256xf32, #tpu.memory_space<vmem>> -> memref<1x256xf32, #tpu.memory_space<vmem>>
    tpu.wait_dma2 semaphore(%arg4 : memref<!tpu.dma_semaphore, #tpu.memory_space<semaphore_mem>>) src(%dma_wait3A_938 : memref<1x256xf32, #tpu.memory_space<vmem>>) dst(%dma_wait3A_935 : memref<1x256xf32, #tpu.memory_space<hbm>>)
    %dma_wait3A_939 = arith.constant 0 : i32
    %dma_wait3A_940 = tpu.memref_slice %arg3[%get3A_377, %dma_wait3A_939] : memref<32768x256xf32, #tpu.memory_space<hbm>> -> memref<1x256xf32, #tpu.memory_space<hbm>>
    %dma_wait3A_941 = arith.constant 54 : i32
    %dma_wait3A_942 = arith.constant 0 : i32
    %dma_wait3A_943 = tpu.memref_slice %arg1[%dma_wait3A_941, %dma_wait3A_942] : memref<96x256xf32, #tpu.memory_space<vmem>> -> memref<1x256xf32, #tpu.memory_space<vmem>>
    tpu.wait_dma2 semaphore(%arg4 : memref<!tpu.dma_semaphore, #tpu.memory_space<semaphore_mem>>) src(%dma_wait3A_943 : memref<1x256xf32, #tpu.memory_space<vmem>>) dst(%dma_wait3A_940 : memref<1x256xf32, #tpu.memory_space<hbm>>)
    %dma_wait3A_944 = arith.constant 0 : i32
    %dma_wait3A_945 = tpu.memref_slice %arg3[%get3A_384, %dma_wait3A_944] : memref<32768x256xf32, #tpu.memory_space<hbm>> -> memref<1x256xf32, #tpu.memory_space<hbm>>
    %dma_wait3A_946 = arith.constant 55 : i32
    %dma_wait3A_947 = arith.constant 0 : i32
    %dma_wait3A_948 = tpu.memref_slice %arg1[%dma_wait3A_946, %dma_wait3A_947] : memref<96x256xf32, #tpu.memory_space<vmem>> -> memref<1x256xf32, #tpu.memory_space<vmem>>
    tpu.wait_dma2 semaphore(%arg4 : memref<!tpu.dma_semaphore, #tpu.memory_space<semaphore_mem>>) src(%dma_wait3A_948 : memref<1x256xf32, #tpu.memory_space<vmem>>) dst(%dma_wait3A_945 : memref<1x256xf32, #tpu.memory_space<hbm>>)
    %dma_wait3A_949 = arith.constant 0 : i32
    %dma_wait3A_950 = tpu.memref_slice %arg3[%get3A_391, %dma_wait3A_949] : memref<32768x256xf32, #tpu.memory_space<hbm>> -> memref<1x256xf32, #tpu.memory_space<hbm>>
    %dma_wait3A_951 = arith.constant 56 : i32
    %dma_wait3A_952 = arith.constant 0 : i32
    %dma_wait3A_953 = tpu.memref_slice %arg1[%dma_wait3A_951, %dma_wait3A_952] : memref<96x256xf32, #tpu.memory_space<vmem>> -> memref<1x256xf32, #tpu.memory_space<vmem>>
    tpu.wait_dma2 semaphore(%arg4 : memref<!tpu.dma_semaphore, #tpu.memory_space<semaphore_mem>>) src(%dma_wait3A_953 : memref<1x256xf32, #tpu.memory_space<vmem>>) dst(%dma_wait3A_950 : memref<1x256xf32, #tpu.memory_space<hbm>>)
    %dma_wait3A_954 = arith.constant 0 : i32
    %dma_wait3A_955 = tpu.memref_slice %arg3[%get3A_398, %dma_wait3A_954] : memref<32768x256xf32, #tpu.memory_space<hbm>> -> memref<1x256xf32, #tpu.memory_space<hbm>>
    %dma_wait3A_956 = arith.constant 57 : i32
    %dma_wait3A_957 = arith.constant 0 : i32
    %dma_wait3A_958 = tpu.memref_slice %arg1[%dma_wait3A_956, %dma_wait3A_957] : memref<96x256xf32, #tpu.memory_space<vmem>> -> memref<1x256xf32, #tpu.memory_space<vmem>>
    tpu.wait_dma2 semaphore(%arg4 : memref<!tpu.dma_semaphore, #tpu.memory_space<semaphore_mem>>) src(%dma_wait3A_958 : memref<1x256xf32, #tpu.memory_space<vmem>>) dst(%dma_wait3A_955 : memref<1x256xf32, #tpu.memory_space<hbm>>)
    %dma_wait3A_959 = arith.constant 0 : i32
    %dma_wait3A_960 = tpu.memref_slice %arg3[%get3A_405, %dma_wait3A_959] : memref<32768x256xf32, #tpu.memory_space<hbm>> -> memref<1x256xf32, #tpu.memory_space<hbm>>
    %dma_wait3A_961 = arith.constant 58 : i32
    %dma_wait3A_962 = arith.constant 0 : i32
    %dma_wait3A_963 = tpu.memref_slice %arg1[%dma_wait3A_961, %dma_wait3A_962] : memref<96x256xf32, #tpu.memory_space<vmem>> -> memref<1x256xf32, #tpu.memory_space<vmem>>
    tpu.wait_dma2 semaphore(%arg4 : memref<!tpu.dma_semaphore, #tpu.memory_space<semaphore_mem>>) src(%dma_wait3A_963 : memref<1x256xf32, #tpu.memory_space<vmem>>) dst(%dma_wait3A_960 : memref<1x256xf32, #tpu.memory_space<hbm>>)
    %dma_wait3A_964 = arith.constant 0 : i32
    %dma_wait3A_965 = tpu.memref_slice %arg3[%get3A_412, %dma_wait3A_964] : memref<32768x256xf32, #tpu.memory_space<hbm>> -> memref<1x256xf32, #tpu.memory_space<hbm>>
    %dma_wait3A_966 = arith.constant 59 : i32
    %dma_wait3A_967 = arith.constant 0 : i32
    %dma_wait3A_968 = tpu.memref_slice %arg1[%dma_wait3A_966, %dma_wait3A_967] : memref<96x256xf32, #tpu.memory_space<vmem>> -> memref<1x256xf32, #tpu.memory_space<vmem>>
    tpu.wait_dma2 semaphore(%arg4 : memref<!tpu.dma_semaphore, #tpu.memory_space<semaphore_mem>>) src(%dma_wait3A_968 : memref<1x256xf32, #tpu.memory_space<vmem>>) dst(%dma_wait3A_965 : memref<1x256xf32, #tpu.memory_space<hbm>>)
    %dma_wait3A_969 = arith.constant 0 : i32
    %dma_wait3A_970 = tpu.memref_slice %arg3[%get3A_419, %dma_wait3A_969] : memref<32768x256xf32, #tpu.memory_space<hbm>> -> memref<1x256xf32, #tpu.memory_space<hbm>>
    %dma_wait3A_971 = arith.constant 60 : i32
    %dma_wait3A_972 = arith.constant 0 : i32
    %dma_wait3A_973 = tpu.memref_slice %arg1[%dma_wait3A_971, %dma_wait3A_972] : memref<96x256xf32, #tpu.memory_space<vmem>> -> memref<1x256xf32, #tpu.memory_space<vmem>>
    tpu.wait_dma2 semaphore(%arg4 : memref<!tpu.dma_semaphore, #tpu.memory_space<semaphore_mem>>) src(%dma_wait3A_973 : memref<1x256xf32, #tpu.memory_space<vmem>>) dst(%dma_wait3A_970 : memref<1x256xf32, #tpu.memory_space<hbm>>)
    %dma_wait3A_974 = arith.constant 0 : i32
    %dma_wait3A_975 = tpu.memref_slice %arg3[%get3A_426, %dma_wait3A_974] : memref<32768x256xf32, #tpu.memory_space<hbm>> -> memref<1x256xf32, #tpu.memory_space<hbm>>
    %dma_wait3A_976 = arith.constant 61 : i32
    %dma_wait3A_977 = arith.constant 0 : i32
    %dma_wait3A_978 = tpu.memref_slice %arg1[%dma_wait3A_976, %dma_wait3A_977] : memref<96x256xf32, #tpu.memory_space<vmem>> -> memref<1x256xf32, #tpu.memory_space<vmem>>
    tpu.wait_dma2 semaphore(%arg4 : memref<!tpu.dma_semaphore, #tpu.memory_space<semaphore_mem>>) src(%dma_wait3A_978 : memref<1x256xf32, #tpu.memory_space<vmem>>) dst(%dma_wait3A_975 : memref<1x256xf32, #tpu.memory_space<hbm>>)
    %dma_wait3A_979 = arith.constant 0 : i32
    %dma_wait3A_980 = tpu.memref_slice %arg3[%get3A_433, %dma_wait3A_979] : memref<32768x256xf32, #tpu.memory_space<hbm>> -> memref<1x256xf32, #tpu.memory_space<hbm>>
    %dma_wait3A_981 = arith.constant 62 : i32
    %dma_wait3A_982 = arith.constant 0 : i32
    %dma_wait3A_983 = tpu.memref_slice %arg1[%dma_wait3A_981, %dma_wait3A_982] : memref<96x256xf32, #tpu.memory_space<vmem>> -> memref<1x256xf32, #tpu.memory_space<vmem>>
    tpu.wait_dma2 semaphore(%arg4 : memref<!tpu.dma_semaphore, #tpu.memory_space<semaphore_mem>>) src(%dma_wait3A_983 : memref<1x256xf32, #tpu.memory_space<vmem>>) dst(%dma_wait3A_980 : memref<1x256xf32, #tpu.memory_space<hbm>>)
    %dma_wait3A_984 = arith.constant 0 : i32
    %dma_wait3A_985 = tpu.memref_slice %arg3[%get3A_440, %dma_wait3A_984] : memref<32768x256xf32, #tpu.memory_space<hbm>> -> memref<1x256xf32, #tpu.memory_space<hbm>>
    %dma_wait3A_986 = arith.constant 63 : i32
    %dma_wait3A_987 = arith.constant 0 : i32
    %dma_wait3A_988 = tpu.memref_slice %arg1[%dma_wait3A_986, %dma_wait3A_987] : memref<96x256xf32, #tpu.memory_space<vmem>> -> memref<1x256xf32, #tpu.memory_space<vmem>>
    tpu.wait_dma2 semaphore(%arg4 : memref<!tpu.dma_semaphore, #tpu.memory_space<semaphore_mem>>) src(%dma_wait3A_988 : memref<1x256xf32, #tpu.memory_space<vmem>>) dst(%dma_wait3A_985 : memref<1x256xf32, #tpu.memory_space<hbm>>)
    %dma_wait3A_989 = arith.constant 0 : i32
    %dma_wait3A_990 = tpu.memref_slice %arg3[%get3A_447, %dma_wait3A_989] : memref<32768x256xf32, #tpu.memory_space<hbm>> -> memref<1x256xf32, #tpu.memory_space<hbm>>
    %dma_wait3A_991 = arith.constant 64 : i32
    %dma_wait3A_992 = arith.constant 0 : i32
    %dma_wait3A_993 = tpu.memref_slice %arg1[%dma_wait3A_991, %dma_wait3A_992] : memref<96x256xf32, #tpu.memory_space<vmem>> -> memref<1x256xf32, #tpu.memory_space<vmem>>
    tpu.wait_dma2 semaphore(%arg4 : memref<!tpu.dma_semaphore, #tpu.memory_space<semaphore_mem>>) src(%dma_wait3A_993 : memref<1x256xf32, #tpu.memory_space<vmem>>) dst(%dma_wait3A_990 : memref<1x256xf32, #tpu.memory_space<hbm>>)
    %dma_wait3A_994 = arith.constant 0 : i32
    %dma_wait3A_995 = tpu.memref_slice %arg3[%get3A_454, %dma_wait3A_994] : memref<32768x256xf32, #tpu.memory_space<hbm>> -> memref<1x256xf32, #tpu.memory_space<hbm>>
    %dma_wait3A_996 = arith.constant 65 : i32
    %dma_wait3A_997 = arith.constant 0 : i32
    %dma_wait3A_998 = tpu.memref_slice %arg1[%dma_wait3A_996, %dma_wait3A_997] : memref<96x256xf32, #tpu.memory_space<vmem>> -> memref<1x256xf32, #tpu.memory_space<vmem>>
    tpu.wait_dma2 semaphore(%arg4 : memref<!tpu.dma_semaphore, #tpu.memory_space<semaphore_mem>>) src(%dma_wait3A_998 : memref<1x256xf32, #tpu.memory_space<vmem>>) dst(%dma_wait3A_995 : memref<1x256xf32, #tpu.memory_space<hbm>>)
    %dma_wait3A_999 = arith.constant 0 : i32
    %dma_wait3A_1000 = tpu.memref_slice %arg3[%get3A_461, %dma_wait3A_999] : memref<32768x256xf32, #tpu.memory_space<hbm>> -> memref<1x256xf32, #tpu.memory_space<hbm>>
    %dma_wait3A_1001 = arith.constant 66 : i32
    %dma_wait3A_1002 = arith.constant 0 : i32
    %dma_wait3A_1003 = tpu.memref_slice %arg1[%dma_wait3A_1001, %dma_wait3A_1002] : memref<96x256xf32, #tpu.memory_space<vmem>> -> memref<1x256xf32, #tpu.memory_space<vmem>>
    tpu.wait_dma2 semaphore(%arg4 : memref<!tpu.dma_semaphore, #tpu.memory_space<semaphore_mem>>) src(%dma_wait3A_1003 : memref<1x256xf32, #tpu.memory_space<vmem>>) dst(%dma_wait3A_1000 : memref<1x256xf32, #tpu.memory_space<hbm>>)
    %dma_wait3A_1004 = arith.constant 0 : i32
    %dma_wait3A_1005 = tpu.memref_slice %arg3[%get3A_468, %dma_wait3A_1004] : memref<32768x256xf32, #tpu.memory_space<hbm>> -> memref<1x256xf32, #tpu.memory_space<hbm>>
    %dma_wait3A_1006 = arith.constant 67 : i32
    %dma_wait3A_1007 = arith.constant 0 : i32
    %dma_wait3A_1008 = tpu.memref_slice %arg1[%dma_wait3A_1006, %dma_wait3A_1007] : memref<96x256xf32, #tpu.memory_space<vmem>> -> memref<1x256xf32, #tpu.memory_space<vmem>>
    tpu.wait_dma2 semaphore(%arg4 : memref<!tpu.dma_semaphore, #tpu.memory_space<semaphore_mem>>) src(%dma_wait3A_1008 : memref<1x256xf32, #tpu.memory_space<vmem>>) dst(%dma_wait3A_1005 : memref<1x256xf32, #tpu.memory_space<hbm>>)
    %dma_wait3A_1009 = arith.constant 0 : i32
    %dma_wait3A_1010 = tpu.memref_slice %arg3[%get3A_475, %dma_wait3A_1009] : memref<32768x256xf32, #tpu.memory_space<hbm>> -> memref<1x256xf32, #tpu.memory_space<hbm>>
    %dma_wait3A_1011 = arith.constant 68 : i32
    %dma_wait3A_1012 = arith.constant 0 : i32
    %dma_wait3A_1013 = tpu.memref_slice %arg1[%dma_wait3A_1011, %dma_wait3A_1012] : memref<96x256xf32, #tpu.memory_space<vmem>> -> memref<1x256xf32, #tpu.memory_space<vmem>>
    tpu.wait_dma2 semaphore(%arg4 : memref<!tpu.dma_semaphore, #tpu.memory_space<semaphore_mem>>) src(%dma_wait3A_1013 : memref<1x256xf32, #tpu.memory_space<vmem>>) dst(%dma_wait3A_1010 : memref<1x256xf32, #tpu.memory_space<hbm>>)
    %dma_wait3A_1014 = arith.constant 0 : i32
    %dma_wait3A_1015 = tpu.memref_slice %arg3[%get3A_482, %dma_wait3A_1014] : memref<32768x256xf32, #tpu.memory_space<hbm>> -> memref<1x256xf32, #tpu.memory_space<hbm>>
    %dma_wait3A_1016 = arith.constant 69 : i32
    %dma_wait3A_1017 = arith.constant 0 : i32
    %dma_wait3A_1018 = tpu.memref_slice %arg1[%dma_wait3A_1016, %dma_wait3A_1017] : memref<96x256xf32, #tpu.memory_space<vmem>> -> memref<1x256xf32, #tpu.memory_space<vmem>>
    tpu.wait_dma2 semaphore(%arg4 : memref<!tpu.dma_semaphore, #tpu.memory_space<semaphore_mem>>) src(%dma_wait3A_1018 : memref<1x256xf32, #tpu.memory_space<vmem>>) dst(%dma_wait3A_1015 : memref<1x256xf32, #tpu.memory_space<hbm>>)
    %dma_wait3A_1019 = arith.constant 0 : i32
    %dma_wait3A_1020 = tpu.memref_slice %arg3[%get3A_489, %dma_wait3A_1019] : memref<32768x256xf32, #tpu.memory_space<hbm>> -> memref<1x256xf32, #tpu.memory_space<hbm>>
    %dma_wait3A_1021 = arith.constant 70 : i32
    %dma_wait3A_1022 = arith.constant 0 : i32
    %dma_wait3A_1023 = tpu.memref_slice %arg1[%dma_wait3A_1021, %dma_wait3A_1022] : memref<96x256xf32, #tpu.memory_space<vmem>> -> memref<1x256xf32, #tpu.memory_space<vmem>>
    tpu.wait_dma2 semaphore(%arg4 : memref<!tpu.dma_semaphore, #tpu.memory_space<semaphore_mem>>) src(%dma_wait3A_1023 : memref<1x256xf32, #tpu.memory_space<vmem>>) dst(%dma_wait3A_1020 : memref<1x256xf32, #tpu.memory_space<hbm>>)
    %dma_wait3A_1024 = arith.constant 0 : i32
    %dma_wait3A_1025 = tpu.memref_slice %arg3[%get3A_496, %dma_wait3A_1024] : memref<32768x256xf32, #tpu.memory_space<hbm>> -> memref<1x256xf32, #tpu.memory_space<hbm>>
    %dma_wait3A_1026 = arith.constant 71 : i32
    %dma_wait3A_1027 = arith.constant 0 : i32
    %dma_wait3A_1028 = tpu.memref_slice %arg1[%dma_wait3A_1026, %dma_wait3A_1027] : memref<96x256xf32, #tpu.memory_space<vmem>> -> memref<1x256xf32, #tpu.memory_space<vmem>>
    tpu.wait_dma2 semaphore(%arg4 : memref<!tpu.dma_semaphore, #tpu.memory_space<semaphore_mem>>) src(%dma_wait3A_1028 : memref<1x256xf32, #tpu.memory_space<vmem>>) dst(%dma_wait3A_1025 : memref<1x256xf32, #tpu.memory_space<hbm>>)
    %dma_wait3A_1029 = arith.constant 0 : i32
    %dma_wait3A_1030 = tpu.memref_slice %arg3[%get3A_503, %dma_wait3A_1029] : memref<32768x256xf32, #tpu.memory_space<hbm>> -> memref<1x256xf32, #tpu.memory_space<hbm>>
    %dma_wait3A_1031 = arith.constant 72 : i32
    %dma_wait3A_1032 = arith.constant 0 : i32
    %dma_wait3A_1033 = tpu.memref_slice %arg1[%dma_wait3A_1031, %dma_wait3A_1032] : memref<96x256xf32, #tpu.memory_space<vmem>> -> memref<1x256xf32, #tpu.memory_space<vmem>>
    tpu.wait_dma2 semaphore(%arg4 : memref<!tpu.dma_semaphore, #tpu.memory_space<semaphore_mem>>) src(%dma_wait3A_1033 : memref<1x256xf32, #tpu.memory_space<vmem>>) dst(%dma_wait3A_1030 : memref<1x256xf32, #tpu.memory_space<hbm>>)
    %dma_wait3A_1034 = arith.constant 0 : i32
    %dma_wait3A_1035 = tpu.memref_slice %arg3[%get3A_510, %dma_wait3A_1034] : memref<32768x256xf32, #tpu.memory_space<hbm>> -> memref<1x256xf32, #tpu.memory_space<hbm>>
    %dma_wait3A_1036 = arith.constant 73 : i32
    %dma_wait3A_1037 = arith.constant 0 : i32
    %dma_wait3A_1038 = tpu.memref_slice %arg1[%dma_wait3A_1036, %dma_wait3A_1037] : memref<96x256xf32, #tpu.memory_space<vmem>> -> memref<1x256xf32, #tpu.memory_space<vmem>>
    tpu.wait_dma2 semaphore(%arg4 : memref<!tpu.dma_semaphore, #tpu.memory_space<semaphore_mem>>) src(%dma_wait3A_1038 : memref<1x256xf32, #tpu.memory_space<vmem>>) dst(%dma_wait3A_1035 : memref<1x256xf32, #tpu.memory_space<hbm>>)
    %dma_wait3A_1039 = arith.constant 0 : i32
    %dma_wait3A_1040 = tpu.memref_slice %arg3[%get3A_517, %dma_wait3A_1039] : memref<32768x256xf32, #tpu.memory_space<hbm>> -> memref<1x256xf32, #tpu.memory_space<hbm>>
    %dma_wait3A_1041 = arith.constant 74 : i32
    %dma_wait3A_1042 = arith.constant 0 : i32
    %dma_wait3A_1043 = tpu.memref_slice %arg1[%dma_wait3A_1041, %dma_wait3A_1042] : memref<96x256xf32, #tpu.memory_space<vmem>> -> memref<1x256xf32, #tpu.memory_space<vmem>>
    tpu.wait_dma2 semaphore(%arg4 : memref<!tpu.dma_semaphore, #tpu.memory_space<semaphore_mem>>) src(%dma_wait3A_1043 : memref<1x256xf32, #tpu.memory_space<vmem>>) dst(%dma_wait3A_1040 : memref<1x256xf32, #tpu.memory_space<hbm>>)
    %dma_wait3A_1044 = arith.constant 0 : i32
    %dma_wait3A_1045 = tpu.memref_slice %arg3[%get3A_524, %dma_wait3A_1044] : memref<32768x256xf32, #tpu.memory_space<hbm>> -> memref<1x256xf32, #tpu.memory_space<hbm>>
    %dma_wait3A_1046 = arith.constant 75 : i32
    %dma_wait3A_1047 = arith.constant 0 : i32
    %dma_wait3A_1048 = tpu.memref_slice %arg1[%dma_wait3A_1046, %dma_wait3A_1047] : memref<96x256xf32, #tpu.memory_space<vmem>> -> memref<1x256xf32, #tpu.memory_space<vmem>>
    tpu.wait_dma2 semaphore(%arg4 : memref<!tpu.dma_semaphore, #tpu.memory_space<semaphore_mem>>) src(%dma_wait3A_1048 : memref<1x256xf32, #tpu.memory_space<vmem>>) dst(%dma_wait3A_1045 : memref<1x256xf32, #tpu.memory_space<hbm>>)
    %dma_wait3A_1049 = arith.constant 0 : i32
    %dma_wait3A_1050 = tpu.memref_slice %arg3[%get3A_531, %dma_wait3A_1049] : memref<32768x256xf32, #tpu.memory_space<hbm>> -> memref<1x256xf32, #tpu.memory_space<hbm>>
    %dma_wait3A_1051 = arith.constant 76 : i32
    %dma_wait3A_1052 = arith.constant 0 : i32
    %dma_wait3A_1053 = tpu.memref_slice %arg1[%dma_wait3A_1051, %dma_wait3A_1052] : memref<96x256xf32, #tpu.memory_space<vmem>> -> memref<1x256xf32, #tpu.memory_space<vmem>>
    tpu.wait_dma2 semaphore(%arg4 : memref<!tpu.dma_semaphore, #tpu.memory_space<semaphore_mem>>) src(%dma_wait3A_1053 : memref<1x256xf32, #tpu.memory_space<vmem>>) dst(%dma_wait3A_1050 : memref<1x256xf32, #tpu.memory_space<hbm>>)
    %dma_wait3A_1054 = arith.constant 0 : i32
    %dma_wait3A_1055 = tpu.memref_slice %arg3[%get3A_538, %dma_wait3A_1054] : memref<32768x256xf32, #tpu.memory_space<hbm>> -> memref<1x256xf32, #tpu.memory_space<hbm>>
    %dma_wait3A_1056 = arith.constant 77 : i32
    %dma_wait3A_1057 = arith.constant 0 : i32
    %dma_wait3A_1058 = tpu.memref_slice %arg1[%dma_wait3A_1056, %dma_wait3A_1057] : memref<96x256xf32, #tpu.memory_space<vmem>> -> memref<1x256xf32, #tpu.memory_space<vmem>>
    tpu.wait_dma2 semaphore(%arg4 : memref<!tpu.dma_semaphore, #tpu.memory_space<semaphore_mem>>) src(%dma_wait3A_1058 : memref<1x256xf32, #tpu.memory_space<vmem>>) dst(%dma_wait3A_1055 : memref<1x256xf32, #tpu.memory_space<hbm>>)
    %dma_wait3A_1059 = arith.constant 0 : i32
    %dma_wait3A_1060 = tpu.memref_slice %arg3[%get3A_545, %dma_wait3A_1059] : memref<32768x256xf32, #tpu.memory_space<hbm>> -> memref<1x256xf32, #tpu.memory_space<hbm>>
    %dma_wait3A_1061 = arith.constant 78 : i32
    %dma_wait3A_1062 = arith.constant 0 : i32
    %dma_wait3A_1063 = tpu.memref_slice %arg1[%dma_wait3A_1061, %dma_wait3A_1062] : memref<96x256xf32, #tpu.memory_space<vmem>> -> memref<1x256xf32, #tpu.memory_space<vmem>>
    tpu.wait_dma2 semaphore(%arg4 : memref<!tpu.dma_semaphore, #tpu.memory_space<semaphore_mem>>) src(%dma_wait3A_1063 : memref<1x256xf32, #tpu.memory_space<vmem>>) dst(%dma_wait3A_1060 : memref<1x256xf32, #tpu.memory_space<hbm>>)
    %dma_wait3A_1064 = arith.constant 0 : i32
    %dma_wait3A_1065 = tpu.memref_slice %arg3[%get3A_552, %dma_wait3A_1064] : memref<32768x256xf32, #tpu.memory_space<hbm>> -> memref<1x256xf32, #tpu.memory_space<hbm>>
    %dma_wait3A_1066 = arith.constant 79 : i32
    %dma_wait3A_1067 = arith.constant 0 : i32
    %dma_wait3A_1068 = tpu.memref_slice %arg1[%dma_wait3A_1066, %dma_wait3A_1067] : memref<96x256xf32, #tpu.memory_space<vmem>> -> memref<1x256xf32, #tpu.memory_space<vmem>>
    tpu.wait_dma2 semaphore(%arg4 : memref<!tpu.dma_semaphore, #tpu.memory_space<semaphore_mem>>) src(%dma_wait3A_1068 : memref<1x256xf32, #tpu.memory_space<vmem>>) dst(%dma_wait3A_1065 : memref<1x256xf32, #tpu.memory_space<hbm>>)
    %dma_wait3A_1069 = arith.constant 0 : i32
    %dma_wait3A_1070 = tpu.memref_slice %arg3[%get3A_559, %dma_wait3A_1069] : memref<32768x256xf32, #tpu.memory_space<hbm>> -> memref<1x256xf32, #tpu.memory_space<hbm>>
    %dma_wait3A_1071 = arith.constant 80 : i32
    %dma_wait3A_1072 = arith.constant 0 : i32
    %dma_wait3A_1073 = tpu.memref_slice %arg1[%dma_wait3A_1071, %dma_wait3A_1072] : memref<96x256xf32, #tpu.memory_space<vmem>> -> memref<1x256xf32, #tpu.memory_space<vmem>>
    tpu.wait_dma2 semaphore(%arg4 : memref<!tpu.dma_semaphore, #tpu.memory_space<semaphore_mem>>) src(%dma_wait3A_1073 : memref<1x256xf32, #tpu.memory_space<vmem>>) dst(%dma_wait3A_1070 : memref<1x256xf32, #tpu.memory_space<hbm>>)
    %dma_wait3A_1074 = arith.constant 0 : i32
    %dma_wait3A_1075 = tpu.memref_slice %arg3[%get3A_566, %dma_wait3A_1074] : memref<32768x256xf32, #tpu.memory_space<hbm>> -> memref<1x256xf32, #tpu.memory_space<hbm>>
    %dma_wait3A_1076 = arith.constant 81 : i32
    %dma_wait3A_1077 = arith.constant 0 : i32
    %dma_wait3A_1078 = tpu.memref_slice %arg1[%dma_wait3A_1076, %dma_wait3A_1077] : memref<96x256xf32, #tpu.memory_space<vmem>> -> memref<1x256xf32, #tpu.memory_space<vmem>>
    tpu.wait_dma2 semaphore(%arg4 : memref<!tpu.dma_semaphore, #tpu.memory_space<semaphore_mem>>) src(%dma_wait3A_1078 : memref<1x256xf32, #tpu.memory_space<vmem>>) dst(%dma_wait3A_1075 : memref<1x256xf32, #tpu.memory_space<hbm>>)
    %dma_wait3A_1079 = arith.constant 0 : i32
    %dma_wait3A_1080 = tpu.memref_slice %arg3[%get3A_573, %dma_wait3A_1079] : memref<32768x256xf32, #tpu.memory_space<hbm>> -> memref<1x256xf32, #tpu.memory_space<hbm>>
    %dma_wait3A_1081 = arith.constant 82 : i32
    %dma_wait3A_1082 = arith.constant 0 : i32
    %dma_wait3A_1083 = tpu.memref_slice %arg1[%dma_wait3A_1081, %dma_wait3A_1082] : memref<96x256xf32, #tpu.memory_space<vmem>> -> memref<1x256xf32, #tpu.memory_space<vmem>>
    tpu.wait_dma2 semaphore(%arg4 : memref<!tpu.dma_semaphore, #tpu.memory_space<semaphore_mem>>) src(%dma_wait3A_1083 : memref<1x256xf32, #tpu.memory_space<vmem>>) dst(%dma_wait3A_1080 : memref<1x256xf32, #tpu.memory_space<hbm>>)
    %dma_wait3A_1084 = arith.constant 0 : i32
    %dma_wait3A_1085 = tpu.memref_slice %arg3[%get3A_580, %dma_wait3A_1084] : memref<32768x256xf32, #tpu.memory_space<hbm>> -> memref<1x256xf32, #tpu.memory_space<hbm>>
    %dma_wait3A_1086 = arith.constant 83 : i32
    %dma_wait3A_1087 = arith.constant 0 : i32
    %dma_wait3A_1088 = tpu.memref_slice %arg1[%dma_wait3A_1086, %dma_wait3A_1087] : memref<96x256xf32, #tpu.memory_space<vmem>> -> memref<1x256xf32, #tpu.memory_space<vmem>>
    tpu.wait_dma2 semaphore(%arg4 : memref<!tpu.dma_semaphore, #tpu.memory_space<semaphore_mem>>) src(%dma_wait3A_1088 : memref<1x256xf32, #tpu.memory_space<vmem>>) dst(%dma_wait3A_1085 : memref<1x256xf32, #tpu.memory_space<hbm>>)
    %dma_wait3A_1089 = arith.constant 0 : i32
    %dma_wait3A_1090 = tpu.memref_slice %arg3[%get3A_587, %dma_wait3A_1089] : memref<32768x256xf32, #tpu.memory_space<hbm>> -> memref<1x256xf32, #tpu.memory_space<hbm>>
    %dma_wait3A_1091 = arith.constant 84 : i32
    %dma_wait3A_1092 = arith.constant 0 : i32
    %dma_wait3A_1093 = tpu.memref_slice %arg1[%dma_wait3A_1091, %dma_wait3A_1092] : memref<96x256xf32, #tpu.memory_space<vmem>> -> memref<1x256xf32, #tpu.memory_space<vmem>>
    tpu.wait_dma2 semaphore(%arg4 : memref<!tpu.dma_semaphore, #tpu.memory_space<semaphore_mem>>) src(%dma_wait3A_1093 : memref<1x256xf32, #tpu.memory_space<vmem>>) dst(%dma_wait3A_1090 : memref<1x256xf32, #tpu.memory_space<hbm>>)
    %dma_wait3A_1094 = arith.constant 0 : i32
    %dma_wait3A_1095 = tpu.memref_slice %arg3[%get3A_594, %dma_wait3A_1094] : memref<32768x256xf32, #tpu.memory_space<hbm>> -> memref<1x256xf32, #tpu.memory_space<hbm>>
    %dma_wait3A_1096 = arith.constant 85 : i32
    %dma_wait3A_1097 = arith.constant 0 : i32
    %dma_wait3A_1098 = tpu.memref_slice %arg1[%dma_wait3A_1096, %dma_wait3A_1097] : memref<96x256xf32, #tpu.memory_space<vmem>> -> memref<1x256xf32, #tpu.memory_space<vmem>>
    tpu.wait_dma2 semaphore(%arg4 : memref<!tpu.dma_semaphore, #tpu.memory_space<semaphore_mem>>) src(%dma_wait3A_1098 : memref<1x256xf32, #tpu.memory_space<vmem>>) dst(%dma_wait3A_1095 : memref<1x256xf32, #tpu.memory_space<hbm>>)
    %dma_wait3A_1099 = arith.constant 0 : i32
    %dma_wait3A_1100 = tpu.memref_slice %arg3[%get3A_601, %dma_wait3A_1099] : memref<32768x256xf32, #tpu.memory_space<hbm>> -> memref<1x256xf32, #tpu.memory_space<hbm>>
    %dma_wait3A_1101 = arith.constant 86 : i32
    %dma_wait3A_1102 = arith.constant 0 : i32
    %dma_wait3A_1103 = tpu.memref_slice %arg1[%dma_wait3A_1101, %dma_wait3A_1102] : memref<96x256xf32, #tpu.memory_space<vmem>> -> memref<1x256xf32, #tpu.memory_space<vmem>>
    tpu.wait_dma2 semaphore(%arg4 : memref<!tpu.dma_semaphore, #tpu.memory_space<semaphore_mem>>) src(%dma_wait3A_1103 : memref<1x256xf32, #tpu.memory_space<vmem>>) dst(%dma_wait3A_1100 : memref<1x256xf32, #tpu.memory_space<hbm>>)
    %dma_wait3A_1104 = arith.constant 0 : i32
    %dma_wait3A_1105 = tpu.memref_slice %arg3[%get3A_608, %dma_wait3A_1104] : memref<32768x256xf32, #tpu.memory_space<hbm>> -> memref<1x256xf32, #tpu.memory_space<hbm>>
    %dma_wait3A_1106 = arith.constant 87 : i32
    %dma_wait3A_1107 = arith.constant 0 : i32
    %dma_wait3A_1108 = tpu.memref_slice %arg1[%dma_wait3A_1106, %dma_wait3A_1107] : memref<96x256xf32, #tpu.memory_space<vmem>> -> memref<1x256xf32, #tpu.memory_space<vmem>>
    tpu.wait_dma2 semaphore(%arg4 : memref<!tpu.dma_semaphore, #tpu.memory_space<semaphore_mem>>) src(%dma_wait3A_1108 : memref<1x256xf32, #tpu.memory_space<vmem>>) dst(%dma_wait3A_1105 : memref<1x256xf32, #tpu.memory_space<hbm>>)
    %dma_wait3A_1109 = arith.constant 0 : i32
    %dma_wait3A_1110 = tpu.memref_slice %arg3[%get3A_615, %dma_wait3A_1109] : memref<32768x256xf32, #tpu.memory_space<hbm>> -> memref<1x256xf32, #tpu.memory_space<hbm>>
    %dma_wait3A_1111 = arith.constant 88 : i32
    %dma_wait3A_1112 = arith.constant 0 : i32
    %dma_wait3A_1113 = tpu.memref_slice %arg1[%dma_wait3A_1111, %dma_wait3A_1112] : memref<96x256xf32, #tpu.memory_space<vmem>> -> memref<1x256xf32, #tpu.memory_space<vmem>>
    tpu.wait_dma2 semaphore(%arg4 : memref<!tpu.dma_semaphore, #tpu.memory_space<semaphore_mem>>) src(%dma_wait3A_1113 : memref<1x256xf32, #tpu.memory_space<vmem>>) dst(%dma_wait3A_1110 : memref<1x256xf32, #tpu.memory_space<hbm>>)
    %dma_wait3A_1114 = arith.constant 0 : i32
    %dma_wait3A_1115 = tpu.memref_slice %arg3[%get3A_622, %dma_wait3A_1114] : memref<32768x256xf32, #tpu.memory_space<hbm>> -> memref<1x256xf32, #tpu.memory_space<hbm>>
    %dma_wait3A_1116 = arith.constant 89 : i32
    %dma_wait3A_1117 = arith.constant 0 : i32
    %dma_wait3A_1118 = tpu.memref_slice %arg1[%dma_wait3A_1116, %dma_wait3A_1117] : memref<96x256xf32, #tpu.memory_space<vmem>> -> memref<1x256xf32, #tpu.memory_space<vmem>>
    tpu.wait_dma2 semaphore(%arg4 : memref<!tpu.dma_semaphore, #tpu.memory_space<semaphore_mem>>) src(%dma_wait3A_1118 : memref<1x256xf32, #tpu.memory_space<vmem>>) dst(%dma_wait3A_1115 : memref<1x256xf32, #tpu.memory_space<hbm>>)
    %dma_wait3A_1119 = arith.constant 0 : i32
    %dma_wait3A_1120 = tpu.memref_slice %arg3[%get3A_629, %dma_wait3A_1119] : memref<32768x256xf32, #tpu.memory_space<hbm>> -> memref<1x256xf32, #tpu.memory_space<hbm>>
    %dma_wait3A_1121 = arith.constant 90 : i32
    %dma_wait3A_1122 = arith.constant 0 : i32
    %dma_wait3A_1123 = tpu.memref_slice %arg1[%dma_wait3A_1121, %dma_wait3A_1122] : memref<96x256xf32, #tpu.memory_space<vmem>> -> memref<1x256xf32, #tpu.memory_space<vmem>>
    tpu.wait_dma2 semaphore(%arg4 : memref<!tpu.dma_semaphore, #tpu.memory_space<semaphore_mem>>) src(%dma_wait3A_1123 : memref<1x256xf32, #tpu.memory_space<vmem>>) dst(%dma_wait3A_1120 : memref<1x256xf32, #tpu.memory_space<hbm>>)
    %dma_wait3A_1124 = arith.constant 0 : i32
    %dma_wait3A_1125 = tpu.memref_slice %arg3[%get3A_636, %dma_wait3A_1124] : memref<32768x256xf32, #tpu.memory_space<hbm>> -> memref<1x256xf32, #tpu.memory_space<hbm>>
    %dma_wait3A_1126 = arith.constant 91 : i32
    %dma_wait3A_1127 = arith.constant 0 : i32
    %dma_wait3A_1128 = tpu.memref_slice %arg1[%dma_wait3A_1126, %dma_wait3A_1127] : memref<96x256xf32, #tpu.memory_space<vmem>> -> memref<1x256xf32, #tpu.memory_space<vmem>>
    tpu.wait_dma2 semaphore(%arg4 : memref<!tpu.dma_semaphore, #tpu.memory_space<semaphore_mem>>) src(%dma_wait3A_1128 : memref<1x256xf32, #tpu.memory_space<vmem>>) dst(%dma_wait3A_1125 : memref<1x256xf32, #tpu.memory_space<hbm>>)
    %dma_wait3A_1129 = arith.constant 0 : i32
    %dma_wait3A_1130 = tpu.memref_slice %arg3[%get3A_643, %dma_wait3A_1129] : memref<32768x256xf32, #tpu.memory_space<hbm>> -> memref<1x256xf32, #tpu.memory_space<hbm>>
    %dma_wait3A_1131 = arith.constant 92 : i32
    %dma_wait3A_1132 = arith.constant 0 : i32
    %dma_wait3A_1133 = tpu.memref_slice %arg1[%dma_wait3A_1131, %dma_wait3A_1132] : memref<96x256xf32, #tpu.memory_space<vmem>> -> memref<1x256xf32, #tpu.memory_space<vmem>>
    tpu.wait_dma2 semaphore(%arg4 : memref<!tpu.dma_semaphore, #tpu.memory_space<semaphore_mem>>) src(%dma_wait3A_1133 : memref<1x256xf32, #tpu.memory_space<vmem>>) dst(%dma_wait3A_1130 : memref<1x256xf32, #tpu.memory_space<hbm>>)
    %dma_wait3A_1134 = arith.constant 0 : i32
    %dma_wait3A_1135 = tpu.memref_slice %arg3[%get3A_650, %dma_wait3A_1134] : memref<32768x256xf32, #tpu.memory_space<hbm>> -> memref<1x256xf32, #tpu.memory_space<hbm>>
    %dma_wait3A_1136 = arith.constant 93 : i32
    %dma_wait3A_1137 = arith.constant 0 : i32
    %dma_wait3A_1138 = tpu.memref_slice %arg1[%dma_wait3A_1136, %dma_wait3A_1137] : memref<96x256xf32, #tpu.memory_space<vmem>> -> memref<1x256xf32, #tpu.memory_space<vmem>>
    tpu.wait_dma2 semaphore(%arg4 : memref<!tpu.dma_semaphore, #tpu.memory_space<semaphore_mem>>) src(%dma_wait3A_1138 : memref<1x256xf32, #tpu.memory_space<vmem>>) dst(%dma_wait3A_1135 : memref<1x256xf32, #tpu.memory_space<hbm>>)
    %dma_wait3A_1139 = arith.constant 0 : i32
    %dma_wait3A_1140 = tpu.memref_slice %arg3[%get3A_657, %dma_wait3A_1139] : memref<32768x256xf32, #tpu.memory_space<hbm>> -> memref<1x256xf32, #tpu.memory_space<hbm>>
    %dma_wait3A_1141 = arith.constant 94 : i32
    %dma_wait3A_1142 = arith.constant 0 : i32
    %dma_wait3A_1143 = tpu.memref_slice %arg1[%dma_wait3A_1141, %dma_wait3A_1142] : memref<96x256xf32, #tpu.memory_space<vmem>> -> memref<1x256xf32, #tpu.memory_space<vmem>>
    tpu.wait_dma2 semaphore(%arg4 : memref<!tpu.dma_semaphore, #tpu.memory_space<semaphore_mem>>) src(%dma_wait3A_1143 : memref<1x256xf32, #tpu.memory_space<vmem>>) dst(%dma_wait3A_1140 : memref<1x256xf32, #tpu.memory_space<hbm>>)
    %dma_wait3A_1144 = arith.constant 0 : i32
    %dma_wait3A_1145 = tpu.memref_slice %arg3[%get3A_664, %dma_wait3A_1144] : memref<32768x256xf32, #tpu.memory_space<hbm>> -> memref<1x256xf32, #tpu.memory_space<hbm>>
    %dma_wait3A_1146 = arith.constant 95 : i32
    %dma_wait3A_1147 = arith.constant 0 : i32
    %dma_wait3A_1148 = tpu.memref_slice %arg1[%dma_wait3A_1146, %dma_wait3A_1147] : memref<96x256xf32, #tpu.memory_space<vmem>> -> memref<1x256xf32, #tpu.memory_space<vmem>>
    tpu.wait_dma2 semaphore(%arg4 : memref<!tpu.dma_semaphore, #tpu.memory_space<semaphore_mem>>) src(%dma_wait3A_1148 : memref<1x256xf32, #tpu.memory_space<vmem>>) dst(%dma_wait3A_1145 : memref<1x256xf32, #tpu.memory_space<hbm>>)
    return
  }
}

</mosaic_0001>

<sc_bundles>
// kernel: kernel.5.cloned.1.call-start
scs
__scs_entry_jumppad:
0x0: {  	(pc) =	sbr.rel $0x88, $3  }
0x1: {  	(tag) =	ssettag $0x0;
	lr =	simm.s32 $0x1  }
0x2: {  	[smem:$0x3F9F] =	sst lr;
	_ =	strace $0xD0000000  }
0x3: {  	_ = 	snop  }
0x4: {  	_ = 	snop  }
0x5: {  	_ = 	snop  }
0x6: {  	_ = 	snop  }
0x7: {  	_ = 	snop  }
__scs_overlays_trampoline_lowered:
0x8: {  	[smem:$0x3FAE] =	sst s0  }
0x9: {  	[smem:$0x3FAF] =	sst s1  }
0xa: {  	[smem:$0x3FB0] =	sst s2  }
0xb: {  	[smem:$0x3FB1] =	sst s3  }
0xc: {  	[smem:$0x3FB2] =	sst s4  }
0xd: {  	[smem:$0x3FB3] =	sst s5  }
0xe: {  	[smem:$0x3FB4] =	sst s6  }
0xf: {  	[smem:$0x3FB5] =	sst s7  }
0x10: {  	[smem:$0x3FB6] =	sst s8  }
0x11: {  	[smem:$0x3FB7] =	sst s9;
	s0 =	simm.s32 @!p0 $0x0  }
0x12: {  	s1 =	sld [smem:$0x3F9D];
	s0 =	simm.s32 @p0 $0x1  }
0x13: {  	[smem:$0x3FB8] =	sst s0;
	s0 =	simm.s32 @!p1 $0x0  }
0x14: {  	s2 =	sld [smem:$0x3F9C];
	s0 =	simm.s32 @p1 $0x1  }
0x15: {  	[smem:$0x3FB9] =	sst s0;
	s0 =	simm.s32 @!p2 $0x0  }
0x16: {  	s3 =	sld [smem:$0x3FDB];
	s0 =	simm.s32 @p2 $0x1  }
0x17: {  	s4 =	simm.s32 $0x1BF5;
	[smem:$0x3FBB] =	sst s0  }
0x18: {  	s0 =	sld [smem:$0x3F9E];
	_ =	swait.ge [sflag:s4], $0x0  }
0x19: {  	s7 =	sld [smem:$0x3F9F]  }
0x1a: {  	s8 =	sadd.s32 $0xFFFFE003, lr  }
0x1b: {  	s9 =	sadd.s32 $0xFFFFFEF7, lr;
	s5 =	simm.s32 $0xFFFFFFFF;
	p2 =	slt.u32 s8, $0xFFFFF086  }
0x1c: {  	p1 =	slt.u32 s9, $0xF7A;
	s5 =	simm.s32 @!p2 $0x0  }
0x1d: {  	s5 =	simm.s32 @p1 $0x1;
	p0 =	seq.s32 s7, s2  }
0x1e: {  	s7 =	smul.u32 @!p0 $0xF7A, s2;
	p2 =	seq.s32 @!p0 s5, $0x0  }
0x1f: {  	s9 =	smul.u32 $0xF7A, s1;
	s8 =	simm.s32 @!p0 $0x1BF5;
	p2 =	por !p2, p0  }
0x20: {  	[sflag:s8] =	ssyncset.s32 @!p0 $0xFFFFF086;
	s6 =	sadd.s32 @!p0 s3, s7;
	s7 =	simm.s32 @!p0 $0x108  }
0x21: {  	s3 =	sadd.s32 s3, s9;
	s6 =	sadd.s32 @!p0 $0x88, s6;
	s7 =	simm.s32 @p2 $0x1082  }
0x22: {  	[simem:s7], [sflag:s8] =	dma.local @!p0 [hbm:s6], $0xF7A  }
0x23: {  	s9 =	sor.u32 $0xD0000000, s2;
	s6 =	simm.s32 $0x108;
	_ =	swait.ge @!p0 [sflag:s8], $0x0  }
0x24: {  	s3 =	sadd.s32 $0x88, s3;
	s6 =	simm.s32 @!p1 $0x1082;
	[sflag:s4] =	ssyncset.s32 $0xFFFFF086  }
0x25: {  	[simem:s6], [sflag:s4] =	dma.local [hbm:s3], $0xF7A  }
0x26: {  	[smem:$0x3F9F] =	sst s1;
	(tag) =	ssettag s2;
	_ =	strace s9  }
0x27: {  	s1 =	sld [smem:$0x3FAF]  }
0x28: {  	s2 =	sld [smem:$0x3FB0]  }
0x29: {  	s4 =	sld [smem:$0x3FB2]  }
0x2a: {  	p0 =	seq.s32 s5, $0x0;
	s5 =	sld [smem:$0x3FB3]  }
0x2b: {  	s6 =	sld [smem:$0x3FB4]  }
0x2c: {  	s7 =	sld [smem:$0x3FB5]  }
0x2d: {  	s3 =	simm.s32 $0x108;
	s8 =	sld [smem:$0x3FB6]  }
0x2e: {  	s3 =	simm.s32 @!p0 $0x1082;
	s9 =	sld [smem:$0x3FB7]  }
0x2f: {  	lr =	sadd.s32 s0, s3;
	s0 =	sld [smem:$0x3FAE]  }
0x30: {  	s3 =	sld [smem:$0x3FB1]  }
0x31: {  	[smem:$0x3FBA] =	sst s10  }
0x32: {  	s10 =	sld [smem:$0x3FB8];
	_ =	sdelay $0x3  }
0x33: {  	p0 =	seq.s32 s10, $0x1;
	s10 =	sld [smem:$0x3FBA];
	_ =	sdelay $0x3  }
0x34: {  	[smem:$0x3FBA] =	sst s10  }
0x35: {  	s10 =	sld [smem:$0x3FB9];
	_ =	sdelay $0x3  }
0x36: {  	p1 =	seq.s32 s10, $0x1;
	s10 =	sld [smem:$0x3FBA];
	_ =	sdelay $0x3  }
0x37: {  	[smem:$0x3FBA] =	sst s10  }
0x38: {  	s10 =	sld [smem:$0x3FBB]  }
0x39: {  	_ = 	snop;
	(pc) =	sbr.ind lr, $3  }
0x3a: {  	_ = 	snop  }
0x3b: {  	_ = 	snop  }
0x3c: {  	p2 =	seq.s32 s10, $0x1;
	s10 =	sld [smem:$0x3FBA]  }
0x3d: {  	_ =	shalt  }
0x3e: {  	_ =	shalt  }
0x3f: {  	_ =	shalt  }
0x40: {  	_ =	shalt  }
0x41: {  	_ =	shalt  }
0x42: {  	_ =	shalt  }
0x43: {  	_ =	shalt  }
0x44: {  	_ =	shalt  }
0x45: {  	_ =	shalt  }
0x46: {  	_ =	shalt  }
0x47: {  	_ =	shalt  }
0x48: {  	_ =	shalt  }
0x49: {  	_ =	shalt  }
0x4a: {  	_ =	shalt  }
0x4b: {  	_ =	shalt  }
0x4c: {  	_ =	shalt  }
0x4d: {  	_ =	shalt  }
0x4e: {  	_ =	shalt  }
0x4f: {  	_ =	shalt  }
0x50: {  	_ =	shalt  }
0x51: {  	_ =	shalt  }
0x52: {  	_ =	shalt  }
0x53: {  	_ =	shalt  }
0x54: {  	_ =	shalt  }
0x55: {  	_ =	shalt  }
0x56: {  	_ =	shalt  }
0x57: {  	_ =	shalt  }
0x58: {  	_ =	shalt  }
0x59: {  	_ =	shalt  }
0x5a: {  	_ =	shalt  }
0x5b: {  	_ =	shalt  }
0x5c: {  	_ =	shalt  }
0x5d: {  	_ =	shalt  }
0x5e: {  	_ =	shalt  }
0x5f: {  	_ =	shalt  }
0x60: {  	_ =	shalt  }
0x61: {  	_ =	shalt  }
0x62: {  	_ =	shalt  }
0x63: {  	_ =	shalt  }
0x64: {  	_ =	shalt  }
0x65: {  	_ =	shalt  }
0x66: {  	_ =	shalt  }
0x67: {  	_ =	shalt  }
0x68: {  	_ =	shalt  }
0x69: {  	_ =	shalt  }
0x6a: {  	_ =	shalt  }
0x6b: {  	_ =	shalt  }
0x6c: {  	_ =	shalt  }
0x6d: {  	_ =	shalt  }
0x6e: {  	_ =	shalt  }
0x6f: {  	_ =	shalt  }
0x70: {  	_ =	shalt  }
0x71: {  	_ =	shalt  }
0x72: {  	_ =	shalt  }
0x73: {  	_ =	shalt  }
0x74: {  	_ =	shalt  }
0x75: {  	_ =	shalt  }
0x76: {  	_ =	shalt  }
0x77: {  	_ =	shalt  }
0x78: {  	_ =	shalt  }
0x79: {  	_ =	shalt  }
0x7a: {  	_ =	shalt  }
0x7b: {  	_ =	shalt  }
0x7c: {  	_ =	shalt  }
0x7d: {  	_ =	shalt  }
0x7e: {  	_ =	shalt  }
0x7f: {  	_ =	shalt  }
0x80: {  	_ =	shalt  }
0x81: {  	_ =	shalt  }
0x82: {  	_ =	shalt  }
0x83: {  	_ =	shalt  }
0x84: {  	_ =	shalt  }
0x85: {  	_ =	shalt  }
0x86: {  	_ =	shalt  }
0x87: {  	_ =	shalt  }
.Lfunc_end0:
.L_simem_size_0:
called_computation_lowered:
.L_overlay_start_0:
0x88: {  	s0 =	sld [smem:$0x3FD9]  }
0x89: {  	s1 =	sld [smem:$0x3FFE];
	_ =	sdelay $0x3  }
0x8a: {  	s0 =	sadd.s32 s1, s0  }
0x8b: {  	[smem:$0x3FC6] =	sst s0  }
0x8c: {  	_ = 	snop  }
0x8d: {  	s0 =	sld [smem:$0x3FC9]  }
0x8e: {  	s16 =	sld [smem:$0x3FC8];
	(tm) =	ssettm $0x1  }
0x8f: {  	s2 =	sld [smem:$0x3FFB];
	_ =	sdelay $0x3  }
0x90: {  	_ =	strace s2  }
0x91: {  	s2 =	sld [smem:$0x3FFC];
	_ =	sdelay $0x3  }
0x92: {  	_ =	strace s2  }
0x93: {  	s2 =	sld [smem:$0x3FFD];
	_ =	sdelay $0x3  }
0x94: {  	_ =	strace s2  }
0x95: {  	_ =	strace $0x8FFFFFFF  }
0x96: {  	s17 =	sld [smem:$0x3FDB];
	_ =	sdelay $0x1  }
0x97: {  	s3 =	simm.s32 $_scs_section_size  }
0x98: {  	s4 =	simm.s32 $_size__tile_overlayer_lowered;
	s5 =	simm.s32 $_tile_overlayer_lowered  }
0x99: {  	s20 =	simm.s32 $0x1BFF;
	s19 =	sshll.u32 s5, $0x1;
	s2 =	sadd.s32 s3, s17  }
0x9a: {  	s6 =	simm.s32 $0x0;
	s18 =	sshll.u32 s4, $0x1;
	s4 =	sadd.s32 s19, s2  }
0x9b: {  	[timem:s6], [sflag:s20] =	dma.local [hbm:s4], s18  }
0x9c: {  	_ =	swait.ge [sflag:s20], s18  }
0x9d: {  	s3 =	ssub.s32 $0x0, s18;
	[sflag:s20] =	ssyncset.done $0x0  }
0x9e: {  	[sflag:s20] =	ssyncadd.s32 s3;
	_ =	sdelay $0x1  }
0x9f: {  	s21 =	simm.s32 $0x1B8B  }
0xa0: {  	_ =	swait.ge [sflag:s21], $0x1  }
0xa1: {  	[sflag:s21] =	ssyncset.done $0x0  }
0xa2: {  	s23 =	simm.s32 $0x1B8E;
	s22 =	sld [smem:$0x3FFE];
	[sflag:s21] =	ssyncadd.s32 $0xFFFFFFFF  }
0xa3: {  	s24 =	simm.s32 $execute0_lowered;
	[smem:$0x3FD2] =	sst s23  }
0xa4: {  	s4 =	sshll.u32 s24, $0x1;
	_ =	strace $0x80000046;
	[dreg:$0x1] =	wrdreg $0xFFFFFFFF  }
0xa5: {  	s25 =	simm.s32 $_size_execute0_lowered;
	s2 =	sadd.s32 s2, s4;
	[dreg:$0x0] =	wrdreg $0x0  }
0xa6: {  	s4 =	sshll.u32 s25, $0x1;
	[dreg:$0x2] =	wrdreg s2  }
0xa7: {  	[dreg:$0x3] =	wrdreg s4  }
0xa8: {  	[dreg:$0x4] =	wrdreg $0xC0  }
0xa9: {  	_ =	task [dreg:s6], $0x5FFFF  }
0xaa: {  	[dreg:$0x1] =	wrdreg $0xFFFFFFFF  }
0xab: {  	[dreg:$0x0] =	wrdreg $0x60  }
0xac: {  	[dreg:$0x2] =	wrdreg s16  }
0xad: {  	[dreg:$0x3] =	wrdreg s0  }
0xae: {  	[dreg:$0x4] =	wrdreg s22  }
0xaf: {  	[dreg:$0x5] =	wrdreg $0x9  }
0xb0: {  	_ =	task.clear_ibuf [dreg:s6], $0x6FFFF;
	_ =	strace $0x90000046  }
0xb1: {  	s26 =	simm.s32 $0x9;
	_ =	strace $0x80000048  }
0xb2: {  	_ =	swait.ge [sflag:s26], $0x1  }
0xb3: {  	[sflag:s26] =	ssyncadd.s32 $0xFFFFFFFF  }
0xb4: {  	_ =	strace $0x90000048  }
0xb5: {  	_ =	sfence  }
0xb6: {  	s28 =	sld [smem:$0x0];
	_ =	sdelay $0x1  }
0xb7: {  	s29 =	srdreg.scid  }
0xb8: {  	s30 =	sshll.u32 s29, $0xD;
	s31 =	sshrl.u32 s29, $0x2  }
0xb9: {  	s1 =	sand.u32 $0x1, s29;
	s2 =	sand.u32 $0x4000, s30;
	s0 =	sadd.s32 s31, s28  }
0xba: {  	s1 =	sor.u32 s2, s1;
	s0 =	sshll.u32 s0, $0x11  }
0xbb: {  	s0 =	sor.u32 s0, s1  }
0xbc: {  	s0 =	sadd.s32 $0x8F2B, s0  }
0xbd: {  	[sflag:s0] =	ssyncadd.remote.s32 $0x1  }
0xbe: {  	_ =	sfence.sel $0xFFFF  }
0xbf: {  	[dreg:$0x0] =	wrdreg $0xFFFFFFFF;
	(pc) =	sbr.abs _section_cstart, $3  }
0xc0: {  	[dreg:$0x1] =	wrdreg $0xFFFFFFFF  }
0xc1: {  	_ =	task.clear_ibuf [dreg:s6], $0x2FFFF;
	_ =	strace $0x9FFFFFFF  }
0xc2: {  	(tm) =	ssettm $0x7FFFFFFF  }
0xc3: {  	_ =	shalt  }
tec
execute0_lowered:
.L_overlay_start_1:
0x0: {  	(tag) =	ssettag $0x1  }
0x1: {  	s0 =	rddreg [dreg:$0x0]  }
0x2: {  	_ =	strace $0x80000047;
	s1 =	simm.s32 $0x0;
	s15 =	simm.s32 $0x2;
	v0 =	vimm.s32 $0xFFEDCBA9  }
0x3: {  	vm14 =	vcmask $0x300;
	[tilespmem:s1], [sflag:$0x2] =	stream.linear.gather [hbm4b:s0+s1], $0x10, $0x38;
	v1 =	vunpack.c.l.s4.s8 v0;
	v0 =	vimm.s32 $0x51D29AF8;
	[tilespmem:$0x6180] =	vst v63  }
0x4: {  	v2 =	vimm.s32 $0x87654321;
	vm13 =	vcmask $0x704;
	_ =	swait.ge [sflag:s15], $0x10;
	v0 =	vsel vm14, $0x58B18B7F, v0  }
0x5: {  	vm12 =	vcmask $0xB08;
	v2 =	vunpack.c.l.s4.s8 v2;
	[sflag:s15] =	ssyncset.done $0x0;
	v3 =	vsel vm13, $0x55C6EC31, v0  }
0x6: {  	vm11 =	vcmask $0xF0C;
	vm10 =	vcmask $0x1310;
	[sflag:s15] =	ssyncadd.s32 $0xFFFFFFF0;
	v3 =	vsel vm12, $0x24515AD5, v3  }
0x7: {  	v1 =	vunpack.c.0.s8.s32 v1;
	v2 =	vunpack.c.0.s8.s32 v2;
	v0 =	vld [tilespmem:$0x0];
	v3 =	vsel vm11, $0xF82D96F, v3  }
0x8: {  	vm9 =	vcmask $0x1714;
	v3 =	vsel vm10, $0x7E48C350, v3  }
0x9: {  	vm8 =	vcmask $0x1B18;
	v1 =	vcombine.low v2, v1;
	v2 =	vsel vm9, $0x44F36A8A, v3  }
0xa: {  	vm7 =	vcmask $0x1F1C;
	v2 =	vsel vm8, $0x3DBADC97, v2  }
0xb: {  	vm6 =	vcmask $0x2320;
	vm5 =	vcmask $0x2724;
	v2 =	vsel vm7, $0x4AA533EA, v2  }
0xc: {  	v3 =	vlaneseq.u32;
	v1 =	vperm.xlane v0, v1;
	v2 =	vsel vm6, $0x79A31981, v2  }
0xd: {  	vm4 =	vcmask $0x2B28;
	vm0 =	veq.s32 v3, $0xF;
	v2 =	vsel vm5, $0x6298D960, v2  }
0xe: {  	vm1 =	vcmask $0x2F2C;
	v1 =	vsel vm0, $0x8000, v1;
	v2 =	vsel vm4, $0x254BF13F, v2  }
0xf: {  	vm2 =	vcmask $0x3330;
	v1 =	vsub.s32 v1, v0;
	v2 =	vsel vm1, $0x7C6147A3, v2  }
0x10: {  	vm3 =	vcmask $0x3734;
	vm15 =	vgt.s32 v1, $0x1;
	v2 =	vsel vm2, $0x6FC192A8, v2  }
0x11: {  	v1 =	vnsel vm15, $0x1, v1;
	v2 =	vsel vm3, $0x7D9CE94A, v2;
	vm15 =	vcmask $0x3B38  }
0x12: {  	(v2sf) =	vpush v1, $0x0;
	v2 =	vsel vm15, $0x362E7227, v2  }
0x13: {  	(v2sf) =	vpush v2, $0x0  }
0x14: {  	(v2sf) =	vpush v1, $0xF  }
0x15: {  	(v2sf) =	vpush v2, $0xF  }
0x16: {  	(v2sf) =	vpush v1, $0x1  }
0x17: {  	(v2sf) =	vpush v2, $0x1  }
0x18: {  	(v2sf) =	vpush v1, $0x2  }
0x19: {  	(v2sf) =	vpush v2, $0x2  }
0x1a: {  	(v2sf) =	vpush v1, $0x3  }
0x1b: {  	(v2sf) =	vpush v2, $0x3  }
0x1c: {  	(v2sf) =	vpush v1, $0x4  }
0x1d: {  	(v2sf) =	vpush v2, $0x4  }
0x1e: {  	(v2sf) =	vpush v1, $0x5  }
0x1f: {  	(v2sf) =	vpush v2, $0x5  }
0x20: {  	(v2sf) =	vpush v1, $0x6  }
0x21: {  	s0 =	spop (v2sf);
	(v2sf) =	vpush v2, $0x6  }
0x22: {  	v3 =	vimm.s32 $0x1DE6889C;
	s16 =	spop (v2sf);
	(v2sf) =	vpush v1, $0x7  }
0x23: {  	v3 =	vsel vm14, $0x66423D35, v3;
	s1 =	spop (v2sf);
	(v2sf) =	vpush v2, $0x7  }
0x24: {  	v3 =	vsel vm13, $0xFC2B441, v3;
	s17 =	spop (v2sf);
	(v2sf) =	vpush v1, $0x8  }
0x25: {  	v3 =	vsel vm12, $0x547CDEF6, v3;
	s2 =	spop (v2sf);
	(v2sf) =	vpush v2, $0x8  }
0x26: {  	v3 =	vsel vm11, $0x56DCD78C, v3;
	s18 =	spop (v2sf);
	(v2sf) =	vpush v1, $0x9  }
0x27: {  	v3 =	vsel vm10, $0x509B6247, v3;
	s4 =	spop (v2sf);
	(v2sf) =	vpush v2, $0x9  }
0x28: {  	v3 =	vsel vm9, $0x2A01BD70, v3;
	s19 =	spop (v2sf);
	(v2sf) =	vpush v1, $0xA  }
0x29: {  	v3 =	vsel vm8, $0xC3788C1, v3;
	s6 =	spop (v2sf);
	(v2sf) =	vpush v2, $0xA  }
0x2a: {  	v3 =	vsel vm7, $0x7F09427C, v3;
	s20 =	spop (v2sf);
	(v2sf) =	vpush v1, $0xB  }
0x2b: {  	v3 =	vsel vm6, $0x487A131D, v3;
	s8 =	spop (v2sf);
	(v2sf) =	vpush v2, $0xB  }
0x2c: {  	v3 =	vsel vm5, $0x4FFC77D8, v3;
	s21 =	spop (v2sf);
	(v2sf) =	vpush v1, $0xC  }
0x2d: {  	v3 =	vsel vm4, $0x732AB5B2, v3;
	s3 =	spop (v2sf);
	(v2sf) =	vpush v2, $0xC  }
0x2e: {  	v3 =	vsel vm1, $0x770D3711, v3;
	s22 =	spop (v2sf);
	(v2sf) =	vpush v1, $0xD  }
0x2f: {  	v3 =	vsel vm2, $0x2C7220E1, v3;
	s5 =	spop (v2sf);
	(v2sf) =	vpush v2, $0xD  }
0x30: {  	s23 =	spop (v2sf);
	(v2sf) =	vpush v1, $0xE;
	v1 =	vsel vm3, $0x7629596C, v3  }
0x31: {  	s7 =	spop (v2sf);
	(v2sf) =	vpush v2, $0xE;
	v1 =	vsel vm15, $0x4472DCF4, v1  }
0x32: {  	v2 =	vimm.s32 $0x6302DEFD;
	s24 =	spop (v2sf);
	(v2sf) =	vpush v1, $0x0  }
0x33: {  	v2 =	vsel vm14, $0x308C3A18, v2;
	s9 =	spop (v2sf);
	(v2sf) =	vpush v1, $0xF  }
0x34: {  	v2 =	vsel vm13, $0x20AEEC3, v2;
	s25 =	spop (v2sf);
	(v2sf) =	vpush v1, $0x1  }
0x35: {  	v2 =	vsel vm12, $0x390A9DFB, v2;
	s10 =	spop (v2sf);
	(v2sf) =	vpush v1, $0x2  }
0x36: {  	v2 =	vsel vm11, $0x4D671540, v2;
	s26 =	spop (v2sf);
	(v2sf) =	vpush v1, $0x3  }
0x37: {  	v2 =	vsel vm10, $0x696343FE, v2;
	(v2sf) =	vpush v1, $0x4;
	s12 =	spop (v2sf)  }
0x38: {  	v2 =	vsel vm9, $0x15940162, v2;
	(v2sf) =	vpush v1, $0x5;
	s28 =	spop (v2sf)  }
0x39: {  	v2 =	vsel vm8, $0x5120F80B, v2;
	(v2sf) =	vpush v1, $0x6;
	s13 =	spop (v2sf)  }
0x3a: {  	v2 =	vsel vm7, $0x3EF2C823, v2;
	(v2sf) =	vpush v1, $0x7;
	s29 =	spop (v2sf)  }
0x3b: {  	v2 =	vsel vm6, $0x2227D640, v2;
	(v2sf) =	vpush v1, $0x8;
	s15 =	spop (v2sf)  }
0x3c: {  	v2 =	vsel vm5, $0x3965E215, v2;
	(v2sf) =	vpush v1, $0x9;
	s30 =	spop (v2sf)  }
0x3d: {  	[dreg:$0x7] =	wrdreg s16;
	v2 =	vsel vm4, $0x30395F7F, v2;
	(v2sf) =	vpush v1, $0xA;
	s16 =	spop (v2sf)  }
0x3e: {  	v2 =	vsel vm1, $0x472C20DC, v2;
	(v2sf) =	vpush v1, $0xB;
	s31 =	spop (v2sf)  }
0x3f: {  	v2 =	vsel vm2, $0x3B5A11CC, v2;
	(v2sf) =	vpush v1, $0xC;
	s11 =	spop (v2sf)  }
0x40: {  	v2 =	vsel vm3, $0x2423C241, v2;
	(v2sf) =	vpush v1, $0xD;
	s14 =	spop (v2sf)  }
0x41: {  	[dreg:$0x8] =	wrdreg s14;
	(v2sf) =	vpush v1, $0xE;
	v1 =	vsel vm15, $0x6E632B9F, v2;
	s14 =	spop (v2sf)  }
0x42: {  	v2 =	vimm.s32 $0x35D2474C;
	[dreg:$0x6] =	wrdreg s14;
	(v2sf) =	vpush v1, $0x0;
	s14 =	spop (v2sf)  }
0x43: {  	v2 =	vsel vm14, $0x77E74FB1, v2;
	[dreg:$0x9] =	wrdreg s14;
	(v2sf) =	vpush v1, $0xF;
	s14 =	spop (v2sf)  }
0x44: {  	v2 =	vsel vm13, $0x441132E3, v2;
	[dreg:$0xb] =	wrdreg s14;
	(v2sf) =	vpush v1, $0x1;
	s14 =	spop (v2sf)  }
0x45: {  	v2 =	vsel vm12, $0xDE776B7, v2;
	[dreg:$0xc] =	wrdreg s14;
	(v2sf) =	vpush v1, $0x2;
	s14 =	spop (v2sf)  }
0x46: {  	v2 =	vsel vm11, $0x6C345D58, v2;
	[dreg:$0xd] =	wrdreg s14;
	(v2sf) =	vpush v1, $0x3;
	s14 =	spop (v2sf)  }
0x47: {  	v2 =	vsel vm10, $0x48576292, v2;
	[dreg:$0xe] =	wrdreg s14;
	(v2sf) =	vpush v1, $0x4;
	s14 =	spop (v2sf)  }
0x48: {  	v2 =	vsel vm9, $0x6E560747, v2;
	[dreg:$0x11] =	wrdreg s14;
	(v2sf) =	vpush v1, $0x5;
	s14 =	spop (v2sf)  }
0x49: {  	v2 =	vsel vm8, $0x3ECE20DA, v2;
	[dreg:$0x12] =	wrdreg s14;
	(v2sf) =	vpush v1, $0x6;
	s14 =	spop (v2sf)  }
0x4a: {  	v2 =	vsel vm7, $0x71A686D9, v2;
	[dreg:$0x14] =	wrdreg s14;
	(v2sf) =	vpush v1, $0x7;
	s14 =	spop (v2sf)  }
0x4b: {  	v2 =	vsel vm6, $0x47D81788, v2;
	[dreg:$0x15] =	wrdreg s14;
	(v2sf) =	vpush v1, $0x8;
	s14 =	spop (v2sf)  }
0x4c: {  	v2 =	vsel vm5, $0x75A31B51, v2;
	[dreg:$0x17] =	wrdreg s14;
	(v2sf) =	vpush v1, $0x9;
	s14 =	spop (v2sf)  }
0x4d: {  	v2 =	vsel vm4, $0x4F6F201D, v2;
	[dreg:$0x18] =	wrdreg s14;
	(v2sf) =	vpush v1, $0xA;
	s14 =	spop (v2sf)  }
0x4e: {  	v2 =	vsel vm1, $0x1DB9E877, v2;
	[dreg:$0x19] =	wrdreg s14;
	(v2sf) =	vpush v1, $0xB;
	s14 =	spop (v2sf)  }
0x4f: {  	v2 =	vsel vm2, $0x492D39D6, v2;
	[dreg:$0x1c] =	wrdreg s14;
	(v2sf) =	vpush v1, $0xC;
	s14 =	spop (v2sf)  }
0x50: {  	v2 =	vsel vm3, $0x6ADA64EE, v2;
	[dreg:$0x1a] =	wrdreg s14;
	(v2sf) =	vpush v1, $0xD;
	s14 =	spop (v2sf)  }
0x51: {  	[dreg:$0x1d] =	wrdreg s14;
	(v2sf) =	vpush v1, $0xE;
	v1 =	vsel vm15, $0x270A14A8, v2;
	s14 =	spop (v2sf)  }
0x52: {  	[dreg:$0x1e] =	wrdreg s14;
	(v2sf) =	vpush v1, $0x0;
	s14 =	spop (v2sf)  }
0x53: {  	v2 =	vimm.s32 $0x1EA5848;
	[dreg:$0x1f] =	wrdreg s14;
	(v2sf) =	vpush v1, $0xF;
	s14 =	spop (v2sf)  }
0x54: {  	v2 =	vsel vm14, $0x23A74777, v2;
	[smem:$0x799] =	sst s14;
	(v2sf) =	vpush v1, $0x1;
	s14 =	spop (v2sf)  }
0x55: {  	v2 =	vsel vm13, $0x545F2E78, v2;
	[smem:$0x79A] =	sst s14;
	(v2sf) =	vpush v1, $0x2;
	s14 =	spop (v2sf)  }
0x56: {  	v2 =	vsel vm12, $0x56E60A86, v2;
	[smem:$0x79B] =	sst s14;
	(v2sf) =	vpush v1, $0x3;
	s14 =	spop (v2sf)  }
0x57: {  	v2 =	vsel vm11, $0x4187DBD8, v2;
	[smem:$0x79C] =	sst s14;
	(v2sf) =	vpush v1, $0x4;
	s14 =	spop (v2sf)  }
0x58: {  	v2 =	vsel vm10, $0x7305CB1F, v2;
	[smem:$0x79D] =	sst s14;
	(v2sf) =	vpush v1, $0x5;
	s14 =	spop (v2sf)  }
0x59: {  	v2 =	vsel vm9, $0x62594237, v2;
	[smem:$0x79E] =	sst s14;
	(v2sf) =	vpush v1, $0x6;
	s14 =	spop (v2sf)  }
0x5a: {  	v2 =	vsel vm8, $0x2219C969, v2;
	[smem:$0x79F] =	sst s14;
	(v2sf) =	vpush v1, $0x7;
	s14 =	spop (v2sf)  }
0x5b: {  	v2 =	vsel vm7, $0x13C7FAD4, v2;
	[smem:$0x7A0] =	sst s14;
	(v2sf) =	vpush v1, $0x8;
	s14 =	spop (v2sf)  }
0x5c: {  	v2 =	vsel vm6, $0x153801D9, v2;
	[smem:$0x7A1] =	sst s14;
	(v2sf) =	vpush v1, $0x9;
	s14 =	spop (v2sf)  }
0x5d: {  	v2 =	vsel vm5, $0x5E7D1B6A, v2;
	[smem:$0x7A2] =	sst s14;
	(v2sf) =	vpush v1, $0xA;
	s14 =	spop (v2sf)  }
0x5e: {  	v2 =	vsel vm4, $0x7A710562, v2;
	[smem:$0x7A3] =	sst s14;
	(v2sf) =	vpush v1, $0xB;
	s14 =	spop (v2sf)  }
0x5f: {  	v2 =	vsel vm1, $0x54536BE2, v2;
	[smem:$0x7A4] =	sst s14;
	(v2sf) =	vpush v1, $0xC;
	s14 =	spop (v2sf)  }
0x60: {  	v2 =	vsel vm2, $0x1A6037F5, v2;
	[smem:$0x7A5] =	sst s14;
	(v2sf) =	vpush v1, $0xD  }
0x61: {  	v2 =	vsel vm3, $0x6B4A9DBF, v2;
	s14 =	spop (v2sf)  }
0x62: {  	[smem:$0x7A6] =	sst s14;
	(v2sf) =	vpush v1, $0xE;
	v1 =	vsel vm15, $0x4F00788C, v2;
	s14 =	spop (v2sf)  }
0x63: {  	[smem:$0x7A7] =	sst s14;
	(v2sf) =	vpush v1, $0x0;
	s14 =	spop (v2sf)  }
0x64: {  	[smem:$0x7A8] =	sst s14;
	(v2sf) =	vpush v1, $0xF;
	s14 =	spop (v2sf)  }
0x65: {  	[smem:$0x7A9] =	sst s14;
	(v2sf) =	vpush v1, $0x1;
	s14 =	spop (v2sf)  }
0x66: {  	[smem:$0x7AA] =	sst s14;
	(v2sf) =	vpush v1, $0x2;
	s14 =	spop (v2sf)  }
0x67: {  	[smem:$0x7AB] =	sst s14;
	(v2sf) =	vpush v1, $0x3;
	s14 =	spop (v2sf)  }
0x68: {  	[smem:$0x7AC] =	sst s14;
	(v2sf) =	vpush v1, $0x4;
	s14 =	spop (v2sf)  }
0x69: {  	v2 =	vimm.s32 $0x1AD0B01A;
	[smem:$0x7AD] =	sst s14;
	(v2sf) =	vpush v1, $0x5;
	s14 =	spop (v2sf)  }
0x6a: {  	v2 =	vsel vm14, $0x300A07, v2;
	[smem:$0x7AE] =	sst s14;
	(v2sf) =	vpush v1, $0x6;
	s14 =	spop (v2sf)  }
0x6b: {  	v2 =	vsel vm13, $0x22456244, v2;
	[smem:$0x7AF] =	sst s14;
	(v2sf) =	vpush v1, $0x7;
	s14 =	spop (v2sf)  }
0x6c: {  	v2 =	vsel vm12, $0x47389661, v2;
	[smem:$0x7B0] =	sst s14;
	(v2sf) =	vpush v1, $0x8;
	s14 =	spop (v2sf)  }
0x6d: {  	v2 =	vsel vm11, $0x31923FE4, v2;
	[smem:$0x7B1] =	sst s14;
	s14 =	spop (v2sf)  }
0x6e: {  	v2 =	vsel vm10, $0x3EB1494B, v2;
	[smem:$0x7B2] =	sst s14;
	s14 =	spop (v2sf)  }
0x6f: {  	v2 =	vsel vm9, $0x7D802CFC, v2;
	(v2sf) =	vpush v1, $0x9;
	[smem:$0x7B3] =	sst s14;
	s14 =	spop (v2sf)  }
0x70: {  	v2 =	vsel vm8, $0x24EC8726, v2;
	[smem:$0x7B4] =	sst s14;
	s14 =	spop (v2sf)  }
0x71: {  	v2 =	vsel vm7, $0x489419BF, v2;
	(v2sf) =	vpush v1, $0xA;
	[smem:$0x7B5] =	sst s14;
	s14 =	spop (v2sf)  }
0x72: {  	v2 =	vsel vm6, $0x7552E9C5, v2;
	(v2sf) =	vpush v1, $0xB;
	[smem:$0x7B6] =	sst s14;
	s14 =	spop (v2sf)  }
0x73: {  	v2 =	vsel vm5, $0x796953A0, v2;
	[smem:$0x7B7] =	sst s14;
	s14 =	spop (v2sf)  }
0x74: {  	v2 =	vsel vm4, $0x4CADE877, v2;
	(v2sf) =	vpush v1, $0xC;
	[smem:$0x7B8] =	sst s14;
	s14 =	spop (v2sf)  }
0x75: {  	v2 =	vsel vm1, $0x714159DF, v2;
	(v2sf) =	vpush v1, $0xD;
	[smem:$0x7B9] =	sst s14;
	s14 =	spop (v2sf)  }
0x76: {  	v2 =	vsel vm2, $0x3D435F2A, v2;
	[smem:$0x7BA] =	sst s14;
	s14 =	spop (v2sf)  }
0x77: {  	v2 =	vsel vm3, $0x566F1C82, v2;
	(v2sf) =	vpush v1, $0xE;
	[smem:$0x7BB] =	sst s14;
	s14 =	spop (v2sf)  }
0x78: {  	v1 =	vsel vm15, $0x4462823E, v2;
	[smem:$0x7BC] =	sst s14;
	s14 =	spop (v2sf)  }
0x79: {  	(v2sf) =	vpush v1, $0x0;
	[smem:$0x7BD] =	sst s14;
	s14 =	spop (v2sf)  }
0x7a: {  	(v2sf) =	vpush v1, $0xF;
	[smem:$0x7BF] =	sst s14;
	s14 =	spop (v2sf)  }
0x7b: {  	[smem:$0x7C0] =	sst s14;
	s14 =	spop (v2sf)  }
0x7c: {  	(v2sf) =	vpush v1, $0x1;
	[smem:$0x7C2] =	sst s14  }
0x7d: {  	s14 =	rddreg [dreg:$0x7]  }
0x7e: {  	(drf) =	srem.u32 s14, s0;
	s14 =	spop (v2sf)  }
0x7f: {  	[smem:$0x7C3] =	sst s14  }
0x80: {  	(v2sf) =	vpush v1, $0x2;
	(drf) =	srem.u32 s17, s1;
	s17 =	spop (v2sf)  }
0x81: {  	[smem:$0x7C5] =	sst s17;
	s17 =	spop (v2sf)  }
0x82: {  	(drf) =	srem.u32 s18, s2;
	[smem:$0x7C8] =	sst s17  }
0x83: {  	s17 =	spop (v2sf);
	(drf) =	srem.u32 s19, s4  }
0x84: {  	[dreg:$0x1b] =	wrdreg s17;
	s18 =	spop (v2sf)  }
0x85: {  	(drf) =	srem.u32 s20, s6;
	[dreg:$0x16] =	wrdreg s18  }
0x86: {  	s19 =	spop (v2sf);
	s18 =	rddreg [dreg:$0x6]  }
0x87: {  	(drf) =	srem.u32 s21, s8;
	[dreg:$0xf] =	wrdreg s19  }
0x88: {  	(v2sf) =	vpush v1, $0x3;
	s20 =	spop (v2sf);
	(drf) =	srem.u32 s22, s3  }
0x89: {  	[dreg:$0x10] =	wrdreg s20;
	s21 =	spop (v2sf)  }
0x8a: {  	(drf) =	srem.u32 s23, s5;
	s20 =	rddreg [dreg:$0x9]  }
0x8b: {  	[dreg:$0xa] =	wrdreg s21;
	s22 =	spop (v2sf)  }
0x8c: {  	[dreg:$0x4] =	wrdreg s22;
	s19 =	spop (drf)  }
0x8d: {  	(drf) =	srem.u32 s24, s7;
	s22 =	rddreg [dreg:$0xb]  }
0x8e: {  	s24 =	spop (drf);
	(drf) =	srem.u32 s25, s9  }
0x8f: {  	s25 =	spop (v2sf);
	[smem:$0x7BE] =	sst s24  }
0x90: {  	[dreg:$0x5] =	wrdreg s25;
	(drf) =	srem.u32 s26, s10  }
0x91: {  	s23 =	spop (drf);
	s26 =	rddreg [dreg:$0xc]  }
0x92: {  	(drf) =	srem.u32 s28, s12;
	s28 =	spop (drf)  }
0x93: {  	[smem:$0x7C1] =	sst s28;
	(drf) =	srem.u32 s29, s13  }
0x94: {  	(v2sf) =	vpush v1, $0x4;
	s28 =	spop (drf);
	(drf) =	srem.u32 s30, s15  }
0x95: {  	s25 =	spop (drf);
	s30 =	rddreg [dreg:$0x8]  }
0x96: {  	s14 =	smov.u32 s13;
	(drf) =	srem.u32 s31, s16;
	s29 =	spop (drf)  }
0x97: {  	s13 =	smov.u32 s11;
	s31 =	spop (v2sf);
	[smem:$0x7C6] =	sst s29  }
0x98: {  	(drf) =	srem.u32 s30, s13;
	[dreg:$0x13] =	wrdreg s31  }
0x99: {  	s17 =	spop (drf);
	s30 =	rddreg [dreg:$0xd]  }
0x9a: {  	[smem:$0x7C9] =	sst s17;
	(drf) =	srem.u32 s18, s0  }
0x9b: {  	s31 =	spop (drf);
	(drf) =	srem.u32 s20, s1  }
0x9c: {  	s20 =	rddreg [dreg:$0xe];
	s21 =	spop (drf)  }
0x9d: {  	(drf) =	srem.u32 s22, s2;
	s22 =	rddreg [dreg:$0x11]  }
0x9e: {  	(v2sf) =	vpush v1, $0x5;
	[smem:$0x7CC] =	sst s21;
	s24 =	spop (drf)  }
0x9f: {  	(drf) =	srem.u32 s26, s4;
	s26 =	rddreg [dreg:$0x12]  }
0xa0: {  	[smem:$0x7CE] =	sst s24;
	s29 =	spop (drf)  }
0xa1: {  	(drf) =	srem.u32 s30, s6;
	s30 =	rddreg [dreg:$0x14]  }
0xa2: {  	[smem:$0x7D1] =	sst s29;
	s17 =	spop (drf)  }
0xa3: {  	s29 =	spop (v2sf);
	[smem:$0x7D3] =	sst s17  }
0xa4: {  	(drf) =	srem.u32 s20, s8;
	[smem:$0x7DB] =	sst s29  }
0xa5: {  	s18 =	spop (drf);
	s29 =	rddreg [dreg:$0x19]  }
0xa6: {  	(drf) =	srem.u32 s22, s3;
	[smem:$0x7D5] =	sst s18  }
0xa7: {  	s21 =	spop (drf);
	s18 =	rddreg [dreg:$0x15]  }
0xa8: {  	(drf) =	srem.u32 s26, s5;
	[smem:$0x7D8] =	sst s21  }
0xa9: {  	s24 =	spop (drf);
	s21 =	rddreg [dreg:$0x17]  }
0xaa: {  	(drf) =	srem.u32 s30, s7;
	[smem:$0x7DC] =	sst s24  }
0xab: {  	s17 =	spop (drf);
	s24 =	rddreg [dreg:$0x18]  }
0xac: {  	(drf) =	srem.u32 s18, s9;
	[smem:$0x7C7] =	sst s17  }
0xad: {  	s18 =	spop (v2sf);
	s17 =	rddreg [dreg:$0x1c]  }
0xae: {  	s20 =	spop (drf);
	[smem:$0x7E1] =	sst s18  }
0xaf: {  	s11 =	smov.u32 s10;
	(drf) =	srem.u32 s21, s10;
	s21 =	rddreg [dreg:$0x1a]  }
0xb0: {  	s10 =	smov.u32 s12;
	[smem:$0x7C4] =	sst s20;
	s22 =	spop (drf)  }
0xb1: {  	(drf) =	srem.u32 s24, s10;
	s24 =	rddreg [dreg:$0x1d]  }
0xb2: {  	[smem:$0x7CA] =	sst s22;
	s26 =	spop (drf)  }
0xb3: {  	(drf) =	srem.u32 s29, s14;
	s29 =	rddreg [dreg:$0x1e]  }
0xb4: {  	[smem:$0x7CB] =	sst s26;
	s30 =	spop (drf)  }
0xb5: {  	(v2sf) =	vpush v1, $0x6;
	(drf) =	srem.u32 s17, s15;
	s17 =	rddreg [dreg:$0x1f]  }
0xb6: {  	[smem:$0x7CD] =	sst s30;
	s20 =	spop (drf)  }
0xb7: {  	(drf) =	srem.u32 s21, s16;
	[smem:$0x7CF] =	sst s20  }
0xb8: {  	s22 =	spop (drf);
	s20 =	sld [smem:$0x799]  }
0xb9: {  	(drf) =	srem.u32 s24, s13;
	s24 =	sld [smem:$0x79A]  }
0xba: {  	[smem:$0x7D0] =	sst s22;
	s26 =	spop (drf)  }
0xbb: {  	(drf) =	srem.u32 s29, s0;
	s29 =	sld [smem:$0x79B]  }
0xbc: {  	[smem:$0x7D2] =	sst s26;
	s30 =	spop (drf)  }
0xbd: {  	(drf) =	srem.u32 s17, s1;
	s17 =	sld [smem:$0x79C]  }
0xbe: {  	[smem:$0x7D4] =	sst s30;
	s18 =	spop (drf)  }
0xbf: {  	(v2sf) =	vpush v1, $0x7;
	(drf) =	srem.u32 s20, s2;
	s20 =	sld [smem:$0x79D]  }
0xc0: {  	[smem:$0x7D6] =	sst s18  }
0xc1: {  	s21 =	spop (drf);
	(drf) =	srem.u32 s24, s4  }
0xc2: {  	[smem:$0x7D9] =	sst s21;
	s22 =	spop (drf)  }
0xc3: {  	(drf) =	srem.u32 s29, s6;
	s29 =	sld [smem:$0x7A0]  }
0xc4: {  	s18 =	spop (v2sf);
	[smem:$0x7DD] =	sst s22  }
0xc5: {  	[smem:$0x7E5] =	sst s18  }
0xc6: {  	s26 =	spop (drf);
	s22 =	sld [smem:$0x79E]  }
0xc7: {  	[smem:$0x7DF] =	sst s26  }
0xc8: {  	s30 =	spop (drf);
	s26 =	sld [smem:$0x79F]  }
0xc9: {  	(drf) =	srem.u32 s17, s8;
	s17 =	sld [smem:$0x7A2]  }
0xca: {  	[smem:$0x7E2] =	sst s30;
	(drf) =	srem.u32 s20, s3  }
0xcb: {  	s21 =	spop (drf);
	s30 =	sld [smem:$0x7A1]  }
0xcc: {  	[smem:$0x7E6] =	sst s21;
	(drf) =	srem.u32 s22, s5  }
0xcd: {  	s24 =	spop (drf);
	s21 =	sld [smem:$0x7A3]  }
0xce: {  	s20 =	spop (v2sf);
	[smem:$0x7EA] =	sst s24  }
0xcf: {  	(drf) =	srem.u32 s26, s7;
	[smem:$0x7E9] =	sst s20  }
0xd0: {  	s22 =	spop (drf);
	s24 =	sld [smem:$0x7A4]  }
0xd1: {  	s26 =	sld [smem:$0x7A5];
	(drf) =	srem.u32 s29, s9  }
0xd2: {  	s18 =	spop (drf);
	(drf) =	srem.u32 s30, s11  }
0xd3: {  	s29 =	spop (drf);
	s30 =	sld [smem:$0x7A6]  }
0xd4: {  	s12 =	smov.u32 s14;
	(drf) =	srem.u32 s17, s10;
	s17 =	spop (drf)  }
0xd5: {  	(drf) =	srem.u32 s21, s12;
	s20 =	spop (drf)  }
0xd6: {  	(drf) =	srem.u32 s24, s15;
	s21 =	spop (drf)  }
0xd7: {  	(drf) =	srem.u32 s26, s16;
	s26 =	sld [smem:$0x7A7]  }
0xd8: {  	s24 =	spop (drf)  }
0xd9: {  	(drf) =	srem.u32 s30, s13;
	s30 =	spop (drf)  }
0xda: {  	(drf) =	srem.u32 s26, s0;
	s26 =	spop (drf)  }
0xdb: {  	(v2sf) =	vpush v1, $0x8;
	[smem:$0x7D7] =	sst s26;
	s26 =	spop (drf)  }
0xdc: {  	[smem:$0x7DA] =	sst s26  }
0xdd: {  	s26 =	sld [smem:$0x7A8];
	_ =	sdelay $0x2  }
0xde: {  	(drf) =	srem.u32 s26, s1;
	s26 =	spop (drf)  }
0xdf: {  	[smem:$0x7DE] =	sst s26  }
0xe0: {  	s26 =	sld [smem:$0x7A9];
	_ =	sdelay $0x2  }
0xe1: {  	(drf) =	srem.u32 s26, s2;
	s26 =	spop (drf)  }
0xe2: {  	[smem:$0x7E0] =	sst s26  }
0xe3: {  	s26 =	sld [smem:$0x7AA];
	_ =	sdelay $0x2  }
0xe4: {  	(drf) =	srem.u32 s26, s4;
	s26 =	spop (v2sf)  }
0xe5: {  	[smem:$0x7ED] =	sst s26  }
0xe6: {  	s26 =	sld [smem:$0x7AB];
	_ =	sdelay $0x2  }
0xe7: {  	(drf) =	srem.u32 s26, s6;
	s26 =	spop (drf)  }
0xe8: {  	[smem:$0x7E3] =	sst s26  }
0xe9: {  	s26 =	sld [smem:$0x7AC];
	_ =	sdelay $0x2  }
0xea: {  	(drf) =	srem.u32 s26, s8;
	s26 =	spop (drf)  }
0xeb: {  	[smem:$0x7E7] =	sst s26  }
0xec: {  	s26 =	sld [smem:$0x7AD];
	_ =	sdelay $0x2  }
0xed: {  	(v2sf) =	vpush v1, $0x9;
	(drf) =	srem.u32 s26, s3;
	s26 =	spop (drf)  }
0xee: {  	[smem:$0x7EB] =	sst s26  }
0xef: {  	s26 =	sld [smem:$0x7AE];
	_ =	sdelay $0x2  }
0xf0: {  	(drf) =	srem.u32 s26, s5;
	s26 =	spop (drf)  }
0xf1: {  	[smem:$0x7EE] =	sst s26  }
0xf2: {  	s26 =	sld [smem:$0x7AF];
	_ =	sdelay $0x2  }
0xf3: {  	(drf) =	srem.u32 s26, s7;
	s26 =	spop (drf)  }
0xf4: {  	[smem:$0x7E4] =	sst s26  }
0xf5: {  	s26 =	sld [smem:$0x7B0];
	_ =	sdelay $0x1  }
0xf6: {  	s14 =	smov.u32 s15;
	s15 =	sld [smem:$0x7B1]  }
0xf7: {  	(drf) =	srem.u32 s26, s9;
	s26 =	spop (v2sf)  }
0xf8: {  	[smem:$0x7F0] =	sst s26;
	s26 =	spop (drf)  }
0xf9: {  	(drf) =	srem.u32 s15, s11;
	s15 =	spop (drf)  }
0xfa: {  	[smem:$0x7E8] =	sst s15  }
0xfb: {  	s15 =	sld [smem:$0x7B2];
	_ =	sdelay $0x2  }
0xfc: {  	(drf) =	srem.u32 s15, s10;
	s15 =	spop (drf)  }
0xfd: {  	[smem:$0x7EC] =	sst s15  }
0xfe: {  	s15 =	sld [smem:$0x7B3];
	_ =	sdelay $0x2  }
0xff: {  	(drf) =	srem.u32 s15, s12;
	s15 =	spop (drf)  }
0x100: {  	[smem:$0x7EF] =	sst s15  }
0x101: {  	s15 =	sld [smem:$0x7B4];
	_ =	sdelay $0x2  }
0x102: {  	(drf) =	srem.u32 s15, s14;
	s15 =	spop (drf)  }
0x103: {  	[smem:$0x7F1] =	sst s15  }
0x104: {  	s15 =	sld [smem:$0x7B5];
	_ =	sdelay $0x2  }
0x105: {  	(drf) =	srem.u32 s15, s16;
	s15 =	smov.u32 s16;
	s16 =	spop (drf)  }
0x106: {  	(v2sf) =	vpush v1, $0xA;
	[smem:$0x7F3] =	sst s16;
	s16 =	spop (drf)  }
0x107: {  	[smem:$0x7F5] =	sst s16  }
0x108: {  	s16 =	sld [smem:$0x7B6];
	_ =	sdelay $0x2  }
0x109: {  	(drf) =	srem.u32 s16, s13;
	s16 =	spop (drf)  }
0x10a: {  	[smem:$0x7F6] =	sst s16  }
0x10b: {  	s16 =	sld [smem:$0x7B7];
	_ =	sdelay $0x2  }
0x10c: {  	(drf) =	srem.u32 s16, s0;
	s16 =	spop (drf)  }
0x10d: {  	[smem:$0x7F7] =	sst s16  }
0x10e: {  	s16 =	sld [smem:$0x7B8];
	_ =	sdelay $0x2  }
0x10f: {  	(drf) =	srem.u32 s16, s1;
	s16 =	spop (v2sf)  }
0x110: {  	[smem:$0x7F2] =	sst s16  }
0x111: {  	s16 =	sld [smem:$0x7B9];
	_ =	sdelay $0x2  }
0x112: {  	(drf) =	srem.u32 s16, s2;
	s16 =	spop (drf)  }
0x113: {  	[smem:$0x7F8] =	sst s16  }
0x114: {  	s16 =	sld [smem:$0x7BA];
	_ =	sdelay $0x2  }
0x115: {  	(drf) =	srem.u32 s16, s4;
	s16 =	spop (drf)  }
0x116: {  	[smem:$0x7F9] =	sst s16  }
0x117: {  	s16 =	sld [smem:$0x7BB];
	_ =	sdelay $0x2  }
0x118: {  	(drf) =	srem.u32 s16, s6;
	s16 =	spop (drf)  }
0x119: {  	[smem:$0x7FA] =	sst s16  }
0x11a: {  	s16 =	sld [smem:$0x7BC];
	_ =	sdelay $0x2  }
0x11b: {  	(v2sf) =	vpush v1, $0xB;
	(drf) =	srem.u32 s16, s8;
	s16 =	spop (drf)  }
0x11c: {  	[smem:$0x7FB] =	sst s16  }
0x11d: {  	s16 =	sld [smem:$0x7BD];
	_ =	sdelay $0x2  }
0x11e: {  	(drf) =	srem.u32 s16, s3;
	s16 =	spop (drf)  }
0x11f: {  	v4 =	vmov s18;
	[smem:$0x7FC] =	sst s16  }
0x120: {  	v4 =	vsel vm14, s22, v4;
	s16 =	sld [smem:$0x7BE]  }
0x121: {  	s18 =	sld [smem:$0x7C9];
	v4 =	vsel vm13, s29, v4  }
0x122: {  	s29 =	sld [smem:$0x7CC];
	v4 =	vsel vm12, s17, v4  }
0x123: {  	v4 =	vsel vm11, s20, v4;
	s20 =	rddreg [dreg:$0xf];
	v2 =	vmov s16  }
0x124: {  	s16 =	sld [smem:$0x7BF];
	v2 =	vsel vm14, s19, v2;
	s19 =	spop (drf)  }
0x125: {  	[smem:$0x7FD] =	sst s19  }
0x126: {  	v2 =	vsel vm13, s23, v2;
	s23 =	sld [smem:$0x7C0]  }
0x127: {  	s19 =	sld [smem:$0x7C1]  }
0x128: {  	(drf) =	srem.u32 s16, s5;
	s16 =	spop (v2sf)  }
0x129: {  	[smem:$0x7F4] =	sst s16  }
0x12a: {  	v2 =	vsel vm12, s19, v2;
	s19 =	sld [smem:$0x7C2]  }
0x12b: {  	(drf) =	srem.u32 s23, s7;
	v2 =	vsel vm11, s28, v2;
	s28 =	sld [smem:$0x7C3]  }
0x12c: {  	s23 =	spop (drf);
	v2 =	vsel vm10, s25, v2;
	s25 =	sld [smem:$0x7C6]  }
0x12d: {  	s16 =	spop (drf);
	(drf) =	srem.u32 s19, s9  }
0x12e: {  	(drf) =	srem.u32 s28, s11;
	s28 =	sld [smem:$0x7C4]  }
0x12f: {  	v2 =	vsel vm9, s25, v2;
	s25 =	sld [smem:$0x7C7]  }
0x130: {  	(v2sf) =	vpush v1, $0xC;
	v2 =	vsel vm8, s18, v2;
	s18 =	sld [smem:$0x7CA]  }
0x131: {  	v3 =	vmov s28;
	s28 =	sld [smem:$0x7C5]  }
0x132: {  	v2 =	vsel vm7, s31, v2;
	s31 =	sld [smem:$0x7CB]  }
0x133: {  	v3 =	vsel vm14, s25, v3;
	s25 =	sld [smem:$0x7C8]  }
0x134: {  	v2 =	vsel vm6, s29, v2;
	s29 =	sld [smem:$0x7CD]  }
0x135: {  	s19 =	spop (drf);
	v3 =	vsel vm13, s18, v3;
	s18 =	sld [smem:$0x7CE]  }
0x136: {  	(drf) =	srem.u32 s28, s10;
	s28 =	spop (drf)  }
0x137: {  	v3 =	vsel vm12, s31, v3;
	s31 =	rddreg [dreg:$0x1b];
	(drf) =	srem.u32 s25, s12  }
0x138: {  	s25 =	spop (drf);
	v3 =	vsel vm11, s29, v3;
	s29 =	rddreg [dreg:$0x16]  }
0x139: {  	s22 =	spop (drf);
	v2 =	vsel vm5, s18, v2;
	s18 =	sld [smem:$0x7CF]  }
0x13a: {  	(drf) =	srem.u32 s31, s14;
	s31 =	spop (drf)  }
0x13b: {  	(drf) =	srem.u32 s29, s15;
	s29 =	spop (drf)  }
0x13c: {  	(drf) =	srem.u32 s20, s13;
	v3 =	vsel vm10, s18, v3;
	s18 =	rddreg [dreg:$0x10]  }
0x13d: {  	(drf) =	srem.u32 s18, s0;
	s18 =	sld [smem:$0x7D0]  }
0x13e: {  	_ = 	snop  }
0x13f: {  	s17 =	sld [smem:$0x7D1];
	s20 =	spop (v2sf)  }
0x140: {  	v4 =	vsel vm10, s21, v4;
	s21 =	rddreg [dreg:$0xa];
	v3 =	vsel vm9, s18, v3;
	s18 =	spop (drf)  }
0x141: {  	(v2sf) =	vpush v1, $0xD;
	(drf) =	srem.u32 s21, s1;
	s21 =	sld [smem:$0x7D2]  }
0x142: {  	(v2sf) =	vpush v1, $0xE;
	v1 =	vsel vm4, s17, v2;
	s1 =	rddreg [dreg:$0x4];
	s17 =	spop (drf)  }
0x143: {  	(drf) =	srem.u32 s1, s2;
	s1 =	sld [smem:$0x7D5]  }
0x144: {  	v2 =	vsel vm8, s21, v3;
	s21 =	sld [smem:$0x7D3]  }
0x145: {  	v3 =	vsel vm9, s24, v4;
	s24 =	sld [smem:$0x7D4]  }
0x146: {  	v4 =	vmov s26;
	s26 =	sld [smem:$0x7E4]  }
0x147: {  	s2 =	spop (drf);
	v3 =	vsel vm8, s30, v3;
	s30 =	rddreg [dreg:$0x5]  }
0x148: {  	(drf) =	srem.u32 s30, s4;
	s4 =	sld [smem:$0x7D6]  }
0x149: {  	s30 =	sld [smem:$0x7D8]  }
0x14a: {  	v1 =	vsel vm1, s21, v1;
	s21 =	sld [smem:$0x7D7]  }
0x14b: {  	v2 =	vsel vm7, s24, v2;
	s24 =	rddreg [dreg:$0x13]  }
0x14c: {  	v4 =	vsel vm14, s26, v4;
	s26 =	sld [smem:$0x7E9]  }
0x14d: {  	v1 =	vsel vm2, s1, v1;
	s1 =	sld [smem:$0x7D9];
	v2 =	vsel vm6, s4, v2;
	s4 =	spop (drf)  }
0x14e: {  	(drf) =	srem.u32 s24, s6;
	s6 =	sld [smem:$0x7DA]  }
0x14f: {  	s24 =	sld [smem:$0x7DC]  }
0x150: {  	v3 =	vsel vm7, s21, v3;
	s21 =	sld [smem:$0x7DB]  }
0x151: {  	v2 =	vsel vm5, s1, v2;
	s1 =	sld [smem:$0x7DD]  }
0x152: {  	v1 =	vsel vm3, s30, v1;
	s30 =	spop (drf);
	v3 =	vsel vm6, s6, v3;
	s6 =	sld [smem:$0x7DE]  }
0x153: {  	(drf) =	srem.u32 s21, s8;
	s8 =	sld [smem:$0x7DF]  }
0x154: {  	s21 =	sld [smem:$0x7E0]  }
0x155: {  	v2 =	vsel vm4, s1, v2;
	s1 =	sld [smem:$0x7E1]  }
0x156: {  	v3 =	vsel vm5, s6, v3;
	v2 =	vsel vm1, s8, v2;
	s8 =	sld [smem:$0x7E2]  }
0x157: {  	s6 =	spop (drf);
	v3 =	vsel vm4, s21, v3;
	s21 =	sld [smem:$0x7E3]  }
0x158: {  	(drf) =	srem.u32 s1, s3;
	s1 =	sld [smem:$0x7E5]  }
0x159: {  	s3 =	sld [smem:$0x7E6]  }
0x15a: {  	v2 =	vsel vm2, s8, v2;
	v3 =	vsel vm1, s21, v3;
	s21 =	spop (drf);
	s8 =	sld [smem:$0x7E8]  }
0x15b: {  	(drf) =	srem.u32 s1, s5;
	s5 =	sld [smem:$0x7E7]  }
0x15c: {  	s1 =	sld [smem:$0x7EA]  }
0x15d: {  	v2 =	vsel vm3, s3, v2;
	s3 =	sld [smem:$0x7EB]  }
0x15e: {  	v4 =	vsel vm13, s8, v4;
	s8 =	sld [smem:$0x7ED];
	v3 =	vsel vm2, s5, v3;
	s5 =	spop (drf)  }
0x15f: {  	(drf) =	srem.u32 s26, s7;
	s7 =	sld [smem:$0x7EC]  }
0x160: {  	v2 =	vsel vm15, s1, v2;
	s1 =	sld [smem:$0x7EE]  }
0x161: {  	v3 =	vsel vm3, s3, v3;
	s26 =	spop (drf);
	s3 =	sld [smem:$0x7EF]  }
0x162: {  	(drf) =	srem.u32 s8, s9;
	s8 =	sld [smem:$0x7F1]  }
0x163: {  	v1 =	vsel vm15, s24, v1;
	s24 =	spop (v2sf);
	v4 =	vsel vm12, s7, v4;
	s7 =	sld [smem:$0x7F0]  }
0x164: {  	v5 =	vsel vm15, s1, v3;
	s1 =	spop (drf);
	v3 =	vsel vm11, s3, v4;
	v4 =	vmov s16;
	s16 =	sld [smem:$0x7F3]  }
0x165: {  	s9 =	spop (drf);
	v4 =	vsel vm14, s23, v4;
	s23 =	sld [smem:$0x7F4]  }
0x166: {  	v6 =	vmov s1;
	(drf) =	srem.u32 s7, s11;
	s11 =	sld [smem:$0x7F2]  }
0x167: {  	v6 =	vsel vm14, s26, v6;
	s26 =	sld [smem:$0x7F5];
	v4 =	vsel vm13, s19, v4;
	s19 =	spop (drf)  }
0x168: {  	v3 =	vsel vm10, s8, v3;
	v6 =	vsel vm13, s9, v6;
	s7 =	sld [smem:$0x7F6];
	s9 =	spop (v2sf)  }
0x169: {  	v3 =	vsel vm9, s16, v3;
	v4 =	vsel vm12, s28, v4;
	s28 =	spop (drf);
	(drf) =	srem.u32 s11, s10  }
0x16a: {  	v3 =	vsel vm8, s26, v3;
	s8 =	spop (drf);
	(drf) =	srem.u32 s23, s12  }
0x16b: {  	v7 =	vsel vm7, s7, v3;
	v3 =	vsel vm11, s25, v4;
	v4 =	vsel vm12, s19, v6;
	s10 =	spop (drf);
	(drf) =	srem.u32 s20, s14  }
0x16c: {  	v2 =	vadd.s32 v0, v2;
	v6 =	vsel vm10, s22, v3;
	v4 =	vsel vm11, s28, v4;
	s12 =	sld [smem:$0x7F7];
	(drf) =	srem.u32 s24, s15  }
0x16d: {  	v3 =	vadd.s32 v0, v1;
	v4 =	vsel vm10, s8, v4;
	v6 =	vsel vm9, s31, v6;
	s14 =	sld [smem:$0x7F8];
	(drf) =	srem.u32 s9, s13  }
0x16e: {  	v1 =	vadd.s32 v0, v5;
	s11 =	spop (drf);
	v4 =	vsel vm9, s10, v4;
	v6 =	vsel vm8, s29, v6  }
0x16f: {  	s16 =	sld [smem:$0x7F9];
	s29 =	simm.s32 $0x0;
	v5 =	vsel vm6, s12, v7;
	s13 =	spop (drf);
	v4 =	vsel vm8, s11, v4;
	v6 =	vsel vm7, s18, v6  }
0x170: {  	s19 =	sld [smem:$0x7FA];
	v7 =	vmov s29;
	v5 =	vsel vm5, s14, v5;
	s15 =	spop (drf);
	v4 =	vsel vm7, s13, v4  }
0x171: {  	s22 =	sld [smem:$0x7FB];
	v6 =	vsel vm6, s17, v6;
	v7 =	vand.u32 $0xF, v7;
	s18 =	spop (drf);
	v4 =	vsel vm6, s15, v4  }
0x172: {  	s24 =	sld [smem:$0x7FC];
	v5 =	vsel vm4, s16, v5;
	v6 =	vsel vm5, s2, v6;
	v4 =	vsel vm5, s18, v4;
	s20 =	spop (drf)  }
0x173: {  	s26 =	sld [smem:$0x7FD];
	v5 =	vsel vm1, s19, v5;
	v6 =	vsel vm4, s4, v6;
	s23 =	spop (drf);
	v4 =	vsel vm4, s20, v4  }
0x174: {  	v5 =	vsel vm2, s22, v5;
	v6 =	vsel vm1, s30, v6;
	s25 =	spop (drf);
	v4 =	vsel vm1, s23, v4  }
0x175: {  	v5 =	vsel vm3, s24, v5;
	v6 =	vsel vm2, s6, v6;
	s28 =	spop (drf);
	v4 =	vsel vm2, s25, v4  }
0x176: {  	v5 =	vsel vm15, s26, v5;
	v6 =	vsel vm3, s21, v6;
	v4 =	vsel vm3, s28, v4;
	s30 =	spop (drf)  }
0x177: {  	v8 =	vsel vm15, s5, v6;
	v6 =	vbroadcast v7, $0x0;
	v9 =	vsel vm15, s30, v4  }
0x178: {  	v15 =	vmov v2;
	v5 =	vadd.s32 v0, v5  }
0x179: {  	s0 =	simm.s32 $0x1;
	s31 =	rddreg [dreg:$0x2];
	v11 =	vmovc v1;
	v10 =	vperm.xlane v3, v6;
	v4 =	vadd.s32 v0, v8;
	v0 =	vadd.s32 v0, v9  }
0x17a: {  	s3 =	sadd.s32 $0xC00, s31;
	s2 =	sadd.s32 $0x1800, s31;
	s4 =	stileid.u32;
	v7 =	vmovc v3;
	v12 =	vmovc v5;
	v8 =	vperm.xlane v2, v6;
	v14 =	vmov v4;
	v9 =	vmov v0  }
.LBB2_1:
0x17b: {  	v13 =	vmov s0;
	p0 =	sne.s32 s0, $0xF;
	s0 =	sadd.s32 $0x1, s0;
	vm0 =	veq.s32 v3, v10;
	vm1 =	veq.s32 v0, v10  }
.Ltmp0:
0x17c: {  	vm2 =	veq.s32 v2, v10;
	v13 =	vand.u32 $0xF, v13;
	v9 =	vsel vm1, v8, v9;
	(pc) =	sbr.rel @p0 .LBB2_1-.Ltmp0, $4  }
0x17d: {  	vm3 =	veq.s32 v5, v10;
	vm1 =	veq.s32 v1, v10;
	v13 =	vbroadcast v13, $0x0  }
0x17e: {  	v7 =	vsel vm0, v8, v7;
	v15 =	vsel vm2, v8, v15;
	vm0 =	veq.s32 v4, v10  }
0x17f: {  	v12 =	vsel vm3, v8, v12;
	v11 =	vsel vm1, v8, v11;
	v10 =	vperm.xlane v3, v13  }
0x180: {  	v14 =	vsel vm0, v8, v14;
	v8 =	vperm.xlane v2, v13  }
0x181: {  	vm0 =	veq.s32 v3, v10;
	vm1 =	veq.s32 v0, v10  }
0x182: {  	vm2 =	veq.s32 v2, v10;
	vm14 =	veq.s32 v1, v10;
	vm3 =	veq.s32 v5, v10  }
0x183: {  	vm15 =	veq.s32 v4, v10;
	v9 =	vsel vm1, v8, v9;
	v13 =	vsel vm0, v8, v7  }
0x184: {  	v7 =	vsel vm2, v8, v15;
	v10 =	vsel vm14, v8, v11;
	v15 =	vperm.xlane v2, v6  }
0x185: {  	s0 =	simm.s32 $0x1;
	v11 =	vsel vm3, v8, v12;
	v12 =	vsel vm15, v8, v14;
	v14 =	vperm.xlane v3, v6  }
.LBB2_3:
0x186: {  	v6 =	vmov s0;
	p0 =	sne.s32 s0, $0xF;
	s0 =	sadd.s32 $0x1, s0;
	vm0 =	veq.s32 v3, v15;
	vm1 =	veq.s32 v0, v15  }
.Ltmp1:
0x187: {  	vm2 =	veq.s32 v2, v15;
	v6 =	vand.u32 $0xF, v6;
	v9 =	vsel vm1, v14, v9;
	(pc) =	sbr.rel @p0 .LBB2_3-.Ltmp1, $4  }
0x188: {  	vm3 =	veq.s32 v5, v15;
	vm1 =	veq.s32 v1, v15;
	v6 =	vbroadcast v6, $0x0  }
0x189: {  	v13 =	vsel vm0, v14, v13;
	v7 =	vsel vm2, v14, v7;
	vm0 =	veq.s32 v4, v15  }
0x18a: {  	v11 =	vsel vm3, v14, v11;
	v10 =	vsel vm1, v14, v10;
	v15 =	vperm.xlane v2, v6  }
0x18b: {  	v12 =	vsel vm0, v14, v12;
	v14 =	vperm.xlane v3, v6  }
0x18c: {  	s0 =	simm.s32 $0x0  }
0x18d: {  	vm0 =	veq.s32 v3, v15;
	vm1 =	veq.s32 v0, v15;
	v6 =	vmov s0  }
0x18e: {  	vm2 =	veq.s32 v2, v15;
	vm13 =	veq.s32 v1, v15;
	v6 =	vand.u32 $0xF, v6  }
0x18f: {  	v8 =	vsel vm1, v14, v9;
	v9 =	vsel vm0, v14, v13;
	v13 =	vbroadcast v6, $0x0  }
0x190: {  	vm14 =	veq.s32 v5, v15;
	vm15 =	veq.s32 v4, v15;
	v7 =	vsel vm2, v14, v7  }
0x191: {  	v15 =	vsel vm14, v14, v11;
	v6 =	vsel vm13, v14, v10;
	v11 =	vperm.xlane v1, v13  }
0x192: {  	s0 =	simm.s32 $0x1;
	v10 =	vsel vm15, v14, v12;
	v14 =	vmovc v15;
	v12 =	vmov v6;
	v13 =	vperm.xlane v15, v13  }
.LBB2_5:
0x193: {  	v16 =	vmov s0;
	p0 =	sne.s32 s0, $0xF;
	s0 =	sadd.s32 $0x1, s0;
	vm0 =	veq.s32 v3, v11;
	vm1 =	veq.s32 v0, v11  }
.Ltmp2:
0x194: {  	vm2 =	veq.s32 v2, v11;
	v16 =	vand.u32 $0xF, v16;
	v8 =	vsel vm1, v13, v8;
	(pc) =	sbr.rel @p0 .LBB2_5-.Ltmp2, $4  }
0x195: {  	vm3 =	veq.s32 v5, v11;
	vm1 =	veq.s32 v1, v11;
	v16 =	vbroadcast v16, $0x0  }
0x196: {  	v9 =	vsel vm0, v13, v9;
	v7 =	vsel vm2, v13, v7;
	vm0 =	veq.s32 v4, v11  }
0x197: {  	v14 =	vsel vm3, v13, v14;
	v12 =	vsel vm1, v13, v12;
	v11 =	vperm.xlane v1, v16  }
0x198: {  	v10 =	vsel vm0, v13, v10;
	v13 =	vperm.xlane v15, v16  }
0x199: {  	vm0 =	veq.s32 v3, v11;
	s0 =	simm.s32 $0x0  }
0x19a: {  	vm1 =	veq.s32 v0, v11;
	vm2 =	veq.s32 v2, v11;
	v15 =	vmov s0  }
0x19b: {  	vm14 =	veq.s32 v1, v11;
	vm15 =	veq.s32 v5, v11;
	v15 =	vand.u32 $0xF, v15  }
0x19c: {  	vm3 =	veq.s32 v4, v11;
	v8 =	vsel vm1, v13, v8;
	v15 =	vbroadcast v15, $0x0  }
0x19d: {  	v9 =	vsel vm0, v13, v9;
	v11 =	vsel vm2, v13, v7;
	v12 =	vsel vm14, v13, v12  }
0x19e: {  	v7 =	vsel vm15, v13, v14;
	v13 =	vsel vm3, v13, v10;
	v10 =	vperm.xlane v5, v15  }
0x19f: {  	s0 =	simm.s32 $0x1;
	v15 =	vperm.xlane v6, v15  }
.LBB2_7:
0x1a0: {  	v14 =	vmov s0;
	p0 =	sne.s32 s0, $0xF;
	s0 =	sadd.s32 $0x1, s0;
	vm0 =	veq.s32 v3, v10;
	vm1 =	veq.s32 v0, v10  }
.Ltmp3:
0x1a1: {  	vm2 =	veq.s32 v2, v10;
	v14 =	vand.u32 $0xF, v14;
	v8 =	vsel vm1, v15, v8;
	(pc) =	sbr.rel @p0 .LBB2_7-.Ltmp3, $4  }
0x1a2: {  	vm3 =	veq.s32 v5, v10;
	vm1 =	veq.s32 v1, v10;
	v14 =	vbroadcast v14, $0x0  }
0x1a3: {  	v9 =	vsel vm0, v15, v9;
	v11 =	vsel vm2, v15, v11;
	vm0 =	veq.s32 v4, v10  }
0x1a4: {  	v7 =	vsel vm3, v15, v7;
	v12 =	vsel vm1, v15, v12;
	v10 =	vperm.xlane v5, v14  }
0x1a5: {  	v13 =	vsel vm0, v15, v13;
	v15 =	vperm.xlane v6, v14  }
0x1a6: {  	s0 =	simm.s32 $0x0  }
0x1a7: {  	vm0 =	veq.s32 v3, v10;
	vm1 =	veq.s32 v0, v10;
	v6 =	vmov s0  }
0x1a8: {  	vm2 =	veq.s32 v2, v10;
	vm14 =	veq.s32 v1, v10;
	v6 =	vand.u32 $0xF, v6  }
0x1a9: {  	vm15 =	veq.s32 v5, v10;
	vm3 =	veq.s32 v4, v10;
	v17 =	vbroadcast v6, $0x0  }
0x1aa: {  	v14 =	vsel vm1, v15, v8;
	v8 =	vsel vm0, v15, v9;
	v9 =	vsel vm2, v15, v11  }
0x1ab: {  	v10 =	vsel vm14, v15, v12;
	v6 =	vsel vm3, v15, v13;
	v16 =	vperm.xlane v4, v17  }
0x1ac: {  	v11 =	vsel vm15, v15, v7;
	s0 =	simm.s32 $0x1;
	v7 =	vmovc v14;
	v13 =	vmov v6;
	v12 =	vperm.xlane v14, v17  }
.LBB2_9:
0x1ad: {  	v15 =	vmov s0;
	p0 =	sne.s32 s0, $0xF;
	s0 =	sadd.s32 $0x1, s0;
	vm0 =	veq.s32 v3, v16;
	vm1 =	veq.s32 v0, v16  }
.Ltmp4:
0x1ae: {  	vm2 =	veq.s32 v2, v16;
	v15 =	vand.u32 $0xF, v15;
	v7 =	vsel vm1, v12, v7;
	(pc) =	sbr.rel @p0 .LBB2_9-.Ltmp4, $4  }
0x1af: {  	vm3 =	veq.s32 v5, v16;
	vm1 =	veq.s32 v1, v16;
	v15 =	vbroadcast v15, $0x0  }
0x1b0: {  	v8 =	vsel vm0, v12, v8;
	v9 =	vsel vm2, v12, v9;
	vm0 =	veq.s32 v4, v16  }
0x1b1: {  	v11 =	vsel vm3, v12, v11;
	v10 =	vsel vm1, v12, v10;
	v16 =	vperm.xlane v4, v15  }
0x1b2: {  	v13 =	vsel vm0, v12, v13;
	v12 =	vperm.xlane v14, v15  }
0x1b3: {  	s0 =	simm.s32 $0x0  }
0x1b4: {  	vm0 =	veq.s32 v3, v16;
	v14 =	vmov s0  }
0x1b5: {  	vm1 =	veq.s32 v0, v16;
	v15 =	vsel vm0, v12, v8;
	v8 =	vand.u32 $0xF, v14  }
0x1b6: {  	vm2 =	veq.s32 v2, v16;
	vm14 =	veq.s32 v1, v16;
	v8 =	vbroadcast v8, $0x0  }
0x1b7: {  	vm15 =	veq.s32 v5, v16;
	vm3 =	veq.s32 v4, v16;
	v7 =	vsel vm1, v12, v7  }
0x1b8: {  	v16 =	vsel vm2, v12, v9;
	v14 =	vsel vm14, v12, v10;
	v10 =	vperm.xlane v0, v8  }
0x1b9: {  	v11 =	vsel vm15, v12, v11;
	v9 =	vsel vm3, v12, v13;
	s0 =	simm.s32 $0x1;
	v8 =	vperm.xlane v6, v8  }
.LBB2_11:
0x1ba: {  	v12 =	vmov s0;
	p0 =	sne.s32 s0, $0xF;
	s0 =	sadd.s32 $0x1, s0;
	vm0 =	veq.s32 v3, v10;
	vm1 =	veq.s32 v0, v10  }
.Ltmp5:
0x1bb: {  	vm2 =	veq.s32 v2, v10;
	v12 =	vand.u32 $0xF, v12;
	v7 =	vsel vm1, v8, v7;
	(pc) =	sbr.rel @p0 .LBB2_11-.Ltmp5, $4  }
0x1bc: {  	vm3 =	veq.s32 v5, v10;
	vm1 =	veq.s32 v1, v10;
	v12 =	vbroadcast v12, $0x0  }
0x1bd: {  	v15 =	vsel vm0, v8, v15;
	v16 =	vsel vm2, v8, v16;
	vm0 =	veq.s32 v4, v10  }
0x1be: {  	v11 =	vsel vm3, v8, v11;
	v14 =	vsel vm1, v8, v14;
	v10 =	vperm.xlane v0, v12  }
0x1bf: {  	v9 =	vsel vm0, v8, v9;
	v8 =	vperm.xlane v6, v12  }
0x1c0: {  	[tilespmem:$0x100] =	vst v3  }
0x1c1: {  	[tilespmem:$0x110] =	vst v2  }
0x1c2: {  	[tilespmem:$0x120] =	vst v1  }
0x1c3: {  	[tilespmem:$0x130] =	vst v5  }
0x1c4: {  	vm0 =	veq.s32 v3, v10;
	[tilespmem:$0x140] =	vst v4  }
0x1c5: {  	vm11 =	veq.s32 v2, v10;
	[tilespmem:$0x150] =	vst v0;
	v6 =	vsel vm0, v8, v15  }
0x1c6: {  	vm12 =	veq.s32 v1, v10;
	v59 =	vsel vm11, v8, v16;
	[tilespmem:$0x80] =	vst v6  }
0x1c7: {  	vm13 =	veq.s32 v5, v10;
	v60 =	vsel vm12, v8, v14;
	[tilespmem:$0x90] =	vst v59  }
0x1c8: {  	vm14 =	veq.s32 v4, v10;
	v61 =	vsel vm13, v8, v11;
	[tilespmem:$0xA0] =	vst v60  }
0x1c9: {  	vm15 =	veq.s32 v0, v10;
	v62 =	vsel vm14, v8, v9;
	[tilespmem:$0xB0] =	vst v61  }
0x1ca: {  	v63 =	vsel vm15, v8, v7;
	[tilespmem:$0xC0] =	vst v62  }
0x1cb: {  	p0 =	sne.s32 s4, $0x0;
	[tilespmem:$0xD0] =	vst v63  }
0x1cc: {  	_ =	sfence.sel @p0 $0x180000  }
0x1cd: {  	[bflag:$0x0] =	sbarrier.arrive @p0 $0xFFFF  }
0x1ce: {  	_ =	strace @p0 $0x90000047  }
0x1cf: {  	[bflag:$0x2] =	sbarrier.arrive @p0 $0xFFFF  }
0x1d0: {  	_ =	shalt @p0  }
.LBB2_13:
0x1d1: {  	v0 =	vld [tilespmem:$0x80];
	_ =	sdelay $0x4  }
0x1d2: {  	v1 =	vshll.u32 v0, $0x1  }
0x1d3: {  	v2 =	vlaneseq.u32;
	v0 =	vand.u32 $0x7, v0;
	v1 =	vand.u32 $0xFFFFFFF0, v1  }
0x1d4: {  	v58 =	vand.u32 $0x7, v2;
	v3 =	vshrl.u32 v2, $0x3;
	v0 =	vor.u32 v0, v1  }
0x1d5: {  	v3 =	vmul.u32 $0x8, v3;
	v4 =	vperm.xlane v0, v58  }
0x1d6: {  	v2 =	vor.u32 $0x8, v2  }
0x1d7: {  	v0 =	vperm.xlane v0, v2;
	v4 =	vadd.s32 v3, v4;
	_ =	sdelay $0x1  }
0x1d8: {  	v0 =	vadd.s32 v3, v0;
	_ =	sdelay $0x1  }
0x1d9: {  	vm0 =	vmmov $0xffff;
	s0 =	simm.s32 $0x0;
	s1 =	simm.s32 $0x180;
	s5 =	rddreg [dreg:$0x1]  }
0x1da: {  	[tilespmem:s1], [sflag:$0x1] =	stream.indirect_vreg.gather [hbm4b:s5+s0], $0x80, v4, vm0, $0xb8;
	[tilespmem:$0x6180] =	vst v63  }
0x1db: {  	s4 =	simm.s32 $0x980  }
0x1dc: {  	[tilespmem:s4], [sflag:$0x1] =	stream.indirect_vreg.gather [hbm4b:s5+s0], $0x80, v0, vm0, $0xb8;
	[tilespmem:$0x6180] =	vst v63  }
0x1dd: {  	v0 =	vld [tilespmem:$0x90];
	_ =	sdelay $0x4  }
0x1de: {  	v59 =	vshll.u32 v0, $0x1  }
0x1df: {  	v0 =	vand.u32 $0x7, v0;
	v4 =	vand.u32 $0xFFFFFFF0, v59  }
0x1e0: {  	v0 =	vor.u32 v0, v4  }
0x1e1: {  	v4 =	vperm.xlane v0, v58;
	_ =	sdelay $0x1  }
0x1e2: {  	v0 =	vperm.xlane v0, v2;
	v4 =	vadd.s32 v3, v4;
	_ =	sdelay $0x1  }
0x1e3: {  	v0 =	vadd.s32 v3, v0;
	_ =	sdelay $0x1  }
0x1e4: {  	s17 =	simm.s32 $0x1180  }
0x1e5: {  	[tilespmem:s17], [sflag:$0x1] =	stream.indirect_vreg.gather [hbm4b:s5+s0], $0x80, v4, vm0, $0xb8;
	[tilespmem:$0x6180] =	vst v63  }
0x1e6: {  	s18 =	simm.s32 $0x1980  }
0x1e7: {  	[tilespmem:s18], [sflag:$0x1] =	stream.indirect_vreg.gather [hbm4b:s5+s0], $0x80, v0, vm0, $0xb8;
	[tilespmem:$0x6180] =	vst v63  }
0x1e8: {  	v0 =	vld [tilespmem:$0xA0];
	_ =	sdelay $0x4  }
0x1e9: {  	v60 =	vshll.u32 v0, $0x1  }
0x1ea: {  	v0 =	vand.u32 $0x7, v0;
	v4 =	vand.u32 $0xFFFFFFF0, v60  }
0x1eb: {  	v0 =	vor.u32 v0, v4  }
0x1ec: {  	v4 =	vperm.xlane v0, v58;
	_ =	sdelay $0x1  }
0x1ed: {  	v0 =	vperm.xlane v0, v2;
	v4 =	vadd.s32 v3, v4;
	_ =	sdelay $0x1  }
0x1ee: {  	v0 =	vadd.s32 v3, v0;
	_ =	sdelay $0x1  }
0x1ef: {  	s19 =	simm.s32 $0x2180  }
0x1f0: {  	[tilespmem:s19], [sflag:$0x1] =	stream.indirect_vreg.gather [hbm4b:s5+s0], $0x80, v4, vm0, $0xb8;
	[tilespmem:$0x6180] =	vst v63  }
0x1f1: {  	s20 =	simm.s32 $0x2980  }
0x1f2: {  	[tilespmem:s20], [sflag:$0x1] =	stream.indirect_vreg.gather [hbm4b:s5+s0], $0x80, v0, vm0, $0xb8;
	[tilespmem:$0x6180] =	vst v63  }
0x1f3: {  	v0 =	vld [tilespmem:$0xB0];
	_ =	sdelay $0x4  }
0x1f4: {  	v61 =	vshll.u32 v0, $0x1  }
0x1f5: {  	v0 =	vand.u32 $0x7, v0;
	v4 =	vand.u32 $0xFFFFFFF0, v61  }
0x1f6: {  	v0 =	vor.u32 v0, v4  }
0x1f7: {  	v4 =	vperm.xlane v0, v58;
	_ =	sdelay $0x1  }
0x1f8: {  	v0 =	vperm.xlane v0, v2;
	v4 =	vadd.s32 v3, v4;
	_ =	sdelay $0x1  }
0x1f9: {  	v0 =	vadd.s32 v3, v0;
	_ =	sdelay $0x1  }
0x1fa: {  	s21 =	simm.s32 $0x3180  }
0x1fb: {  	[tilespmem:s21], [sflag:$0x1] =	stream.indirect_vreg.gather [hbm4b:s5+s0], $0x80, v4, vm0, $0xb8;
	[tilespmem:$0x6180] =	vst v63  }
0x1fc: {  	s22 =	simm.s32 $0x3980  }
0x1fd: {  	[tilespmem:s22], [sflag:$0x1] =	stream.indirect_vreg.gather [hbm4b:s5+s0], $0x80, v0, vm0, $0xb8;
	[tilespmem:$0x6180] =	vst v63  }
0x1fe: {  	v0 =	vld [tilespmem:$0xC0];
	_ =	sdelay $0x4  }
0x1ff: {  	v62 =	vshll.u32 v0, $0x1  }
0x200: {  	v0 =	vand.u32 $0x7, v0;
	v4 =	vand.u32 $0xFFFFFFF0, v62  }
0x201: {  	v0 =	vor.u32 v0, v4  }
0x202: {  	v4 =	vperm.xlane v0, v58;
	_ =	sdelay $0x1  }
0x203: {  	v0 =	vperm.xlane v0, v2;
	v4 =	vadd.s32 v3, v4;
	_ =	sdelay $0x1  }
0x204: {  	v0 =	vadd.s32 v3, v0;
	_ =	sdelay $0x1  }
0x205: {  	s23 =	simm.s32 $0x4180  }
0x206: {  	[tilespmem:s23], [sflag:$0x1] =	stream.indirect_vreg.gather [hbm4b:s5+s0], $0x80, v4, vm0, $0xb8;
	[tilespmem:$0x6180] =	vst v63  }
0x207: {  	s24 =	simm.s32 $0x4980  }
0x208: {  	[tilespmem:s24], [sflag:$0x1] =	stream.indirect_vreg.gather [hbm4b:s5+s0], $0x80, v0, vm0, $0xb8;
	[tilespmem:$0x6180] =	vst v63  }
0x209: {  	v0 =	vld [tilespmem:$0xD0];
	_ =	sdelay $0x4  }
0x20a: {  	v63 =	vshll.u32 v0, $0x1  }
0x20b: {  	v0 =	vand.u32 $0x7, v0;
	v4 =	vand.u32 $0xFFFFFFF0, v63  }
0x20c: {  	v0 =	vor.u32 v0, v4  }
0x20d: {  	v1 =	vperm.xlane v0, v58;
	_ =	sdelay $0x1  }
0x20e: {  	v0 =	vperm.xlane v0, v2;
	v1 =	vadd.s32 v3, v1;
	_ =	sdelay $0x1  }
0x20f: {  	v0 =	vadd.s32 v3, v0;
	_ =	sdelay $0x1  }
0x210: {  	s25 =	simm.s32 $0x5180  }
0x211: {  	[tilespmem:s25], [sflag:$0x1] =	stream.indirect_vreg.gather [hbm4b:s5+s0], $0x80, v1, vm0, $0xb8;
	[tilespmem:$0x6180] =	vst v63  }
0x212: {  	s26 =	simm.s32 $0x5980;
	s28 =	simm.s32 $0x1  }
0x213: {  	[tilespmem:s26], [sflag:$0x1] =	stream.indirect_vreg.gather [hbm4b:s5+s0], $0x80, v0, vm0, $0xb8;
	[tilespmem:$0x6180] =	vst v63  }
0x214: {  	_ =	swait.ge [sflag:s28], $0x6000  }
0x215: {  	[sflag:s28] =	ssyncset.done $0x0  }
0x216: {  	s29 =	simm.s32 $0x2;
	[sflag:s28] =	ssyncadd.s32 $0xFFFFA000  }
0x217: {  	[hbm4b:s3+s0] =	stream.linear.scatter [tilespmem:s1], [sflag:$0x2], $0x6000, $0x38;
	[tilespmem:$0x6180] =	vst v63  }
0x218: {  	_ =	swait.ge [sflag:s29], $0x6000  }
0x219: {  	[sflag:s29] =	ssyncset.done $0x0  }
0x21a: {  	s30 =	simm.s32 $0x100;
	[sflag:s29] =	ssyncadd.s32 $0xFFFFA000  }
0x21b: {  	[hbm4b:s2+s0] =	stream.linear.scatter [tilespmem:s30], [sflag:$0x2], $0x80, $0x38;
	[tilespmem:$0x6180] =	vst v63  }
0x21c: {  	_ =	swait.ge [sflag:s29], $0x80  }
0x21d: {  	[sflag:s29] =	ssyncset.done $0x0  }
0x21e: {  	[sflag:s29] =	ssyncadd.s32 $0xFFFFFF80  }
0x21f: {  	_ =	sfence.sel $0x180000  }
0x220: {  	[bflag:$0x0] =	sbarrier.arrive $0xFFFF  }
0x221: {  	_ =	strace $0x90000047  }
0x222: {  	[bflag:$0x2] =	sbarrier.arrive $0xFFFF  }
0x223: {  	s31 =	rddreg [dreg:$0x3]  }
0x224: {  	s0 =	sadd.s32 $0x100000, s31  }
0x225: {  	[sflag:s0] =	ssyncadd.tile.s32 $0x1;
	_ =	shalt  }
.Lfunc_end2:
_tile_overlayer_lowered:
.L_overlay_start_2:
0x226: {  	(tag) =	ssettag $0x2  }
0x227: {  	s0 =	rddreg [dreg:$0x0];
	s2 =	stileid.u32  }
0x228: {  	s1 =	rddreg [dreg:$0x1];
	p0 =	sne.s32 s2, $0x0  }
0x229: {  	s3 =	rddreg [dreg:$0x2];
	[bflag:$0x3] =	sbarrier.arrive $0xFFFF;
	s2 =	simm.s32 @!p0 $0x1C02  }
0x22a: {  	[timem:s3], [sflag:s2] =	dma.local @!p0 [hbm:s0], s1  }
0x22b: {  	s0 =	simm.s32 @!p0 $0x2  }
0x22c: {  	_ =	swait.ge @!p0 [sflag:s0], s1  }
0x22d: {  	s1 =	ssub.s32 @!p0 $0x0, s1;
	[sflag:s0] =	ssyncset.done @!p0 $0x0  }
0x22e: {  	[sflag:s0] =	ssyncadd.s32 @!p0 s1  }
0x22f: {  	[bflag:$0x3] =	sbarrier.arrive $0xFFFF  }
0x230: {  	_ =	shalt  }

</sc_bundles>
